<compile_context>
chip_gen: v7x
topology: tpu7x:2x2x1
jax: 0.10.2.dev20260603
libtpu: 0.0.44.dev20260713+nightly
codegen_flags: <defaults>
</compile_context>

<pallas_src>
import functools

import jax
import jax.numpy as jnp
from jax import lax
from jax.experimental import pallas as pl
from jax.experimental.pallas import tpu as pltpu
from jax.experimental.pallas import tpu_sc as plsc

N = 10000
H = 16
E = 320000
NC = 2
NS = 16
NW = NC * NS
LG = 128
GPW = 80
P = NW * GPW * LG
NPAD = 10240
PADR = NPAD - N
RPT = NPAD // NS

_sc_mesh = plsc.VectorSubcoreMesh(
    core_axis_name="c", subcore_axis_name="s", num_cores=NC, num_subcores=NS
)
_sc_params = pltpu.CompilerParams(
    use_tc_tiling_on_sc=False, needs_layout_passes=False)


_BCAST_DNUMS = lax.GatherDimensionNumbers(
    offset_dims=(), collapsed_slice_dims=(0,), start_index_map=(0,))


def _bcast16(v, k):
    idx = jnp.full((16, 1), k, jnp.int32)
    return lax.gather(v, idx, _BCAST_DNUMS, (1,),
                      mode=lax.GatherScatterMode.PROMISE_IN_BOUNDS)


def _rsqrt16(d):
    i = plsc.bitcast(d, jnp.int32)
    i = jnp.int32(0x5F3759DF) - lax.shift_right_logical(i, 1)
    y = plsc.bitcast(i, jnp.float32)
    for _ in range(3):
        y = y * (1.5 - 0.5 * d * y * y)
    return y


@functools.partial(
    pl.kernel,
    out_type=jax.ShapeDtypeStruct((NC, NPAD), jnp.float32),
    mesh=_sc_mesh,
    compiler_params=_sc_params,
    scratch_types=[
        pltpu.VMEM((GPW, LG), jnp.int32),
        pltpu.VMEM((LG,), jnp.float32),
        pltpu.VMEM_SHARED((NPAD,), jnp.float32),
    ],
)
def _sc_degree(dst_hbm, zeros_hbm, out_hbm, dst_v, ones_v, table):
    c = lax.axis_index("c")
    s = lax.axis_index("s")
    wid = s * NC + c

    @pl.when(s == 0)
    def _():
        pltpu.sync_copy(zeros_hbm, table)

    for k in range(LG // 16):
        ones_v[pl.ds(k * 16, 16)] = jnp.full((16,), 1.0, jnp.float32)
    pltpu.sync_copy(dst_hbm.at[pl.ds(wid * GPW, GPW)], dst_v)
    plsc.subcore_barrier()

    def body(j, carry):
        pltpu.sync_copy(ones_v, table.at[dst_v.at[j]], add=True)
        return carry

    lax.fori_loop(0, GPW, body, 0)
    plsc.subcore_barrier()

    @pl.when(s == 0)
    def _():
        pltpu.sync_copy(table, out_hbm.at[c])


@functools.partial(
    pl.kernel,
    out_type=[
        jax.ShapeDtypeStruct((NC, NPAD, H), jnp.float32),
        jax.ShapeDtypeStruct((NPAD, H), jnp.float32),
    ],
    mesh=_sc_mesh,
    compiler_params=_sc_params,
    scratch_types=[
        pltpu.VMEM((GPW, LG), jnp.int32),
        pltpu.VMEM((GPW, LG), jnp.int32),
        pltpu.VMEM((LG, H), jnp.float32),
        pltpu.VMEM((LG, H), jnp.float32),
        pltpu.VMEM((LG, H), jnp.float32),
        pltpu.VMEM((LG, H), jnp.float32),
        pltpu.VMEM((RPT, H), jnp.float32),
        pltpu.VMEM((RPT, H), jnp.float32),
        pltpu.VMEM((RPT,), jnp.float32),
        pltpu.VMEM((RPT,), jnp.float32),
        pltpu.VMEM_SHARED((NPAD, H), jnp.float32),
        pltpu.VMEM_SHARED((NPAD, H), jnp.float32),
        pltpu.SemaphoreType.DMA,
        pltpu.SemaphoreType.DMA,
        pltpu.SemaphoreType.DMA,
        pltpu.SemaphoreType.DMA,
    ],
)
def _sc_scale_agg(degp_hbm, h_hbm, src_hbm, dst_hbm, zeros_hbm,
                  parts_hbm, dinvb_hbm,
                  src_v, dst_v, rows0, rows1, rows2, rows3, hbuf, dbuf,
                  degv0, degv1, table, hptab, sem0, sem1, sem2, sem3):
    c = lax.axis_index("c")
    s = lax.axis_index("s")
    wid = s * NC + c
    r0 = s * RPT

    pltpu.sync_copy(src_hbm.at[pl.ds(wid * GPW, GPW)], src_v)
    pltpu.sync_copy(dst_hbm.at[pl.ds(wid * GPW, GPW)], dst_v)

    @pl.when(jnp.logical_and(s == 0, c != 0))
    def _():
        pltpu.sync_copy(zeros_hbm, table)

    pltpu.sync_copy(degp_hbm.at[0, pl.ds(r0, RPT)], degv0)
    pltpu.sync_copy(degp_hbm.at[1, pl.ds(r0, RPT)], degv1)
    pltpu.sync_copy(h_hbm.at[pl.ds(r0, RPT)], hbuf)

    iota16 = lax.broadcasted_iota(jnp.int32, (16,), 0)

    def blk(b, carry):
        base = b * 16
        d16 = degv0[pl.ds(base, 16)] + degv1[pl.ds(base, 16)] + 1.0
        y = _rsqrt16(d16)
        ridx = iota16 + base
        for k in range(H):
            kk = jnp.full((16,), k, jnp.int32)
            col = plsc.load_gather(hbuf, (ridx, kk))
            plsc.store_scatter(hbuf, (ridx, kk), col * y)
            plsc.store_scatter(dbuf, (ridx, kk), y)
        return carry

    lax.fori_loop(0, RPT // 16, blk, 0)

    pltpu.sync_copy(hbuf, hptab.at[pl.ds(r0, RPT)])

    @pl.when(c == 0)
    def _():
        pltpu.sync_copy(hbuf, table.at[pl.ds(r0, RPT)])
        pltpu.sync_copy(dbuf, dinvb_hbm.at[pl.ds(r0, RPT)])

    plsc.subcore_barrier()

    rows = (rows0, rows1, rows2, rows3)
    sems = (sem0, sem1, sem2, sem3)
    for b in range(4):
        pltpu.async_copy(hptab.at[src_v.at[b]], rows[b], sems[b])

    def outer(j0, carry):
        for b in range(4):
            g = j0 + b
            pltpu.make_async_copy(
                hptab.at[src_v.at[g]], rows[b], sems[b]).wait()
            pltpu.sync_copy(rows[b], table.at[dst_v.at[g]], add=True)

            @pl.when(g + 4 < GPW)
            def _():
                pltpu.async_copy(hptab.at[src_v.at[g + 4]], rows[b], sems[b])

        return carry

    lax.fori_loop(0, GPW // 4, lambda i, cr: outer(i * 4, cr), 0)
    plsc.subcore_barrier()

    @pl.when(s == 0)
    def _():
        pltpu.sync_copy(table, parts_hbm.at[c])


@functools.partial(
    pl.kernel,
    out_type=jax.ShapeDtypeStruct((NC, NPAD, H), jnp.float32),
    mesh=_sc_mesh,
    compiler_params=_sc_params,
    scratch_types=[
        pltpu.VMEM((GPW, LG), jnp.int32),
        pltpu.VMEM((GPW, LG), jnp.int32),
        pltpu.VMEM((LG, H), jnp.float32),
        pltpu.VMEM((LG, H), jnp.float32),
        pltpu.VMEM((LG, H), jnp.float32),
        pltpu.VMEM((LG, H), jnp.float32),
        pltpu.VMEM((RPT, H), jnp.float32),
        pltpu.VMEM((RPT, H), jnp.float32),
        pltpu.VMEM((RPT, H), jnp.float32),
        pltpu.VMEM((H, H), jnp.float32),
        pltpu.VMEM((H,), jnp.float32),
        pltpu.VMEM_SHARED((NPAD, H), jnp.float32),
        pltpu.VMEM_SHARED((NPAD, H), jnp.float32),
        pltpu.SemaphoreType.DMA,
        pltpu.SemaphoreType.DMA,
        pltpu.SemaphoreType.DMA,
        pltpu.SemaphoreType.DMA,
    ],
)
def _sc_layer2(parts1_hbm, dinvb_hbm, b1_hbm, w2_hbm, src_hbm, dst_hbm,
               zeros_hbm, out_hbm,
               src_v, dst_v, rows0, rows1, rows2, rows3, p0buf, p1buf, dbuf,
               w2v, b1v, table, hptab, sem0, sem1, sem2, sem3):
    c = lax.axis_index("c")
    s = lax.axis_index("s")
    wid = s * NC + c
    r0 = s * RPT

    pltpu.sync_copy(src_hbm.at[pl.ds(wid * GPW, GPW)], src_v)
    pltpu.sync_copy(dst_hbm.at[pl.ds(wid * GPW, GPW)], dst_v)

    @pl.when(jnp.logical_and(s == 0, c != 0))
    def _():
        pltpu.sync_copy(zeros_hbm, table)

    pltpu.sync_copy(parts1_hbm.at[0, pl.ds(r0, RPT)], p0buf)
    pltpu.sync_copy(parts1_hbm.at[1, pl.ds(r0, RPT)], p1buf)
    pltpu.sync_copy(dinvb_hbm.at[pl.ds(r0, RPT)], dbuf)
    pltpu.sync_copy(w2_hbm, w2v)
    pltpu.sync_copy(b1_hbm, b1v)

    b1vec = b1v[...]
    w2rows = [w2v[k] for k in range(H)]

    def one_row(r):
        dv = dbuf[r]
        o1 = jnp.maximum(dv * (p0buf[r] + p1buf[r]) + b1vec, 0.0)
        terms = [_bcast16(o1, k) * w2rows[k] for k in range(H)]
        while len(terms) > 1:
            terms = [terms[i] + terms[i + 1] for i in range(0, len(terms), 2)]
        p0buf[r] = terms[0] * dv

    def rowfn(i, carry):
        one_row(2 * i)
        one_row(2 * i + 1)
        return carry

    lax.fori_loop(0, RPT // 2, rowfn, 0)

    pltpu.sync_copy(p0buf, hptab.at[pl.ds(r0, RPT)])

    @pl.when(c == 0)
    def _():
        pltpu.sync_copy(p0buf, table.at[pl.ds(r0, RPT)])

    plsc.subcore_barrier()

    rows = (rows0, rows1, rows2, rows3)
    sems = (sem0, sem1, sem2, sem3)
    for b in range(4):
        pltpu.async_copy(hptab.at[src_v.at[b]], rows[b], sems[b])

    def outer(j0, carry):
        for b in range(4):
            g = j0 + b
            pltpu.make_async_copy(hptab.at[src_v.at[g]], rows[b], sems[b]).wait()
            pltpu.sync_copy(rows[b], table.at[dst_v.at[g]], add=True)

            @pl.when(g + 4 < GPW)
            def _():
                pltpu.async_copy(hptab.at[src_v.at[g + 4]], rows[b], sems[b])

        return carry

    lax.fori_loop(0, GPW // 4, lambda i, cr: outer(i * 4, cr), 0)
    plsc.subcore_barrier()

    @pl.when(s == 0)
    def _():
        pltpu.sync_copy(table, out_hbm.at[c])


_LN2 = 0.6931471805599453
_RPW = NPAD // NW


def _log16(S):
    i = plsc.bitcast(S, jnp.int32)
    exf = (lax.shift_right_logical(i, 23) - 127).astype(jnp.float32)
    man = plsc.bitcast(
        (i & jnp.int32(0x007FFFFF)) | jnp.int32(0x3F800000), jnp.float32)
    L = (exf + man - 1.0) * _LN2
    for _ in range(3):
        L = L + S * jnp.exp(-L) - 1.0
    return L


@functools.partial(
    pl.kernel,
    out_type=jax.ShapeDtypeStruct((N, H), jnp.float32),
    mesh=_sc_mesh,
    compiler_params=_sc_params,
    scratch_types=[
        pltpu.VMEM((_RPW, H), jnp.float32),
        pltpu.VMEM((_RPW, H), jnp.float32),
        pltpu.VMEM((_RPW, H), jnp.float32),
        pltpu.VMEM((_RPW, H), jnp.float32),
        pltpu.VMEM((H,), jnp.float32),
    ],
)
def _sc_softmax(parts_hbm, dinvb_hbm, b2_hbm, out_hbm,
                p0buf, p1buf, dbuf, obuf, b2v):
    c = lax.axis_index("c")
    s = lax.axis_index("s")
    wid = s * NC + c
    r0 = wid * _RPW

    pltpu.sync_copy(parts_hbm.at[0, pl.ds(r0, _RPW)], p0buf)
    pltpu.sync_copy(parts_hbm.at[1, pl.ds(r0, _RPW)], p1buf)
    pltpu.sync_copy(dinvb_hbm.at[pl.ds(r0, _RPW)], dbuf)
    pltpu.sync_copy(b2_hbm, b2v)
    b2vec = b2v[...]

    def zrow(r, carry):
        p0buf[r] = dbuf[r] * (p0buf[r] + p1buf[r]) + b2vec
        return carry

    lax.fori_loop(0, _RPW, zrow, 0)

    iota16 = lax.broadcasted_iota(jnp.int32, (16,), 0)

    def blk(b, carry):
        base = b * 16
        ridx = iota16 + base
        cols = [plsc.load_gather(p0buf, (ridx, jnp.full((16,), j, jnp.int32)))
                for j in range(H)]
        m = cols[0]
        for j in range(1, H):
            m = jnp.maximum(m, cols[j])
        terms = [jnp.exp(col - m) for col in cols]
        while len(terms) > 1:
            terms = [terms[i] + terms[i + 1] for i in range(0, len(terms), 2)]
        off = m + _log16(terms[0])
        for j in range(H):
            plsc.store_scatter(obuf, (ridx, jnp.full((16,), j, jnp.int32)),
                               cols[j] - off)
        return carry

    lax.fori_loop(0, _RPW // 16, blk, 0)

    @pl.when(wid < N // _RPW)
    def _():
        pltpu.sync_copy(obuf, out_hbm.at[pl.ds(r0, _RPW)])

    @pl.when(wid == N // _RPW)
    def _():
        pltpu.sync_copy(obuf.at[pl.ds(0, N - (N // _RPW) * _RPW)],
                        out_hbm.at[pl.ds(r0, N - (N // _RPW) * _RPW)])


def _tca_body(x_ref, w1_ref, out_ref):
    h = jnp.dot(x_ref[...], w1_ref[...], preferred_element_type=jnp.float32)
    out_ref[pl.ds(0, N), :] = h
    out_ref[pl.ds(N, PADR), :] = jnp.zeros((PADR, H), jnp.float32)


_tca = pl.pallas_call(
    _tca_body, out_shape=jax.ShapeDtypeStruct((NPAD, H), jnp.float32))


def kernel(x, edge_index, W1, b1, W2, b2):
    pad = P - E
    ei3 = edge_index.reshape(2, E // LG, LG)
    padblk = (N + (jnp.arange(pad, dtype=jnp.int32) % PADR)).reshape(
        1, pad // LG, LG)
    eip = jnp.concatenate([ei3, jnp.broadcast_to(padblk, (2, pad // LG, LG))],
                          axis=1)
    srcp = eip[0]
    dstp = eip[1]
    z1 = jnp.zeros((NPAD,), jnp.float32)
    z2 = jnp.zeros((NPAD, H), jnp.float32)

    degs = _sc_degree(dstp, z1)
    h1 = _tca(x, W1)

    parts1, dinvb = _sc_scale_agg(degs, h1, srcp, dstp, z2)
    parts2 = _sc_layer2(parts1, dinvb, b1, W2, srcp, dstp, z2)
    return _sc_softmax(parts2, dinvb, b2)

# --- scband reference (transcript-rebuilt; emitter-appended) ---
"""Pipeline reference for scband-gcnnet-34359738930 (READ-ONLY COPY).

The authoritative reference and input builder live on the scoring server;
editing this copy changes nothing except your own understanding.
"""

import jax, jax.numpy as jnp
import numpy as np

N_NODES = 10000
D_FEAT = 128
HIDDEN = 16
N_CLASSES = 16
N_EDGES = 320000


def gcn_conv(x, edge_index, W, b, num_nodes):
    # PyG GCNConv: add self-loops, symmetric normalization, scatter-add aggregation
    src = edge_index[0]
    dst = edge_index[1]
    loop = jnp.arange(num_nodes, dtype=src.dtype)
    src = jnp.concatenate([src, loop])
    dst = jnp.concatenate([dst, loop])
    deg = jnp.zeros((num_nodes,), dtype=x.dtype).at[dst].add(1.0)
    dinv = jnp.where(deg > 0, deg ** -0.5, 0.0)
    norm = dinv[src] * dinv[dst]
    h = x @ W  # dense transform
    msg = h[src] * norm[:, None]  # gather + scale
    out = jnp.zeros((num_nodes, W.shape[1]), dtype=x.dtype).at[dst].add(msg)  # scatter-add
    return out + b


def setup_inputs(seed: int = 0) -> dict:
    key = jax.random.key(seed)
    k1, k2, k3, k4 = jax.random.split(key, 4)
    x = jax.random.normal(k1, (N_NODES, D_FEAT), dtype=jnp.float32)
    edge_index = jax.random.randint(k2, (2, N_EDGES), 0, N_NODES, dtype=jnp.int32)
    W1 = jax.random.normal(k3, (D_FEAT, HIDDEN), dtype=jnp.float32) * (1.0 / np.sqrt(D_FEAT))
    b1 = jnp.zeros((HIDDEN,), dtype=jnp.float32)
    W2 = jax.random.normal(k4, (HIDDEN, N_CLASSES), dtype=jnp.float32) * (1.0 / np.sqrt(HIDDEN))
    b2 = jnp.zeros((N_CLASSES,), dtype=jnp.float32)
    return {"x": x, "edge_index": edge_index, "W1": W1, "b1": b1, "W2": W2, "b2": b2}


def reference(x, edge_index, W1, b1, W2, b2):
    h = gcn_conv(x, edge_index, W1, b1, N_NODES)
    h = jax.nn.relu(h)
    # F.dropout(training=self.training) is identity in eval mode
    h = gcn_conv(h, edge_index, W2, b2, N_NODES)
    return jax.nn.log_softmax(h, axis=1)

if __name__ == "__main__":
    import jax
    _d = setup_inputs()
    print(jax.jit(kernel)(*tuple(_d.values())))

</pallas_src>

<mosaic_0001>
#map = affine_map<(d0, d1) -> (0, 0, 0)>
#map1 = affine_map<(d0, d1) -> (0, 0)>
#map2 = affine_map<(d0, d1) -> (0)>
module attributes {stable_mosaic.version = 14 : i64} {
  func.func @_sc_layer2(%arg0: i32, %arg1: i32, %arg2: memref<2x10240x16xf32, #tpu.memory_space<hbm>>, %arg3: memref<10240x16xf32, #tpu.memory_space<hbm>>, %arg4: memref<16xf32, #tpu.memory_space<hbm>>, %arg5: memref<16x16xf32, #tpu.memory_space<hbm>>, %arg6: memref<2560x128xi32, #tpu.memory_space<hbm>>, %arg7: memref<2560x128xi32, #tpu.memory_space<hbm>>, %arg8: memref<10240x16xf32, #tpu.memory_space<hbm>>, %arg9: memref<2x10240x16xf32, #tpu.memory_space<hbm>>, %arg10: memref<80x128xi32, #tpu.memory_space<vmem>>, %arg11: memref<80x128xi32, #tpu.memory_space<vmem>>, %arg12: memref<128x16xf32, #tpu.memory_space<vmem>>, %arg13: memref<128x16xf32, #tpu.memory_space<vmem>>, %arg14: memref<128x16xf32, #tpu.memory_space<vmem>>, %arg15: memref<128x16xf32, #tpu.memory_space<vmem>>, %arg16: memref<640x16xf32, #tpu.memory_space<vmem>>, %arg17: memref<640x16xf32, #tpu.memory_space<vmem>>, %arg18: memref<640x16xf32, #tpu.memory_space<vmem>>, %arg19: memref<16x16xf32, #tpu.memory_space<vmem>>, %arg20: memref<16xf32, #tpu.memory_space<vmem>>, %arg21: memref<10240x16xf32, #tpu.memory_space<vmem_shared>>, %arg22: memref<10240x16xf32, #tpu.memory_space<vmem_shared>>, %arg23: memref<!tpu.dma_semaphore, #tpu.memory_space<semaphore_mem>>, %arg24: memref<!tpu.dma_semaphore, #tpu.memory_space<semaphore_mem>>, %arg25: memref<!tpu.dma_semaphore, #tpu.memory_space<semaphore_mem>>, %arg26: memref<!tpu.dma_semaphore, #tpu.memory_space<semaphore_mem>>) attributes {dimension_semantics = [#tpu.dimension_semantics<core_parallel>, #tpu.dimension_semantics<subcore_parallel>], iteration_bounds = array<i64: 2, 16>, scalar_prefetch = 0 : i64, scratch_operands = 17 : i64, tpu.core_type = #tpu.core_type<sc_vector_subcore>, window_params = [{transform_indices = #map}, {transform_indices = #map1}, {transform_indices = #map2}, {transform_indices = #map1}, {transform_indices = #map1}, {transform_indices = #map1}, {transform_indices = #map1}, {transform_indices = #map}]} {
    %mul3A = arith.constant 2 : i32
    %mul3A_0 = arith.muli %arg1, %mul3A : i32
    %add3A = arith.addi %mul3A_0, %arg0 : i32
    %mul3A_1 = arith.constant 640 : i32
    %mul3A_2 = arith.muli %arg1, %mul3A_1 : i32
    %mul3A_3 = arith.constant 80 : i32
    %mul3A_4 = arith.muli %add3A, %mul3A_3 : i32
    "tpu.region"() ({
      %run_scoped3A_125 = tpu.sem_alloc : memref<!tpu.dma_semaphore, #tpu.memory_space<semaphore_mem>>
      %dma_start3A_126 = arith.constant 0 : i32
      %dma_start3A_127 = tpu.memref_slice %arg6[%mul3A_4, %dma_start3A_126] : memref<2560x128xi32, #tpu.memory_space<hbm>> -> memref<80x128xi32, #tpu.memory_space<hbm>>
      %dma_start3A_128 = arith.constant 0 : i32
      %dma_start3A_129 = tpu.memref_slice %arg6[%mul3A_4, %dma_start3A_128] : memref<2560x128xi32, #tpu.memory_space<hbm>> -> memref<80x128xi32, #tpu.memory_space<hbm>>
      tpu.enqueue_dma source(%dma_start3A_129 : memref<80x128xi32, #tpu.memory_space<hbm>>) target(%arg10 : memref<80x128xi32, #tpu.memory_space<vmem>>) target_semaphore(%run_scoped3A_125 : memref<!tpu.dma_semaphore, #tpu.memory_space<semaphore_mem>>)
      %dma_wait3A = arith.constant 0 : i32
      %dma_wait3A_130 = tpu.memref_slice %arg6[%mul3A_4, %dma_wait3A] : memref<2560x128xi32, #tpu.memory_space<hbm>> -> memref<80x128xi32, #tpu.memory_space<hbm>>
      %dma_wait3A_131 = arith.constant 0 : i32
      %dma_wait3A_132 = tpu.memref_slice %arg6[%mul3A_4, %dma_wait3A_131] : memref<2560x128xi32, #tpu.memory_space<hbm>> -> memref<80x128xi32, #tpu.memory_space<hbm>>
      tpu.wait_dma2 semaphore(%run_scoped3A_125 : memref<!tpu.dma_semaphore, #tpu.memory_space<semaphore_mem>>) src(%dma_wait3A_132 : memref<80x128xi32, #tpu.memory_space<hbm>>) dst(%arg10 : memref<80x128xi32, #tpu.memory_space<vmem>>)
      tpu.yield
    }) : () -> ()
    %mul3A_5 = arith.constant 80 : i32
    %mul3A_6 = arith.muli %add3A, %mul3A_5 : i32
    "tpu.region"() ({
      %run_scoped3A_125 = tpu.sem_alloc : memref<!tpu.dma_semaphore, #tpu.memory_space<semaphore_mem>>
      %dma_start3A_126 = arith.constant 0 : i32
      %dma_start3A_127 = tpu.memref_slice %arg7[%mul3A_6, %dma_start3A_126] : memref<2560x128xi32, #tpu.memory_space<hbm>> -> memref<80x128xi32, #tpu.memory_space<hbm>>
      %dma_start3A_128 = arith.constant 0 : i32
      %dma_start3A_129 = tpu.memref_slice %arg7[%mul3A_6, %dma_start3A_128] : memref<2560x128xi32, #tpu.memory_space<hbm>> -> memref<80x128xi32, #tpu.memory_space<hbm>>
      tpu.enqueue_dma source(%dma_start3A_129 : memref<80x128xi32, #tpu.memory_space<hbm>>) target(%arg11 : memref<80x128xi32, #tpu.memory_space<vmem>>) target_semaphore(%run_scoped3A_125 : memref<!tpu.dma_semaphore, #tpu.memory_space<semaphore_mem>>)
      %dma_wait3A = arith.constant 0 : i32
      %dma_wait3A_130 = tpu.memref_slice %arg7[%mul3A_6, %dma_wait3A] : memref<2560x128xi32, #tpu.memory_space<hbm>> -> memref<80x128xi32, #tpu.memory_space<hbm>>
      %dma_wait3A_131 = arith.constant 0 : i32
      %dma_wait3A_132 = tpu.memref_slice %arg7[%mul3A_6, %dma_wait3A_131] : memref<2560x128xi32, #tpu.memory_space<hbm>> -> memref<80x128xi32, #tpu.memory_space<hbm>>
      tpu.wait_dma2 semaphore(%run_scoped3A_125 : memref<!tpu.dma_semaphore, #tpu.memory_space<semaphore_mem>>) src(%dma_wait3A_132 : memref<80x128xi32, #tpu.memory_space<hbm>>) dst(%arg11 : memref<80x128xi32, #tpu.memory_space<vmem>>)
      tpu.yield
    }) : () -> ()
    %eq3A = arith.constant 0 : i32
    %eq3A_7 = arith.cmpi eq, %arg1, %eq3A : i32
    %ne3A = arith.constant 0 : i32
    %ne3A_8 = arith.cmpi ne, %arg0, %ne3A : i32
    %and3A = arith.andi %eq3A_7, %ne3A_8 : i1
    %convert_element_type3A = arith.extui %and3A : i1 to i32
    %cond3A = arith.constant 0 : i32
    %cond3A_9 = arith.cmpi ne, %convert_element_type3A, %cond3A : i32
    scf.if %cond3A_9 {
      "tpu.region"() ({
        %run_scoped3A_125 = tpu.sem_alloc : memref<!tpu.dma_semaphore, #tpu.memory_space<semaphore_mem>>
        tpu.enqueue_dma source(%arg8 : memref<10240x16xf32, #tpu.memory_space<hbm>>) target(%arg21 : memref<10240x16xf32, #tpu.memory_space<vmem_shared>>) target_semaphore(%run_scoped3A_125 : memref<!tpu.dma_semaphore, #tpu.memory_space<semaphore_mem>>)
        tpu.wait_dma2 semaphore(%run_scoped3A_125 : memref<!tpu.dma_semaphore, #tpu.memory_space<semaphore_mem>>) src(%arg8 : memref<10240x16xf32, #tpu.memory_space<hbm>>) dst(%arg21 : memref<10240x16xf32, #tpu.memory_space<vmem_shared>>)
        tpu.yield
      }) : () -> ()
    } else {
    }
    %run_scoped3A = arith.constant 0 : i32
    "tpu.region"() ({
      %run_scoped3A_125 = tpu.sem_alloc : memref<!tpu.dma_semaphore, #tpu.memory_space<semaphore_mem>>
      %dma_start3A_126 = arith.constant 0 : i32
      %dma_start3A_127 = tpu.memref_slice %arg2[%run_scoped3A, %mul3A_2, %dma_start3A_126] : memref<2x10240x16xf32, #tpu.memory_space<hbm>> -> memref<1x640x16xf32, #tpu.memory_space<hbm>>
      %dma_start3A_128 = tpu.memref_squeeze %dma_start3A_127 : memref<1x640x16xf32, #tpu.memory_space<hbm>> -> memref<640x16xf32, #tpu.memory_space<hbm>>
      %dma_start3A_129 = arith.constant 0 : i32
      %dma_start3A_130 = tpu.memref_slice %arg2[%run_scoped3A, %mul3A_2, %dma_start3A_129] : memref<2x10240x16xf32, #tpu.memory_space<hbm>> -> memref<1x640x16xf32, #tpu.memory_space<hbm>>
      %dma_start3A_131 = tpu.memref_squeeze %dma_start3A_130 : memref<1x640x16xf32, #tpu.memory_space<hbm>> -> memref<640x16xf32, #tpu.memory_space<hbm>>
      tpu.enqueue_dma source(%dma_start3A_131 : memref<640x16xf32, #tpu.memory_space<hbm>>) target(%arg16 : memref<640x16xf32, #tpu.memory_space<vmem>>) target_semaphore(%run_scoped3A_125 : memref<!tpu.dma_semaphore, #tpu.memory_space<semaphore_mem>>)
      %dma_wait3A = arith.constant 0 : i32
      %dma_wait3A_132 = tpu.memref_slice %arg2[%run_scoped3A, %mul3A_2, %dma_wait3A] : memref<2x10240x16xf32, #tpu.memory_space<hbm>> -> memref<1x640x16xf32, #tpu.memory_space<hbm>>
      %dma_wait3A_133 = tpu.memref_squeeze %dma_wait3A_132 : memref<1x640x16xf32, #tpu.memory_space<hbm>> -> memref<640x16xf32, #tpu.memory_space<hbm>>
      %dma_wait3A_134 = arith.constant 0 : i32
      %dma_wait3A_135 = tpu.memref_slice %arg2[%run_scoped3A, %mul3A_2, %dma_wait3A_134] : memref<2x10240x16xf32, #tpu.memory_space<hbm>> -> memref<1x640x16xf32, #tpu.memory_space<hbm>>
      %dma_wait3A_136 = tpu.memref_squeeze %dma_wait3A_135 : memref<1x640x16xf32, #tpu.memory_space<hbm>> -> memref<640x16xf32, #tpu.memory_space<hbm>>
      tpu.wait_dma2 semaphore(%run_scoped3A_125 : memref<!tpu.dma_semaphore, #tpu.memory_space<semaphore_mem>>) src(%dma_wait3A_136 : memref<640x16xf32, #tpu.memory_space<hbm>>) dst(%arg16 : memref<640x16xf32, #tpu.memory_space<vmem>>)
      tpu.yield
    }) : () -> ()
    %run_scoped3A_10 = arith.constant 1 : i32
    "tpu.region"() ({
      %run_scoped3A_125 = tpu.sem_alloc : memref<!tpu.dma_semaphore, #tpu.memory_space<semaphore_mem>>
      %dma_start3A_126 = arith.constant 0 : i32
      %dma_start3A_127 = tpu.memref_slice %arg2[%run_scoped3A_10, %mul3A_2, %dma_start3A_126] : memref<2x10240x16xf32, #tpu.memory_space<hbm>> -> memref<1x640x16xf32, #tpu.memory_space<hbm>>
      %dma_start3A_128 = tpu.memref_squeeze %dma_start3A_127 : memref<1x640x16xf32, #tpu.memory_space<hbm>> -> memref<640x16xf32, #tpu.memory_space<hbm>>
      %dma_start3A_129 = arith.constant 0 : i32
      %dma_start3A_130 = tpu.memref_slice %arg2[%run_scoped3A_10, %mul3A_2, %dma_start3A_129] : memref<2x10240x16xf32, #tpu.memory_space<hbm>> -> memref<1x640x16xf32, #tpu.memory_space<hbm>>
      %dma_start3A_131 = tpu.memref_squeeze %dma_start3A_130 : memref<1x640x16xf32, #tpu.memory_space<hbm>> -> memref<640x16xf32, #tpu.memory_space<hbm>>
      tpu.enqueue_dma source(%dma_start3A_131 : memref<640x16xf32, #tpu.memory_space<hbm>>) target(%arg17 : memref<640x16xf32, #tpu.memory_space<vmem>>) target_semaphore(%run_scoped3A_125 : memref<!tpu.dma_semaphore, #tpu.memory_space<semaphore_mem>>)
      %dma_wait3A = arith.constant 0 : i32
      %dma_wait3A_132 = tpu.memref_slice %arg2[%run_scoped3A_10, %mul3A_2, %dma_wait3A] : memref<2x10240x16xf32, #tpu.memory_space<hbm>> -> memref<1x640x16xf32, #tpu.memory_space<hbm>>
      %dma_wait3A_133 = tpu.memref_squeeze %dma_wait3A_132 : memref<1x640x16xf32, #tpu.memory_space<hbm>> -> memref<640x16xf32, #tpu.memory_space<hbm>>
      %dma_wait3A_134 = arith.constant 0 : i32
      %dma_wait3A_135 = tpu.memref_slice %arg2[%run_scoped3A_10, %mul3A_2, %dma_wait3A_134] : memref<2x10240x16xf32, #tpu.memory_space<hbm>> -> memref<1x640x16xf32, #tpu.memory_space<hbm>>
      %dma_wait3A_136 = tpu.memref_squeeze %dma_wait3A_135 : memref<1x640x16xf32, #tpu.memory_space<hbm>> -> memref<640x16xf32, #tpu.memory_space<hbm>>
      tpu.wait_dma2 semaphore(%run_scoped3A_125 : memref<!tpu.dma_semaphore, #tpu.memory_space<semaphore_mem>>) src(%dma_wait3A_136 : memref<640x16xf32, #tpu.memory_space<hbm>>) dst(%arg17 : memref<640x16xf32, #tpu.memory_space<vmem>>)
      tpu.yield
    }) : () -> ()
    "tpu.region"() ({
      %run_scoped3A_125 = tpu.sem_alloc : memref<!tpu.dma_semaphore, #tpu.memory_space<semaphore_mem>>
      %dma_start3A_126 = arith.constant 0 : i32
      %dma_start3A_127 = tpu.memref_slice %arg3[%mul3A_2, %dma_start3A_126] : memref<10240x16xf32, #tpu.memory_space<hbm>> -> memref<640x16xf32, #tpu.memory_space<hbm>>
      %dma_start3A_128 = arith.constant 0 : i32
      %dma_start3A_129 = tpu.memref_slice %arg3[%mul3A_2, %dma_start3A_128] : memref<10240x16xf32, #tpu.memory_space<hbm>> -> memref<640x16xf32, #tpu.memory_space<hbm>>
      tpu.enqueue_dma source(%dma_start3A_129 : memref<640x16xf32, #tpu.memory_space<hbm>>) target(%arg18 : memref<640x16xf32, #tpu.memory_space<vmem>>) target_semaphore(%run_scoped3A_125 : memref<!tpu.dma_semaphore, #tpu.memory_space<semaphore_mem>>)
      %dma_wait3A = arith.constant 0 : i32
      %dma_wait3A_130 = tpu.memref_slice %arg3[%mul3A_2, %dma_wait3A] : memref<10240x16xf32, #tpu.memory_space<hbm>> -> memref<640x16xf32, #tpu.memory_space<hbm>>
      %dma_wait3A_131 = arith.constant 0 : i32
      %dma_wait3A_132 = tpu.memref_slice %arg3[%mul3A_2, %dma_wait3A_131] : memref<10240x16xf32, #tpu.memory_space<hbm>> -> memref<640x16xf32, #tpu.memory_space<hbm>>
      tpu.wait_dma2 semaphore(%run_scoped3A_125 : memref<!tpu.dma_semaphore, #tpu.memory_space<semaphore_mem>>) src(%dma_wait3A_132 : memref<640x16xf32, #tpu.memory_space<hbm>>) dst(%arg18 : memref<640x16xf32, #tpu.memory_space<vmem>>)
      tpu.yield
    }) : () -> ()
    "tpu.region"() ({
      %run_scoped3A_125 = tpu.sem_alloc : memref<!tpu.dma_semaphore, #tpu.memory_space<semaphore_mem>>
      tpu.enqueue_dma source(%arg5 : memref<16x16xf32, #tpu.memory_space<hbm>>) target(%arg19 : memref<16x16xf32, #tpu.memory_space<vmem>>) target_semaphore(%run_scoped3A_125 : memref<!tpu.dma_semaphore, #tpu.memory_space<semaphore_mem>>)
      tpu.wait_dma2 semaphore(%run_scoped3A_125 : memref<!tpu.dma_semaphore, #tpu.memory_space<semaphore_mem>>) src(%arg5 : memref<16x16xf32, #tpu.memory_space<hbm>>) dst(%arg19 : memref<16x16xf32, #tpu.memory_space<vmem>>)
      tpu.yield
    }) : () -> ()
    "tpu.region"() ({
      %run_scoped3A_125 = tpu.sem_alloc : memref<!tpu.dma_semaphore, #tpu.memory_space<semaphore_mem>>
      tpu.enqueue_dma source(%arg4 : memref<16xf32, #tpu.memory_space<hbm>>) target(%arg20 : memref<16xf32, #tpu.memory_space<vmem>>) target_semaphore(%run_scoped3A_125 : memref<!tpu.dma_semaphore, #tpu.memory_space<semaphore_mem>>)
      tpu.wait_dma2 semaphore(%run_scoped3A_125 : memref<!tpu.dma_semaphore, #tpu.memory_space<semaphore_mem>>) src(%arg4 : memref<16xf32, #tpu.memory_space<hbm>>) dst(%arg20 : memref<16xf32, #tpu.memory_space<vmem>>)
      tpu.yield
    }) : () -> ()
    %get3A = arith.constant 0 : index
    %get3A_11 = tpu.vector_load %arg20[%get3A] {strides = array<i32>} : memref<16xf32, #tpu.memory_space<vmem>>, vector<16xf32>,
    %get3A_12 = arith.constant 0 : i32
    %get3A_13 = arith.index_cast %get3A_12 : i32 to index
    %get3A_14 = arith.constant 0 : index
    %get3A_15 = tpu.vector_load %arg19[%get3A_13, %get3A_14] {strides = array<i32>} : memref<16x16xf32, #tpu.memory_space<vmem>>, vector<16xf32>,
    %get3A_16 = arith.constant 1 : i32
    %get3A_17 = arith.index_cast %get3A_16 : i32 to index
    %get3A_18 = arith.constant 0 : index
    %get3A_19 = tpu.vector_load %arg19[%get3A_17, %get3A_18] {strides = array<i32>} : memref<16x16xf32, #tpu.memory_space<vmem>>, vector<16xf32>,
    %get3A_20 = arith.constant 2 : i32
    %get3A_21 = arith.index_cast %get3A_20 : i32 to index
    %get3A_22 = arith.constant 0 : index
    %get3A_23 = tpu.vector_load %arg19[%get3A_21, %get3A_22] {strides = array<i32>} : memref<16x16xf32, #tpu.memory_space<vmem>>, vector<16xf32>,
    %get3A_24 = arith.constant 3 : i32
    %get3A_25 = arith.index_cast %get3A_24 : i32 to index
    %get3A_26 = arith.constant 0 : index
    %get3A_27 = tpu.vector_load %arg19[%get3A_25, %get3A_26] {strides = array<i32>} : memref<16x16xf32, #tpu.memory_space<vmem>>, vector<16xf32>,
    %get3A_28 = arith.constant 4 : i32
    %get3A_29 = arith.index_cast %get3A_28 : i32 to index
    %get3A_30 = arith.constant 0 : index
    %get3A_31 = tpu.vector_load %arg19[%get3A_29, %get3A_30] {strides = array<i32>} : memref<16x16xf32, #tpu.memory_space<vmem>>, vector<16xf32>,
    %get3A_32 = arith.constant 5 : i32
    %get3A_33 = arith.index_cast %get3A_32 : i32 to index
    %get3A_34 = arith.constant 0 : index
    %get3A_35 = tpu.vector_load %arg19[%get3A_33, %get3A_34] {strides = array<i32>} : memref<16x16xf32, #tpu.memory_space<vmem>>, vector<16xf32>,
    %get3A_36 = arith.constant 6 : i32
    %get3A_37 = arith.index_cast %get3A_36 : i32 to index
    %get3A_38 = arith.constant 0 : index
    %get3A_39 = tpu.vector_load %arg19[%get3A_37, %get3A_38] {strides = array<i32>} : memref<16x16xf32, #tpu.memory_space<vmem>>, vector<16xf32>,
    %get3A_40 = arith.constant 7 : i32
    %get3A_41 = arith.index_cast %get3A_40 : i32 to index
    %get3A_42 = arith.constant 0 : index
    %get3A_43 = tpu.vector_load %arg19[%get3A_41, %get3A_42] {strides = array<i32>} : memref<16x16xf32, #tpu.memory_space<vmem>>, vector<16xf32>,
    %get3A_44 = arith.constant 8 : i32
    %get3A_45 = arith.index_cast %get3A_44 : i32 to index
    %get3A_46 = arith.constant 0 : index
    %get3A_47 = tpu.vector_load %arg19[%get3A_45, %get3A_46] {strides = array<i32>} : memref<16x16xf32, #tpu.memory_space<vmem>>, vector<16xf32>,
    %get3A_48 = arith.constant 9 : i32
    %get3A_49 = arith.index_cast %get3A_48 : i32 to index
    %get3A_50 = arith.constant 0 : index
    %get3A_51 = tpu.vector_load %arg19[%get3A_49, %get3A_50] {strides = array<i32>} : memref<16x16xf32, #tpu.memory_space<vmem>>, vector<16xf32>,
    %get3A_52 = arith.constant 10 : i32
    %get3A_53 = arith.index_cast %get3A_52 : i32 to index
    %get3A_54 = arith.constant 0 : index
    %get3A_55 = tpu.vector_load %arg19[%get3A_53, %get3A_54] {strides = array<i32>} : memref<16x16xf32, #tpu.memory_space<vmem>>, vector<16xf32>,
    %get3A_56 = arith.constant 11 : i32
    %get3A_57 = arith.index_cast %get3A_56 : i32 to index
    %get3A_58 = arith.constant 0 : index
    %get3A_59 = tpu.vector_load %arg19[%get3A_57, %get3A_58] {strides = array<i32>} : memref<16x16xf32, #tpu.memory_space<vmem>>, vector<16xf32>,
    %get3A_60 = arith.constant 12 : i32
    %get3A_61 = arith.index_cast %get3A_60 : i32 to index
    %get3A_62 = arith.constant 0 : index
    %get3A_63 = tpu.vector_load %arg19[%get3A_61, %get3A_62] {strides = array<i32>} : memref<16x16xf32, #tpu.memory_space<vmem>>, vector<16xf32>,
    %get3A_64 = arith.constant 13 : i32
    %get3A_65 = arith.index_cast %get3A_64 : i32 to index
    %get3A_66 = arith.constant 0 : index
    %get3A_67 = tpu.vector_load %arg19[%get3A_65, %get3A_66] {strides = array<i32>} : memref<16x16xf32, #tpu.memory_space<vmem>>, vector<16xf32>,
    %get3A_68 = arith.constant 14 : i32
    %get3A_69 = arith.index_cast %get3A_68 : i32 to index
    %get3A_70 = arith.constant 0 : index
    %get3A_71 = tpu.vector_load %arg19[%get3A_69, %get3A_70] {strides = array<i32>} : memref<16x16xf32, #tpu.memory_space<vmem>>, vector<16xf32>,
    %get3A_72 = arith.constant 15 : i32
    %get3A_73 = arith.index_cast %get3A_72 : i32 to index
    %get3A_74 = arith.constant 0 : index
    %get3A_75 = tpu.vector_load %arg19[%get3A_73, %get3A_74] {strides = array<i32>} : memref<16x16xf32, #tpu.memory_space<vmem>>, vector<16xf32>,
    %scan3A = arith.constant 0 : i32
    %scan3A_76 = arith.constant 0 : i32
    %scan3A_77 = arith.constant 320 : i32
    %scan3A_78 = arith.addi %scan3A_76, %scan3A_77 : i32
    %scan3A_79 = arith.constant 1 : i32
    scf.for %scan3A_125 = %scan3A_76 to %scan3A_78 step %scan3A_79  : i32 {
      %mul3A_126 = arith.constant 2 : i32
      %mul3A_127 = arith.muli %mul3A_126, %scan3A_125 : i32
      %get3A_128 = arith.index_cast %mul3A_127 : i32 to index
      %get3A_129 = arith.constant 0 : index
      %get3A_130 = tpu.vector_load %arg18[%get3A_128, %get3A_129] {strides = array<i32>} : memref<640x16xf32, #tpu.memory_space<vmem>>, vector<16xf32>,
      %get3A_131 = arith.index_cast %mul3A_127 : i32 to index
      %get3A_132 = arith.constant 0 : index
      %get3A_133 = tpu.vector_load %arg16[%get3A_131, %get3A_132] {strides = array<i32>} : memref<640x16xf32, #tpu.memory_space<vmem>>, vector<16xf32>,
      %get3A_134 = arith.index_cast %mul3A_127 : i32 to index
      %get3A_135 = arith.constant 0 : index
      %get3A_136 = tpu.vector_load %arg17[%get3A_134, %get3A_135] {strides = array<i32>} : memref<640x16xf32, #tpu.memory_space<vmem>>, vector<16xf32>,
      %add3A_137 = arith.addf %get3A_133, %get3A_136 : vector<16xf32>
      %mul3A_138 = arith.mulf %get3A_130, %add3A_137 : vector<16xf32>
      %add3A_139 = arith.addf %mul3A_138, %get3A_11 : vector<16xf32>
      %max3A = arith.constant 0.000000e+00 : f32
      %max3A_140 = vector.broadcast %max3A : f32 to vector<16xf32>
      %max3A_141 = arith.maximumf %add3A_139, %max3A_140 : vector<16xf32>
      %broadcast_in_dim3A = arith.constant 0 : i32
      %broadcast_in_dim3A_142 = vector.broadcast %broadcast_in_dim3A : i32 to vector<16x1xi32>
      %gather3A = vector.shape_cast %broadcast_in_dim3A_142 : vector<16x1xi32> to vector<16xi32>
      %gather3A_143 = tpu.dynamic_gather %max3A_141[%gather3A] in [0] : vector<16xf32>, vector<16xi32> -> vector<16xf32>
      %mul3A_144 = arith.mulf %gather3A_143, %get3A_15 : vector<16xf32>
      %broadcast_in_dim3A_145 = arith.constant 1 : i32
      %broadcast_in_dim3A_146 = vector.broadcast %broadcast_in_dim3A_145 : i32 to vector<16x1xi32>
      %gather3A_147 = vector.shape_cast %broadcast_in_dim3A_146 : vector<16x1xi32> to vector<16xi32>
      %gather3A_148 = tpu.dynamic_gather %max3A_141[%gather3A_147] in [0] : vector<16xf32>, vector<16xi32> -> vector<16xf32>
      %mul3A_149 = arith.mulf %gather3A_148, %get3A_19 : vector<16xf32>
      %broadcast_in_dim3A_150 = arith.constant 2 : i32
      %broadcast_in_dim3A_151 = vector.broadcast %broadcast_in_dim3A_150 : i32 to vector<16x1xi32>
      %gather3A_152 = vector.shape_cast %broadcast_in_dim3A_151 : vector<16x1xi32> to vector<16xi32>
      %gather3A_153 = tpu.dynamic_gather %max3A_141[%gather3A_152] in [0] : vector<16xf32>, vector<16xi32> -> vector<16xf32>
      %mul3A_154 = arith.mulf %gather3A_153, %get3A_23 : vector<16xf32>
      %broadcast_in_dim3A_155 = arith.constant 3 : i32
      %broadcast_in_dim3A_156 = vector.broadcast %broadcast_in_dim3A_155 : i32 to vector<16x1xi32>
      %gather3A_157 = vector.shape_cast %broadcast_in_dim3A_156 : vector<16x1xi32> to vector<16xi32>
      %gather3A_158 = tpu.dynamic_gather %max3A_141[%gather3A_157] in [0] : vector<16xf32>, vector<16xi32> -> vector<16xf32>
      %mul3A_159 = arith.mulf %gather3A_158, %get3A_27 : vector<16xf32>
      %broadcast_in_dim3A_160 = arith.constant 4 : i32
      %broadcast_in_dim3A_161 = vector.broadcast %broadcast_in_dim3A_160 : i32 to vector<16x1xi32>
      %gather3A_162 = vector.shape_cast %broadcast_in_dim3A_161 : vector<16x1xi32> to vector<16xi32>
      %gather3A_163 = tpu.dynamic_gather %max3A_141[%gather3A_162] in [0] : vector<16xf32>, vector<16xi32> -> vector<16xf32>
      %mul3A_164 = arith.mulf %gather3A_163, %get3A_31 : vector<16xf32>
      %broadcast_in_dim3A_165 = arith.constant 5 : i32
      %broadcast_in_dim3A_166 = vector.broadcast %broadcast_in_dim3A_165 : i32 to vector<16x1xi32>
      %gather3A_167 = vector.shape_cast %broadcast_in_dim3A_166 : vector<16x1xi32> to vector<16xi32>
      %gather3A_168 = tpu.dynamic_gather %max3A_141[%gather3A_167] in [0] : vector<16xf32>, vector<16xi32> -> vector<16xf32>
      %mul3A_169 = arith.mulf %gather3A_168, %get3A_35 : vector<16xf32>
      %broadcast_in_dim3A_170 = arith.constant 6 : i32
      %broadcast_in_dim3A_171 = vector.broadcast %broadcast_in_dim3A_170 : i32 to vector<16x1xi32>
      %gather3A_172 = vector.shape_cast %broadcast_in_dim3A_171 : vector<16x1xi32> to vector<16xi32>
      %gather3A_173 = tpu.dynamic_gather %max3A_141[%gather3A_172] in [0] : vector<16xf32>, vector<16xi32> -> vector<16xf32>
      %mul3A_174 = arith.mulf %gather3A_173, %get3A_39 : vector<16xf32>
      %broadcast_in_dim3A_175 = arith.constant 7 : i32
      %broadcast_in_dim3A_176 = vector.broadcast %broadcast_in_dim3A_175 : i32 to vector<16x1xi32>
      %gather3A_177 = vector.shape_cast %broadcast_in_dim3A_176 : vector<16x1xi32> to vector<16xi32>
      %gather3A_178 = tpu.dynamic_gather %max3A_141[%gather3A_177] in [0] : vector<16xf32>, vector<16xi32> -> vector<16xf32>
      %mul3A_179 = arith.mulf %gather3A_178, %get3A_43 : vector<16xf32>
      %broadcast_in_dim3A_180 = arith.constant 8 : i32
      %broadcast_in_dim3A_181 = vector.broadcast %broadcast_in_dim3A_180 : i32 to vector<16x1xi32>
      %gather3A_182 = vector.shape_cast %broadcast_in_dim3A_181 : vector<16x1xi32> to vector<16xi32>
      %gather3A_183 = tpu.dynamic_gather %max3A_141[%gather3A_182] in [0] : vector<16xf32>, vector<16xi32> -> vector<16xf32>
      %mul3A_184 = arith.mulf %gather3A_183, %get3A_47 : vector<16xf32>
      %broadcast_in_dim3A_185 = arith.constant 9 : i32
      %broadcast_in_dim3A_186 = vector.broadcast %broadcast_in_dim3A_185 : i32 to vector<16x1xi32>
      %gather3A_187 = vector.shape_cast %broadcast_in_dim3A_186 : vector<16x1xi32> to vector<16xi32>
      %gather3A_188 = tpu.dynamic_gather %max3A_141[%gather3A_187] in [0] : vector<16xf32>, vector<16xi32> -> vector<16xf32>
      %mul3A_189 = arith.mulf %gather3A_188, %get3A_51 : vector<16xf32>
      %broadcast_in_dim3A_190 = arith.constant 10 : i32
      %broadcast_in_dim3A_191 = vector.broadcast %broadcast_in_dim3A_190 : i32 to vector<16x1xi32>
      %gather3A_192 = vector.shape_cast %broadcast_in_dim3A_191 : vector<16x1xi32> to vector<16xi32>
      %gather3A_193 = tpu.dynamic_gather %max3A_141[%gather3A_192] in [0] : vector<16xf32>, vector<16xi32> -> vector<16xf32>
      %mul3A_194 = arith.mulf %gather3A_193, %get3A_55 : vector<16xf32>
      %broadcast_in_dim3A_195 = arith.constant 11 : i32
      %broadcast_in_dim3A_196 = vector.broadcast %broadcast_in_dim3A_195 : i32 to vector<16x1xi32>
      %gather3A_197 = vector.shape_cast %broadcast_in_dim3A_196 : vector<16x1xi32> to vector<16xi32>
      %gather3A_198 = tpu.dynamic_gather %max3A_141[%gather3A_197] in [0] : vector<16xf32>, vector<16xi32> -> vector<16xf32>
      %mul3A_199 = arith.mulf %gather3A_198, %get3A_59 : vector<16xf32>
      %broadcast_in_dim3A_200 = arith.constant 12 : i32
      %broadcast_in_dim3A_201 = vector.broadcast %broadcast_in_dim3A_200 : i32 to vector<16x1xi32>
      %gather3A_202 = vector.shape_cast %broadcast_in_dim3A_201 : vector<16x1xi32> to vector<16xi32>
      %gather3A_203 = tpu.dynamic_gather %max3A_141[%gather3A_202] in [0] : vector<16xf32>, vector<16xi32> -> vector<16xf32>
      %mul3A_204 = arith.mulf %gather3A_203, %get3A_63 : vector<16xf32>
      %broadcast_in_dim3A_205 = arith.constant 13 : i32
      %broadcast_in_dim3A_206 = vector.broadcast %broadcast_in_dim3A_205 : i32 to vector<16x1xi32>
      %gather3A_207 = vector.shape_cast %broadcast_in_dim3A_206 : vector<16x1xi32> to vector<16xi32>
      %gather3A_208 = tpu.dynamic_gather %max3A_141[%gather3A_207] in [0] : vector<16xf32>, vector<16xi32> -> vector<16xf32>
      %mul3A_209 = arith.mulf %gather3A_208, %get3A_67 : vector<16xf32>
      %broadcast_in_dim3A_210 = arith.constant 14 : i32
      %broadcast_in_dim3A_211 = vector.broadcast %broadcast_in_dim3A_210 : i32 to vector<16x1xi32>
      %gather3A_212 = vector.shape_cast %broadcast_in_dim3A_211 : vector<16x1xi32> to vector<16xi32>
      %gather3A_213 = tpu.dynamic_gather %max3A_141[%gather3A_212] in [0] : vector<16xf32>, vector<16xi32> -> vector<16xf32>
      %mul3A_214 = arith.mulf %gather3A_213, %get3A_71 : vector<16xf32>
      %broadcast_in_dim3A_215 = arith.constant 15 : i32
      %broadcast_in_dim3A_216 = vector.broadcast %broadcast_in_dim3A_215 : i32 to vector<16x1xi32>
      %gather3A_217 = vector.shape_cast %broadcast_in_dim3A_216 : vector<16x1xi32> to vector<16xi32>
      %gather3A_218 = tpu.dynamic_gather %max3A_141[%gather3A_217] in [0] : vector<16xf32>, vector<16xi32> -> vector<16xf32>
      %mul3A_219 = arith.mulf %gather3A_218, %get3A_75 : vector<16xf32>
      %add3A_220 = arith.addf %mul3A_144, %mul3A_149 : vector<16xf32>
      %add3A_221 = arith.addf %mul3A_154, %mul3A_159 : vector<16xf32>
      %add3A_222 = arith.addf %mul3A_164, %mul3A_169 : vector<16xf32>
      %add3A_223 = arith.addf %mul3A_174, %mul3A_179 : vector<16xf32>
      %add3A_224 = arith.addf %mul3A_184, %mul3A_189 : vector<16xf32>
      %add3A_225 = arith.addf %mul3A_194, %mul3A_199 : vector<16xf32>
      %add3A_226 = arith.addf %mul3A_204, %mul3A_209 : vector<16xf32>
      %add3A_227 = arith.addf %mul3A_214, %mul3A_219 : vector<16xf32>
      %add3A_228 = arith.addf %add3A_220, %add3A_221 : vector<16xf32>
      %add3A_229 = arith.addf %add3A_222, %add3A_223 : vector<16xf32>
      %add3A_230 = arith.addf %add3A_224, %add3A_225 : vector<16xf32>
      %add3A_231 = arith.addf %add3A_226, %add3A_227 : vector<16xf32>
      %add3A_232 = arith.addf %add3A_228, %add3A_229 : vector<16xf32>
      %add3A_233 = arith.addf %add3A_230, %add3A_231 : vector<16xf32>
      %add3A_234 = arith.addf %add3A_232, %add3A_233 : vector<16xf32>
      %mul3A_235 = arith.mulf %add3A_234, %get3A_130 : vector<16xf32>
      %swap3A = arith.index_cast %mul3A_127 : i32 to index
      %swap3A_236 = arith.constant 0 : index
      %swap3A_237 = tpu.vector_load %arg16[%swap3A, %swap3A_236] {strides = array<i32>} : memref<640x16xf32, #tpu.memory_space<vmem>>, vector<16xf32>,
      tpu.vector_store %arg16[%swap3A, %swap3A_236], %mul3A_235 {strides = array<i32>} : memref<640x16xf32, #tpu.memory_space<vmem>>, vector<16xf32>,
      %mul3A_238 = arith.constant 2 : i32
      %mul3A_239 = arith.muli %mul3A_238, %scan3A_125 : i32
      %add3A_240 = arith.constant 1 : i32
      %add3A_241 = arith.addi %mul3A_239, %add3A_240 : i32
      %get3A_242 = arith.index_cast %add3A_241 : i32 to index
      %get3A_243 = arith.constant 0 : index
      %get3A_244 = tpu.vector_load %arg18[%get3A_242, %get3A_243] {strides = array<i32>} : memref<640x16xf32, #tpu.memory_space<vmem>>, vector<16xf32>,
      %get3A_245 = arith.index_cast %add3A_241 : i32 to index
      %get3A_246 = arith.constant 0 : index
      %get3A_247 = tpu.vector_load %arg16[%get3A_245, %get3A_246] {strides = array<i32>} : memref<640x16xf32, #tpu.memory_space<vmem>>, vector<16xf32>,
      %get3A_248 = arith.index_cast %add3A_241 : i32 to index
      %get3A_249 = arith.constant 0 : index
      %get3A_250 = tpu.vector_load %arg17[%get3A_248, %get3A_249] {strides = array<i32>} : memref<640x16xf32, #tpu.memory_space<vmem>>, vector<16xf32>,
      %add3A_251 = arith.addf %get3A_247, %get3A_250 : vector<16xf32>
      %mul3A_252 = arith.mulf %get3A_244, %add3A_251 : vector<16xf32>
      %add3A_253 = arith.addf %mul3A_252, %get3A_11 : vector<16xf32>
      %max3A_254 = arith.constant 0.000000e+00 : f32
      %max3A_255 = vector.broadcast %max3A_254 : f32 to vector<16xf32>
      %max3A_256 = arith.maximumf %add3A_253, %max3A_255 : vector<16xf32>
      %broadcast_in_dim3A_257 = arith.constant 0 : i32
      %broadcast_in_dim3A_258 = vector.broadcast %broadcast_in_dim3A_257 : i32 to vector<16x1xi32>
      %gather3A_259 = vector.shape_cast %broadcast_in_dim3A_258 : vector<16x1xi32> to vector<16xi32>
      %gather3A_260 = tpu.dynamic_gather %max3A_256[%gather3A_259] in [0] : vector<16xf32>, vector<16xi32> -> vector<16xf32>
      %mul3A_261 = arith.mulf %gather3A_260, %get3A_15 : vector<16xf32>
      %broadcast_in_dim3A_262 = arith.constant 1 : i32
      %broadcast_in_dim3A_263 = vector.broadcast %broadcast_in_dim3A_262 : i32 to vector<16x1xi32>
      %gather3A_264 = vector.shape_cast %broadcast_in_dim3A_263 : vector<16x1xi32> to vector<16xi32>
      %gather3A_265 = tpu.dynamic_gather %max3A_256[%gather3A_264] in [0] : vector<16xf32>, vector<16xi32> -> vector<16xf32>
      %mul3A_266 = arith.mulf %gather3A_265, %get3A_19 : vector<16xf32>
      %broadcast_in_dim3A_267 = arith.constant 2 : i32
      %broadcast_in_dim3A_268 = vector.broadcast %broadcast_in_dim3A_267 : i32 to vector<16x1xi32>
      %gather3A_269 = vector.shape_cast %broadcast_in_dim3A_268 : vector<16x1xi32> to vector<16xi32>
      %gather3A_270 = tpu.dynamic_gather %max3A_256[%gather3A_269] in [0] : vector<16xf32>, vector<16xi32> -> vector<16xf32>
      %mul3A_271 = arith.mulf %gather3A_270, %get3A_23 : vector<16xf32>
      %broadcast_in_dim3A_272 = arith.constant 3 : i32
      %broadcast_in_dim3A_273 = vector.broadcast %broadcast_in_dim3A_272 : i32 to vector<16x1xi32>
      %gather3A_274 = vector.shape_cast %broadcast_in_dim3A_273 : vector<16x1xi32> to vector<16xi32>
      %gather3A_275 = tpu.dynamic_gather %max3A_256[%gather3A_274] in [0] : vector<16xf32>, vector<16xi32> -> vector<16xf32>
      %mul3A_276 = arith.mulf %gather3A_275, %get3A_27 : vector<16xf32>
      %broadcast_in_dim3A_277 = arith.constant 4 : i32
      %broadcast_in_dim3A_278 = vector.broadcast %broadcast_in_dim3A_277 : i32 to vector<16x1xi32>
      %gather3A_279 = vector.shape_cast %broadcast_in_dim3A_278 : vector<16x1xi32> to vector<16xi32>
      %gather3A_280 = tpu.dynamic_gather %max3A_256[%gather3A_279] in [0] : vector<16xf32>, vector<16xi32> -> vector<16xf32>
      %mul3A_281 = arith.mulf %gather3A_280, %get3A_31 : vector<16xf32>
      %broadcast_in_dim3A_282 = arith.constant 5 : i32
      %broadcast_in_dim3A_283 = vector.broadcast %broadcast_in_dim3A_282 : i32 to vector<16x1xi32>
      %gather3A_284 = vector.shape_cast %broadcast_in_dim3A_283 : vector<16x1xi32> to vector<16xi32>
      %gather3A_285 = tpu.dynamic_gather %max3A_256[%gather3A_284] in [0] : vector<16xf32>, vector<16xi32> -> vector<16xf32>
      %mul3A_286 = arith.mulf %gather3A_285, %get3A_35 : vector<16xf32>
      %broadcast_in_dim3A_287 = arith.constant 6 : i32
      %broadcast_in_dim3A_288 = vector.broadcast %broadcast_in_dim3A_287 : i32 to vector<16x1xi32>
      %gather3A_289 = vector.shape_cast %broadcast_in_dim3A_288 : vector<16x1xi32> to vector<16xi32>
      %gather3A_290 = tpu.dynamic_gather %max3A_256[%gather3A_289] in [0] : vector<16xf32>, vector<16xi32> -> vector<16xf32>
      %mul3A_291 = arith.mulf %gather3A_290, %get3A_39 : vector<16xf32>
      %broadcast_in_dim3A_292 = arith.constant 7 : i32
      %broadcast_in_dim3A_293 = vector.broadcast %broadcast_in_dim3A_292 : i32 to vector<16x1xi32>
      %gather3A_294 = vector.shape_cast %broadcast_in_dim3A_293 : vector<16x1xi32> to vector<16xi32>
      %gather3A_295 = tpu.dynamic_gather %max3A_256[%gather3A_294] in [0] : vector<16xf32>, vector<16xi32> -> vector<16xf32>
      %mul3A_296 = arith.mulf %gather3A_295, %get3A_43 : vector<16xf32>
      %broadcast_in_dim3A_297 = arith.constant 8 : i32
      %broadcast_in_dim3A_298 = vector.broadcast %broadcast_in_dim3A_297 : i32 to vector<16x1xi32>
      %gather3A_299 = vector.shape_cast %broadcast_in_dim3A_298 : vector<16x1xi32> to vector<16xi32>
      %gather3A_300 = tpu.dynamic_gather %max3A_256[%gather3A_299] in [0] : vector<16xf32>, vector<16xi32> -> vector<16xf32>
      %mul3A_301 = arith.mulf %gather3A_300, %get3A_47 : vector<16xf32>
      %broadcast_in_dim3A_302 = arith.constant 9 : i32
      %broadcast_in_dim3A_303 = vector.broadcast %broadcast_in_dim3A_302 : i32 to vector<16x1xi32>
      %gather3A_304 = vector.shape_cast %broadcast_in_dim3A_303 : vector<16x1xi32> to vector<16xi32>
      %gather3A_305 = tpu.dynamic_gather %max3A_256[%gather3A_304] in [0] : vector<16xf32>, vector<16xi32> -> vector<16xf32>
      %mul3A_306 = arith.mulf %gather3A_305, %get3A_51 : vector<16xf32>
      %broadcast_in_dim3A_307 = arith.constant 10 : i32
      %broadcast_in_dim3A_308 = vector.broadcast %broadcast_in_dim3A_307 : i32 to vector<16x1xi32>
      %gather3A_309 = vector.shape_cast %broadcast_in_dim3A_308 : vector<16x1xi32> to vector<16xi32>
      %gather3A_310 = tpu.dynamic_gather %max3A_256[%gather3A_309] in [0] : vector<16xf32>, vector<16xi32> -> vector<16xf32>
      %mul3A_311 = arith.mulf %gather3A_310, %get3A_55 : vector<16xf32>
      %broadcast_in_dim3A_312 = arith.constant 11 : i32
      %broadcast_in_dim3A_313 = vector.broadcast %broadcast_in_dim3A_312 : i32 to vector<16x1xi32>
      %gather3A_314 = vector.shape_cast %broadcast_in_dim3A_313 : vector<16x1xi32> to vector<16xi32>
      %gather3A_315 = tpu.dynamic_gather %max3A_256[%gather3A_314] in [0] : vector<16xf32>, vector<16xi32> -> vector<16xf32>
      %mul3A_316 = arith.mulf %gather3A_315, %get3A_59 : vector<16xf32>
      %broadcast_in_dim3A_317 = arith.constant 12 : i32
      %broadcast_in_dim3A_318 = vector.broadcast %broadcast_in_dim3A_317 : i32 to vector<16x1xi32>
      %gather3A_319 = vector.shape_cast %broadcast_in_dim3A_318 : vector<16x1xi32> to vector<16xi32>
      %gather3A_320 = tpu.dynamic_gather %max3A_256[%gather3A_319] in [0] : vector<16xf32>, vector<16xi32> -> vector<16xf32>
      %mul3A_321 = arith.mulf %gather3A_320, %get3A_63 : vector<16xf32>
      %broadcast_in_dim3A_322 = arith.constant 13 : i32
      %broadcast_in_dim3A_323 = vector.broadcast %broadcast_in_dim3A_322 : i32 to vector<16x1xi32>
      %gather3A_324 = vector.shape_cast %broadcast_in_dim3A_323 : vector<16x1xi32> to vector<16xi32>
      %gather3A_325 = tpu.dynamic_gather %max3A_256[%gather3A_324] in [0] : vector<16xf32>, vector<16xi32> -> vector<16xf32>
      %mul3A_326 = arith.mulf %gather3A_325, %get3A_67 : vector<16xf32>
      %broadcast_in_dim3A_327 = arith.constant 14 : i32
      %broadcast_in_dim3A_328 = vector.broadcast %broadcast_in_dim3A_327 : i32 to vector<16x1xi32>
      %gather3A_329 = vector.shape_cast %broadcast_in_dim3A_328 : vector<16x1xi32> to vector<16xi32>
      %gather3A_330 = tpu.dynamic_gather %max3A_256[%gather3A_329] in [0] : vector<16xf32>, vector<16xi32> -> vector<16xf32>
      %mul3A_331 = arith.mulf %gather3A_330, %get3A_71 : vector<16xf32>
      %broadcast_in_dim3A_332 = arith.constant 15 : i32
      %broadcast_in_dim3A_333 = vector.broadcast %broadcast_in_dim3A_332 : i32 to vector<16x1xi32>
      %gather3A_334 = vector.shape_cast %broadcast_in_dim3A_333 : vector<16x1xi32> to vector<16xi32>
      %gather3A_335 = tpu.dynamic_gather %max3A_256[%gather3A_334] in [0] : vector<16xf32>, vector<16xi32> -> vector<16xf32>
      %mul3A_336 = arith.mulf %gather3A_335, %get3A_75 : vector<16xf32>
      %add3A_337 = arith.addf %mul3A_261, %mul3A_266 : vector<16xf32>
      %add3A_338 = arith.addf %mul3A_271, %mul3A_276 : vector<16xf32>
      %add3A_339 = arith.addf %mul3A_281, %mul3A_286 : vector<16xf32>
      %add3A_340 = arith.addf %mul3A_291, %mul3A_296 : vector<16xf32>
      %add3A_341 = arith.addf %mul3A_301, %mul3A_306 : vector<16xf32>
      %add3A_342 = arith.addf %mul3A_311, %mul3A_316 : vector<16xf32>
      %add3A_343 = arith.addf %mul3A_321, %mul3A_326 : vector<16xf32>
      %add3A_344 = arith.addf %mul3A_331, %mul3A_336 : vector<16xf32>
      %add3A_345 = arith.addf %add3A_337, %add3A_338 : vector<16xf32>
      %add3A_346 = arith.addf %add3A_339, %add3A_340 : vector<16xf32>
      %add3A_347 = arith.addf %add3A_341, %add3A_342 : vector<16xf32>
      %add3A_348 = arith.addf %add3A_343, %add3A_344 : vector<16xf32>
      %add3A_349 = arith.addf %add3A_345, %add3A_346 : vector<16xf32>
      %add3A_350 = arith.addf %add3A_347, %add3A_348 : vector<16xf32>
      %add3A_351 = arith.addf %add3A_349, %add3A_350 : vector<16xf32>
      %mul3A_352 = arith.mulf %add3A_351, %get3A_244 : vector<16xf32>
      %swap3A_353 = arith.index_cast %add3A_241 : i32 to index
      %swap3A_354 = arith.constant 0 : index
      %swap3A_355 = tpu.vector_load %arg16[%swap3A_353, %swap3A_354] {strides = array<i32>} : memref<640x16xf32, #tpu.memory_space<vmem>>, vector<16xf32>,
      tpu.vector_store %arg16[%swap3A_353, %swap3A_354], %mul3A_352 {strides = array<i32>} : memref<640x16xf32, #tpu.memory_space<vmem>>, vector<16xf32>,
    }
    %scan3A_80 = arith.constant 320 : i32
    "tpu.region"() ({
      %run_scoped3A_125 = tpu.sem_alloc : memref<!tpu.dma_semaphore, #tpu.memory_space<semaphore_mem>>
      %dma_start3A_126 = arith.constant 0 : i32
      %dma_start3A_127 = tpu.memref_slice %arg22[%mul3A_2, %dma_start3A_126] : memref<10240x16xf32, #tpu.memory_space<vmem_shared>> -> memref<640x16xf32, #tpu.memory_space<vmem_shared>>
      %dma_start3A_128 = arith.constant 0 : i32
      %dma_start3A_129 = tpu.memref_slice %arg22[%mul3A_2, %dma_start3A_128] : memref<10240x16xf32, #tpu.memory_space<vmem_shared>> -> memref<640x16xf32, #tpu.memory_space<vmem_shared>>
      tpu.enqueue_dma source(%arg16 : memref<640x16xf32, #tpu.memory_space<vmem>>) target(%dma_start3A_129 : memref<640x16xf32, #tpu.memory_space<vmem_shared>>) target_semaphore(%run_scoped3A_125 : memref<!tpu.dma_semaphore, #tpu.memory_space<semaphore_mem>>)
      %dma_wait3A = arith.constant 0 : i32
      %dma_wait3A_130 = tpu.memref_slice %arg22[%mul3A_2, %dma_wait3A] : memref<10240x16xf32, #tpu.memory_space<vmem_shared>> -> memref<640x16xf32, #tpu.memory_space<vmem_shared>>
      %dma_wait3A_131 = arith.constant 0 : i32
      %dma_wait3A_132 = tpu.memref_slice %arg22[%mul3A_2, %dma_wait3A_131] : memref<10240x16xf32, #tpu.memory_space<vmem_shared>> -> memref<640x16xf32, #tpu.memory_space<vmem_shared>>
      tpu.wait_dma2 semaphore(%run_scoped3A_125 : memref<!tpu.dma_semaphore, #tpu.memory_space<semaphore_mem>>) src(%arg16 : memref<640x16xf32, #tpu.memory_space<vmem>>) dst(%dma_wait3A_132 : memref<640x16xf32, #tpu.memory_space<vmem_shared>>)
      tpu.yield
    }) : () -> ()
    %eq3A_81 = arith.constant 0 : i32
    %eq3A_82 = arith.cmpi eq, %arg0, %eq3A_81 : i32
    %convert_element_type3A_83 = arith.extui %eq3A_82 : i1 to i32
    %cond3A_84 = arith.constant 0 : i32
    %cond3A_85 = arith.cmpi ne, %convert_element_type3A_83, %cond3A_84 : i32
    scf.if %cond3A_85 {
      "tpu.region"() ({
        %run_scoped3A_125 = tpu.sem_alloc : memref<!tpu.dma_semaphore, #tpu.memory_space<semaphore_mem>>
        %dma_start3A_126 = arith.constant 0 : i32
        %dma_start3A_127 = tpu.memref_slice %arg21[%mul3A_2, %dma_start3A_126] : memref<10240x16xf32, #tpu.memory_space<vmem_shared>> -> memref<640x16xf32, #tpu.memory_space<vmem_shared>>
        %dma_start3A_128 = arith.constant 0 : i32
        %dma_start3A_129 = tpu.memref_slice %arg21[%mul3A_2, %dma_start3A_128] : memref<10240x16xf32, #tpu.memory_space<vmem_shared>> -> memref<640x16xf32, #tpu.memory_space<vmem_shared>>
        tpu.enqueue_dma source(%arg16 : memref<640x16xf32, #tpu.memory_space<vmem>>) target(%dma_start3A_129 : memref<640x16xf32, #tpu.memory_space<vmem_shared>>) target_semaphore(%run_scoped3A_125 : memref<!tpu.dma_semaphore, #tpu.memory_space<semaphore_mem>>)
        %dma_wait3A = arith.constant 0 : i32
        %dma_wait3A_130 = tpu.memref_slice %arg21[%mul3A_2, %dma_wait3A] : memref<10240x16xf32, #tpu.memory_space<vmem_shared>> -> memref<640x16xf32, #tpu.memory_space<vmem_shared>>
        %dma_wait3A_131 = arith.constant 0 : i32
        %dma_wait3A_132 = tpu.memref_slice %arg21[%mul3A_2, %dma_wait3A_131] : memref<10240x16xf32, #tpu.memory_space<vmem_shared>> -> memref<640x16xf32, #tpu.memory_space<vmem_shared>>
        tpu.wait_dma2 semaphore(%run_scoped3A_125 : memref<!tpu.dma_semaphore, #tpu.memory_space<semaphore_mem>>) src(%arg16 : memref<640x16xf32, #tpu.memory_space<vmem>>) dst(%dma_wait3A_132 : memref<640x16xf32, #tpu.memory_space<vmem_shared>>)
        tpu.yield
      }) : () -> ()
    } else {
    }
    %barrier3A = arith.constant 0 : index
    tpu.barrier barrier_id(%barrier3A)
    %dma_start3A = arith.constant 0 : i32
    %dma_start3A_86 = arith.constant 0 : i32
    %dma_start3A_87 = tpu.memref_slice %arg10[%dma_start3A, %dma_start3A_86] : memref<80x128xi32, #tpu.memory_space<vmem>> -> memref<1x128xi32, #tpu.memory_space<vmem>>
    %dma_start3A_88 = tpu.memref_squeeze %dma_start3A_87 : memref<1x128xi32, #tpu.memory_space<vmem>> -> memref<128xi32, #tpu.memory_space<vmem>>
    %dma_start3A_89 = arith.constant 0 : i32
    %dma_start3A_90 = arith.constant 0 : i32
    %dma_start3A_91 = tpu.memref_slice %arg22[%dma_start3A_89, %dma_start3A_90] : memref<10240x16xf32, #tpu.memory_space<vmem_shared>> -> memref<10240x16xf32, #tpu.memory_space<vmem_shared>>
    tpu.enqueue_indirect_dma source(%dma_start3A_91 : memref<10240x16xf32, #tpu.memory_space<vmem_shared>>) target(%arg12 : memref<128x16xf32, #tpu.memory_space<vmem>>) offsets(%dma_start3A_88 : memref<128xi32, #tpu.memory_space<vmem>>) semaphore(%arg23 : memref<!tpu.dma_semaphore, #tpu.memory_space<semaphore_mem>>)
    %dma_start3A_92 = arith.constant 1 : i32
    %dma_start3A_93 = arith.constant 0 : i32
    %dma_start3A_94 = tpu.memref_slice %arg10[%dma_start3A_92, %dma_start3A_93] : memref<80x128xi32, #tpu.memory_space<vmem>> -> memref<1x128xi32, #tpu.memory_space<vmem>>
    %dma_start3A_95 = tpu.memref_squeeze %dma_start3A_94 : memref<1x128xi32, #tpu.memory_space<vmem>> -> memref<128xi32, #tpu.memory_space<vmem>>
    %dma_start3A_96 = arith.constant 0 : i32
    %dma_start3A_97 = arith.constant 0 : i32
    %dma_start3A_98 = tpu.memref_slice %arg22[%dma_start3A_96, %dma_start3A_97] : memref<10240x16xf32, #tpu.memory_space<vmem_shared>> -> memref<10240x16xf32, #tpu.memory_space<vmem_shared>>
    tpu.enqueue_indirect_dma source(%dma_start3A_98 : memref<10240x16xf32, #tpu.memory_space<vmem_shared>>) target(%arg13 : memref<128x16xf32, #tpu.memory_space<vmem>>) offsets(%dma_start3A_95 : memref<128xi32, #tpu.memory_space<vmem>>) semaphore(%arg24 : memref<!tpu.dma_semaphore, #tpu.memory_space<semaphore_mem>>)
    %dma_start3A_99 = arith.constant 2 : i32
    %dma_start3A_100 = arith.constant 0 : i32
    %dma_start3A_101 = tpu.memref_slice %arg10[%dma_start3A_99, %dma_start3A_100] : memref<80x128xi32, #tpu.memory_space<vmem>> -> memref<1x128xi32, #tpu.memory_space<vmem>>
    %dma_start3A_102 = tpu.memref_squeeze %dma_start3A_101 : memref<1x128xi32, #tpu.memory_space<vmem>> -> memref<128xi32, #tpu.memory_space<vmem>>
    %dma_start3A_103 = arith.constant 0 : i32
    %dma_start3A_104 = arith.constant 0 : i32
    %dma_start3A_105 = tpu.memref_slice %arg22[%dma_start3A_103, %dma_start3A_104] : memref<10240x16xf32, #tpu.memory_space<vmem_shared>> -> memref<10240x16xf32, #tpu.memory_space<vmem_shared>>
    tpu.enqueue_indirect_dma source(%dma_start3A_105 : memref<10240x16xf32, #tpu.memory_space<vmem_shared>>) target(%arg14 : memref<128x16xf32, #tpu.memory_space<vmem>>) offsets(%dma_start3A_102 : memref<128xi32, #tpu.memory_space<vmem>>) semaphore(%arg25 : memref<!tpu.dma_semaphore, #tpu.memory_space<semaphore_mem>>)
    %dma_start3A_106 = arith.constant 3 : i32
    %dma_start3A_107 = arith.constant 0 : i32
    %dma_start3A_108 = tpu.memref_slice %arg10[%dma_start3A_106, %dma_start3A_107] : memref<80x128xi32, #tpu.memory_space<vmem>> -> memref<1x128xi32, #tpu.memory_space<vmem>>
    %dma_start3A_109 = tpu.memref_squeeze %dma_start3A_108 : memref<1x128xi32, #tpu.memory_space<vmem>> -> memref<128xi32, #tpu.memory_space<vmem>>
    %dma_start3A_110 = arith.constant 0 : i32
    %dma_start3A_111 = arith.constant 0 : i32
    %dma_start3A_112 = tpu.memref_slice %arg22[%dma_start3A_110, %dma_start3A_111] : memref<10240x16xf32, #tpu.memory_space<vmem_shared>> -> memref<10240x16xf32, #tpu.memory_space<vmem_shared>>
    tpu.enqueue_indirect_dma source(%dma_start3A_112 : memref<10240x16xf32, #tpu.memory_space<vmem_shared>>) target(%arg15 : memref<128x16xf32, #tpu.memory_space<vmem>>) offsets(%dma_start3A_109 : memref<128xi32, #tpu.memory_space<vmem>>) semaphore(%arg26 : memref<!tpu.dma_semaphore, #tpu.memory_space<semaphore_mem>>)
    %scan3A_113 = arith.constant 0 : i32
    %scan3A_114 = arith.constant 0 : i32
    %scan3A_115 = arith.constant 20 : i32
    %scan3A_116 = arith.addi %scan3A_114, %scan3A_115 : i32
    %scan3A_117 = arith.constant 1 : i32
    scf.for %scan3A_125 = %scan3A_114 to %scan3A_116 step %scan3A_117  : i32 {
      %mul3A_126 = arith.constant 4 : i32
      %mul3A_127 = arith.muli %scan3A_125, %mul3A_126 : i32
      %add3A_128 = arith.constant 0 : i32
      %add3A_129 = arith.addi %mul3A_127, %add3A_128 : i32
      %dma_wait3A = arith.constant 0 : i32
      %dma_wait3A_130 = tpu.memref_slice %arg10[%add3A_129, %dma_wait3A] : memref<80x128xi32, #tpu.memory_space<vmem>> -> memref<1x128xi32, #tpu.memory_space<vmem>>
      %dma_wait3A_131 = tpu.memref_squeeze %dma_wait3A_130 : memref<1x128xi32, #tpu.memory_space<vmem>> -> memref<128xi32, #tpu.memory_space<vmem>>
      %dma_wait3A_132 = arith.constant 0 : i32
      %dma_wait3A_133 = arith.constant 0 : i32
      %dma_wait3A_134 = tpu.memref_slice %arg22[%dma_wait3A_132, %dma_wait3A_133] : memref<10240x16xf32, #tpu.memory_space<vmem_shared>> -> memref<10240x16xf32, #tpu.memory_space<vmem_shared>>
      tpu.wait_indirect_dma semaphore(%arg23 : memref<!tpu.dma_semaphore, #tpu.memory_space<semaphore_mem>>) src(%dma_wait3A_134 : memref<10240x16xf32, #tpu.memory_space<vmem_shared>>) dst(%arg12 : memref<128x16xf32, #tpu.memory_space<vmem>>)
      "tpu.region"() ({
        %run_scoped3A_186 = tpu.sem_alloc : memref<!tpu.dma_semaphore, #tpu.memory_space<semaphore_mem>>
        %dma_start3A_187 = arith.constant 0 : i32
        %dma_start3A_188 = tpu.memref_slice %arg11[%add3A_129, %dma_start3A_187] : memref<80x128xi32, #tpu.memory_space<vmem>> -> memref<1x128xi32, #tpu.memory_space<vmem>>
        %dma_start3A_189 = tpu.memref_squeeze %dma_start3A_188 : memref<1x128xi32, #tpu.memory_space<vmem>> -> memref<128xi32, #tpu.memory_space<vmem>>
        %dma_start3A_190 = arith.constant 0 : i32
        %dma_start3A_191 = arith.constant 0 : i32
        %dma_start3A_192 = tpu.memref_slice %arg21[%dma_start3A_190, %dma_start3A_191] : memref<10240x16xf32, #tpu.memory_space<vmem_shared>> -> memref<10240x16xf32, #tpu.memory_space<vmem_shared>>
        tpu.enqueue_indirect_dma source(%arg12 : memref<128x16xf32, #tpu.memory_space<vmem>>) target(%dma_start3A_192 : memref<10240x16xf32, #tpu.memory_space<vmem_shared>>) offsets(%dma_start3A_189 : memref<128xi32, #tpu.memory_space<vmem>>) semaphore(%run_scoped3A_186 : memref<!tpu.dma_semaphore, #tpu.memory_space<semaphore_mem>>) {add = true}
        %dma_wait3A_193 = arith.constant 0 : i32
        %dma_wait3A_194 = tpu.memref_slice %arg11[%add3A_129, %dma_wait3A_193] : memref<80x128xi32, #tpu.memory_space<vmem>> -> memref<1x128xi32, #tpu.memory_space<vmem>>
        %dma_wait3A_195 = tpu.memref_squeeze %dma_wait3A_194 : memref<1x128xi32, #tpu.memory_space<vmem>> -> memref<128xi32, #tpu.memory_space<vmem>>
        %dma_wait3A_196 = arith.constant 0 : i32
        %dma_wait3A_197 = arith.constant 0 : i32
        %dma_wait3A_198 = tpu.memref_slice %arg21[%dma_wait3A_196, %dma_wait3A_197] : memref<10240x16xf32, #tpu.memory_space<vmem_shared>> -> memref<10240x16xf32, #tpu.memory_space<vmem_shared>>
        tpu.wait_indirect_dma semaphore(%run_scoped3A_186 : memref<!tpu.dma_semaphore, #tpu.memory_space<semaphore_mem>>) src(%arg12 : memref<128x16xf32, #tpu.memory_space<vmem>>) dst(%dma_wait3A_198 : memref<10240x16xf32, #tpu.memory_space<vmem_shared>>)
        tpu.yield
      }) : () -> ()
      %add3A_135 = arith.constant 4 : i32
      %add3A_136 = arith.addi %add3A_129, %add3A_135 : i32
      %lt3A = arith.constant 80 : i32
      %lt3A_137 = arith.cmpi slt, %add3A_136, %lt3A : i32
      %convert_element_type3A_138 = arith.extui %lt3A_137 : i1 to i32
      %cond3A_139 = arith.constant 0 : i32
      %cond3A_140 = arith.cmpi ne, %convert_element_type3A_138, %cond3A_139 : i32
      scf.if %cond3A_140 {
        %add3A_186 = arith.constant 4 : i32
        %add3A_187 = arith.addi %add3A_129, %add3A_186 : i32
        %dma_start3A_188 = arith.constant 0 : i32
        %dma_start3A_189 = tpu.memref_slice %arg10[%add3A_187, %dma_start3A_188] : memref<80x128xi32, #tpu.memory_space<vmem>> -> memref<1x128xi32, #tpu.memory_space<vmem>>
        %dma_start3A_190 = tpu.memref_squeeze %dma_start3A_189 : memref<1x128xi32, #tpu.memory_space<vmem>> -> memref<128xi32, #tpu.memory_space<vmem>>
        %dma_start3A_191 = arith.constant 0 : i32
        %dma_start3A_192 = arith.constant 0 : i32
        %dma_start3A_193 = tpu.memref_slice %arg22[%dma_start3A_191, %dma_start3A_192] : memref<10240x16xf32, #tpu.memory_space<vmem_shared>> -> memref<10240x16xf32, #tpu.memory_space<vmem_shared>>
        tpu.enqueue_indirect_dma source(%dma_start3A_193 : memref<10240x16xf32, #tpu.memory_space<vmem_shared>>) target(%arg12 : memref<128x16xf32, #tpu.memory_space<vmem>>) offsets(%dma_start3A_190 : memref<128xi32, #tpu.memory_space<vmem>>) semaphore(%arg23 : memref<!tpu.dma_semaphore, #tpu.memory_space<semaphore_mem>>)
      } else {
      }
      %add3A_141 = arith.constant 1 : i32
      %add3A_142 = arith.addi %mul3A_127, %add3A_141 : i32
      %dma_wait3A_143 = arith.constant 0 : i32
      %dma_wait3A_144 = tpu.memref_slice %arg10[%add3A_142, %dma_wait3A_143] : memref<80x128xi32, #tpu.memory_space<vmem>> -> memref<1x128xi32, #tpu.memory_space<vmem>>
      %dma_wait3A_145 = tpu.memref_squeeze %dma_wait3A_144 : memref<1x128xi32, #tpu.memory_space<vmem>> -> memref<128xi32, #tpu.memory_space<vmem>>
      %dma_wait3A_146 = arith.constant 0 : i32
      %dma_wait3A_147 = arith.constant 0 : i32
      %dma_wait3A_148 = tpu.memref_slice %arg22[%dma_wait3A_146, %dma_wait3A_147] : memref<10240x16xf32, #tpu.memory_space<vmem_shared>> -> memref<10240x16xf32, #tpu.memory_space<vmem_shared>>
      tpu.wait_indirect_dma semaphore(%arg24 : memref<!tpu.dma_semaphore, #tpu.memory_space<semaphore_mem>>) src(%dma_wait3A_148 : memref<10240x16xf32, #tpu.memory_space<vmem_shared>>) dst(%arg13 : memref<128x16xf32, #tpu.memory_space<vmem>>)
      "tpu.region"() ({
        %run_scoped3A_186 = tpu.sem_alloc : memref<!tpu.dma_semaphore, #tpu.memory_space<semaphore_mem>>
        %dma_start3A_187 = arith.constant 0 : i32
        %dma_start3A_188 = tpu.memref_slice %arg11[%add3A_142, %dma_start3A_187] : memref<80x128xi32, #tpu.memory_space<vmem>> -> memref<1x128xi32, #tpu.memory_space<vmem>>
        %dma_start3A_189 = tpu.memref_squeeze %dma_start3A_188 : memref<1x128xi32, #tpu.memory_space<vmem>> -> memref<128xi32, #tpu.memory_space<vmem>>
        %dma_start3A_190 = arith.constant 0 : i32
        %dma_start3A_191 = arith.constant 0 : i32
        %dma_start3A_192 = tpu.memref_slice %arg21[%dma_start3A_190, %dma_start3A_191] : memref<10240x16xf32, #tpu.memory_space<vmem_shared>> -> memref<10240x16xf32, #tpu.memory_space<vmem_shared>>
        tpu.enqueue_indirect_dma source(%arg13 : memref<128x16xf32, #tpu.memory_space<vmem>>) target(%dma_start3A_192 : memref<10240x16xf32, #tpu.memory_space<vmem_shared>>) offsets(%dma_start3A_189 : memref<128xi32, #tpu.memory_space<vmem>>) semaphore(%run_scoped3A_186 : memref<!tpu.dma_semaphore, #tpu.memory_space<semaphore_mem>>) {add = true}
        %dma_wait3A_193 = arith.constant 0 : i32
        %dma_wait3A_194 = tpu.memref_slice %arg11[%add3A_142, %dma_wait3A_193] : memref<80x128xi32, #tpu.memory_space<vmem>> -> memref<1x128xi32, #tpu.memory_space<vmem>>
        %dma_wait3A_195 = tpu.memref_squeeze %dma_wait3A_194 : memref<1x128xi32, #tpu.memory_space<vmem>> -> memref<128xi32, #tpu.memory_space<vmem>>
        %dma_wait3A_196 = arith.constant 0 : i32
        %dma_wait3A_197 = arith.constant 0 : i32
        %dma_wait3A_198 = tpu.memref_slice %arg21[%dma_wait3A_196, %dma_wait3A_197] : memref<10240x16xf32, #tpu.memory_space<vmem_shared>> -> memref<10240x16xf32, #tpu.memory_space<vmem_shared>>
        tpu.wait_indirect_dma semaphore(%run_scoped3A_186 : memref<!tpu.dma_semaphore, #tpu.memory_space<semaphore_mem>>) src(%arg13 : memref<128x16xf32, #tpu.memory_space<vmem>>) dst(%dma_wait3A_198 : memref<10240x16xf32, #tpu.memory_space<vmem_shared>>)
        tpu.yield
      }) : () -> ()
      %add3A_149 = arith.constant 4 : i32
      %add3A_150 = arith.addi %add3A_142, %add3A_149 : i32
      %lt3A_151 = arith.constant 80 : i32
      %lt3A_152 = arith.cmpi slt, %add3A_150, %lt3A_151 : i32
      %convert_element_type3A_153 = arith.extui %lt3A_152 : i1 to i32
      %cond3A_154 = arith.constant 0 : i32
      %cond3A_155 = arith.cmpi ne, %convert_element_type3A_153, %cond3A_154 : i32
      scf.if %cond3A_155 {
        %add3A_186 = arith.constant 4 : i32
        %add3A_187 = arith.addi %add3A_142, %add3A_186 : i32
        %dma_start3A_188 = arith.constant 0 : i32
        %dma_start3A_189 = tpu.memref_slice %arg10[%add3A_187, %dma_start3A_188] : memref<80x128xi32, #tpu.memory_space<vmem>> -> memref<1x128xi32, #tpu.memory_space<vmem>>
        %dma_start3A_190 = tpu.memref_squeeze %dma_start3A_189 : memref<1x128xi32, #tpu.memory_space<vmem>> -> memref<128xi32, #tpu.memory_space<vmem>>
        %dma_start3A_191 = arith.constant 0 : i32
        %dma_start3A_192 = arith.constant 0 : i32
        %dma_start3A_193 = tpu.memref_slice %arg22[%dma_start3A_191, %dma_start3A_192] : memref<10240x16xf32, #tpu.memory_space<vmem_shared>> -> memref<10240x16xf32, #tpu.memory_space<vmem_shared>>
        tpu.enqueue_indirect_dma source(%dma_start3A_193 : memref<10240x16xf32, #tpu.memory_space<vmem_shared>>) target(%arg13 : memref<128x16xf32, #tpu.memory_space<vmem>>) offsets(%dma_start3A_190 : memref<128xi32, #tpu.memory_space<vmem>>) semaphore(%arg24 : memref<!tpu.dma_semaphore, #tpu.memory_space<semaphore_mem>>)
      } else {
      }
      %add3A_156 = arith.constant 2 : i32
      %add3A_157 = arith.addi %mul3A_127, %add3A_156 : i32
      %dma_wait3A_158 = arith.constant 0 : i32
      %dma_wait3A_159 = tpu.memref_slice %arg10[%add3A_157, %dma_wait3A_158] : memref<80x128xi32, #tpu.memory_space<vmem>> -> memref<1x128xi32, #tpu.memory_space<vmem>>
      %dma_wait3A_160 = tpu.memref_squeeze %dma_wait3A_159 : memref<1x128xi32, #tpu.memory_space<vmem>> -> memref<128xi32, #tpu.memory_space<vmem>>
      %dma_wait3A_161 = arith.constant 0 : i32
      %dma_wait3A_162 = arith.constant 0 : i32
      %dma_wait3A_163 = tpu.memref_slice %arg22[%dma_wait3A_161, %dma_wait3A_162] : memref<10240x16xf32, #tpu.memory_space<vmem_shared>> -> memref<10240x16xf32, #tpu.memory_space<vmem_shared>>
      tpu.wait_indirect_dma semaphore(%arg25 : memref<!tpu.dma_semaphore, #tpu.memory_space<semaphore_mem>>) src(%dma_wait3A_163 : memref<10240x16xf32, #tpu.memory_space<vmem_shared>>) dst(%arg14 : memref<128x16xf32, #tpu.memory_space<vmem>>)
      "tpu.region"() ({
        %run_scoped3A_186 = tpu.sem_alloc : memref<!tpu.dma_semaphore, #tpu.memory_space<semaphore_mem>>
        %dma_start3A_187 = arith.constant 0 : i32
        %dma_start3A_188 = tpu.memref_slice %arg11[%add3A_157, %dma_start3A_187] : memref<80x128xi32, #tpu.memory_space<vmem>> -> memref<1x128xi32, #tpu.memory_space<vmem>>
        %dma_start3A_189 = tpu.memref_squeeze %dma_start3A_188 : memref<1x128xi32, #tpu.memory_space<vmem>> -> memref<128xi32, #tpu.memory_space<vmem>>
        %dma_start3A_190 = arith.constant 0 : i32
        %dma_start3A_191 = arith.constant 0 : i32
        %dma_start3A_192 = tpu.memref_slice %arg21[%dma_start3A_190, %dma_start3A_191] : memref<10240x16xf32, #tpu.memory_space<vmem_shared>> -> memref<10240x16xf32, #tpu.memory_space<vmem_shared>>
        tpu.enqueue_indirect_dma source(%arg14 : memref<128x16xf32, #tpu.memory_space<vmem>>) target(%dma_start3A_192 : memref<10240x16xf32, #tpu.memory_space<vmem_shared>>) offsets(%dma_start3A_189 : memref<128xi32, #tpu.memory_space<vmem>>) semaphore(%run_scoped3A_186 : memref<!tpu.dma_semaphore, #tpu.memory_space<semaphore_mem>>) {add = true}
        %dma_wait3A_193 = arith.constant 0 : i32
        %dma_wait3A_194 = tpu.memref_slice %arg11[%add3A_157, %dma_wait3A_193] : memref<80x128xi32, #tpu.memory_space<vmem>> -> memref<1x128xi32, #tpu.memory_space<vmem>>
        %dma_wait3A_195 = tpu.memref_squeeze %dma_wait3A_194 : memref<1x128xi32, #tpu.memory_space<vmem>> -> memref<128xi32, #tpu.memory_space<vmem>>
        %dma_wait3A_196 = arith.constant 0 : i32
        %dma_wait3A_197 = arith.constant 0 : i32
        %dma_wait3A_198 = tpu.memref_slice %arg21[%dma_wait3A_196, %dma_wait3A_197] : memref<10240x16xf32, #tpu.memory_space<vmem_shared>> -> memref<10240x16xf32, #tpu.memory_space<vmem_shared>>
        tpu.wait_indirect_dma semaphore(%run_scoped3A_186 : memref<!tpu.dma_semaphore, #tpu.memory_space<semaphore_mem>>) src(%arg14 : memref<128x16xf32, #tpu.memory_space<vmem>>) dst(%dma_wait3A_198 : memref<10240x16xf32, #tpu.memory_space<vmem_shared>>)
        tpu.yield
      }) : () -> ()
      %add3A_164 = arith.constant 4 : i32
      %add3A_165 = arith.addi %add3A_157, %add3A_164 : i32
      %lt3A_166 = arith.constant 80 : i32
      %lt3A_167 = arith.cmpi slt, %add3A_165, %lt3A_166 : i32
      %convert_element_type3A_168 = arith.extui %lt3A_167 : i1 to i32
      %cond3A_169 = arith.constant 0 : i32
      %cond3A_170 = arith.cmpi ne, %convert_element_type3A_168, %cond3A_169 : i32
      scf.if %cond3A_170 {
        %add3A_186 = arith.constant 4 : i32
        %add3A_187 = arith.addi %add3A_157, %add3A_186 : i32
        %dma_start3A_188 = arith.constant 0 : i32
        %dma_start3A_189 = tpu.memref_slice %arg10[%add3A_187, %dma_start3A_188] : memref<80x128xi32, #tpu.memory_space<vmem>> -> memref<1x128xi32, #tpu.memory_space<vmem>>
        %dma_start3A_190 = tpu.memref_squeeze %dma_start3A_189 : memref<1x128xi32, #tpu.memory_space<vmem>> -> memref<128xi32, #tpu.memory_space<vmem>>
        %dma_start3A_191 = arith.constant 0 : i32
        %dma_start3A_192 = arith.constant 0 : i32
        %dma_start3A_193 = tpu.memref_slice %arg22[%dma_start3A_191, %dma_start3A_192] : memref<10240x16xf32, #tpu.memory_space<vmem_shared>> -> memref<10240x16xf32, #tpu.memory_space<vmem_shared>>
        tpu.enqueue_indirect_dma source(%dma_start3A_193 : memref<10240x16xf32, #tpu.memory_space<vmem_shared>>) target(%arg14 : memref<128x16xf32, #tpu.memory_space<vmem>>) offsets(%dma_start3A_190 : memref<128xi32, #tpu.memory_space<vmem>>) semaphore(%arg25 : memref<!tpu.dma_semaphore, #tpu.memory_space<semaphore_mem>>)
      } else {
      }
      %add3A_171 = arith.constant 3 : i32
      %add3A_172 = arith.addi %mul3A_127, %add3A_171 : i32
      %dma_wait3A_173 = arith.constant 0 : i32
      %dma_wait3A_174 = tpu.memref_slice %arg10[%add3A_172, %dma_wait3A_173] : memref<80x128xi32, #tpu.memory_space<vmem>> -> memref<1x128xi32, #tpu.memory_space<vmem>>
      %dma_wait3A_175 = tpu.memref_squeeze %dma_wait3A_174 : memref<1x128xi32, #tpu.memory_space<vmem>> -> memref<128xi32, #tpu.memory_space<vmem>>
      %dma_wait3A_176 = arith.constant 0 : i32
      %dma_wait3A_177 = arith.constant 0 : i32
      %dma_wait3A_178 = tpu.memref_slice %arg22[%dma_wait3A_176, %dma_wait3A_177] : memref<10240x16xf32, #tpu.memory_space<vmem_shared>> -> memref<10240x16xf32, #tpu.memory_space<vmem_shared>>
      tpu.wait_indirect_dma semaphore(%arg26 : memref<!tpu.dma_semaphore, #tpu.memory_space<semaphore_mem>>) src(%dma_wait3A_178 : memref<10240x16xf32, #tpu.memory_space<vmem_shared>>) dst(%arg15 : memref<128x16xf32, #tpu.memory_space<vmem>>)
      "tpu.region"() ({
        %run_scoped3A_186 = tpu.sem_alloc : memref<!tpu.dma_semaphore, #tpu.memory_space<semaphore_mem>>
        %dma_start3A_187 = arith.constant 0 : i32
        %dma_start3A_188 = tpu.memref_slice %arg11[%add3A_172, %dma_start3A_187] : memref<80x128xi32, #tpu.memory_space<vmem>> -> memref<1x128xi32, #tpu.memory_space<vmem>>
        %dma_start3A_189 = tpu.memref_squeeze %dma_start3A_188 : memref<1x128xi32, #tpu.memory_space<vmem>> -> memref<128xi32, #tpu.memory_space<vmem>>
        %dma_start3A_190 = arith.constant 0 : i32
        %dma_start3A_191 = arith.constant 0 : i32
        %dma_start3A_192 = tpu.memref_slice %arg21[%dma_start3A_190, %dma_start3A_191] : memref<10240x16xf32, #tpu.memory_space<vmem_shared>> -> memref<10240x16xf32, #tpu.memory_space<vmem_shared>>
        tpu.enqueue_indirect_dma source(%arg15 : memref<128x16xf32, #tpu.memory_space<vmem>>) target(%dma_start3A_192 : memref<10240x16xf32, #tpu.memory_space<vmem_shared>>) offsets(%dma_start3A_189 : memref<128xi32, #tpu.memory_space<vmem>>) semaphore(%run_scoped3A_186 : memref<!tpu.dma_semaphore, #tpu.memory_space<semaphore_mem>>) {add = true}
        %dma_wait3A_193 = arith.constant 0 : i32
        %dma_wait3A_194 = tpu.memref_slice %arg11[%add3A_172, %dma_wait3A_193] : memref<80x128xi32, #tpu.memory_space<vmem>> -> memref<1x128xi32, #tpu.memory_space<vmem>>
        %dma_wait3A_195 = tpu.memref_squeeze %dma_wait3A_194 : memref<1x128xi32, #tpu.memory_space<vmem>> -> memref<128xi32, #tpu.memory_space<vmem>>
        %dma_wait3A_196 = arith.constant 0 : i32
        %dma_wait3A_197 = arith.constant 0 : i32
        %dma_wait3A_198 = tpu.memref_slice %arg21[%dma_wait3A_196, %dma_wait3A_197] : memref<10240x16xf32, #tpu.memory_space<vmem_shared>> -> memref<10240x16xf32, #tpu.memory_space<vmem_shared>>
        tpu.wait_indirect_dma semaphore(%run_scoped3A_186 : memref<!tpu.dma_semaphore, #tpu.memory_space<semaphore_mem>>) src(%arg15 : memref<128x16xf32, #tpu.memory_space<vmem>>) dst(%dma_wait3A_198 : memref<10240x16xf32, #tpu.memory_space<vmem_shared>>)
        tpu.yield
      }) : () -> ()
      %add3A_179 = arith.constant 4 : i32
      %add3A_180 = arith.addi %add3A_172, %add3A_179 : i32
      %lt3A_181 = arith.constant 80 : i32
      %lt3A_182 = arith.cmpi slt, %add3A_180, %lt3A_181 : i32
      %convert_element_type3A_183 = arith.extui %lt3A_182 : i1 to i32
      %cond3A_184 = arith.constant 0 : i32
      %cond3A_185 = arith.cmpi ne, %convert_element_type3A_183, %cond3A_184 : i32
      scf.if %cond3A_185 {
        %add3A_186 = arith.constant 4 : i32
        %add3A_187 = arith.addi %add3A_172, %add3A_186 : i32
        %dma_start3A_188 = arith.constant 0 : i32
        %dma_start3A_189 = tpu.memref_slice %arg10[%add3A_187, %dma_start3A_188] : memref<80x128xi32, #tpu.memory_space<vmem>> -> memref<1x128xi32, #tpu.memory_space<vmem>>
        %dma_start3A_190 = tpu.memref_squeeze %dma_start3A_189 : memref<1x128xi32, #tpu.memory_space<vmem>> -> memref<128xi32, #tpu.memory_space<vmem>>
        %dma_start3A_191 = arith.constant 0 : i32
        %dma_start3A_192 = arith.constant 0 : i32
        %dma_start3A_193 = tpu.memref_slice %arg22[%dma_start3A_191, %dma_start3A_192] : memref<10240x16xf32, #tpu.memory_space<vmem_shared>> -> memref<10240x16xf32, #tpu.memory_space<vmem_shared>>
        tpu.enqueue_indirect_dma source(%dma_start3A_193 : memref<10240x16xf32, #tpu.memory_space<vmem_shared>>) target(%arg15 : memref<128x16xf32, #tpu.memory_space<vmem>>) offsets(%dma_start3A_190 : memref<128xi32, #tpu.memory_space<vmem>>) semaphore(%arg26 : memref<!tpu.dma_semaphore, #tpu.memory_space<semaphore_mem>>)
      } else {
      }
    }
    %scan3A_118 = arith.constant 20 : i32
    %barrier3A_119 = arith.constant 0 : index
    tpu.barrier barrier_id(%barrier3A_119)
    %eq3A_120 = arith.constant 0 : i32
    %eq3A_121 = arith.cmpi eq, %arg1, %eq3A_120 : i32
    %convert_element_type3A_122 = arith.extui %eq3A_121 : i1 to i32
    %cond3A_123 = arith.constant 0 : i32
    %cond3A_124 = arith.cmpi ne, %convert_element_type3A_122, %cond3A_123 : i32
    scf.if %cond3A_124 {
      "tpu.region"() ({
        %run_scoped3A_125 = tpu.sem_alloc : memref<!tpu.dma_semaphore, #tpu.memory_space<semaphore_mem>>
        %dma_start3A_126 = arith.constant 0 : i32
        %dma_start3A_127 = arith.constant 0 : i32
        %dma_start3A_128 = tpu.memref_slice %arg9[%arg0, %dma_start3A_126, %dma_start3A_127] : memref<2x10240x16xf32, #tpu.memory_space<hbm>> -> memref<1x10240x16xf32, #tpu.memory_space<hbm>>
        %dma_start3A_129 = tpu.memref_squeeze %dma_start3A_128 : memref<1x10240x16xf32, #tpu.memory_space<hbm>> -> memref<10240x16xf32, #tpu.memory_space<hbm>>
        tpu.enqueue_dma source(%arg21 : memref<10240x16xf32, #tpu.memory_space<vmem_shared>>) target(%dma_start3A_129 : memref<10240x16xf32, #tpu.memory_space<hbm>>) target_semaphore(%run_scoped3A_125 : memref<!tpu.dma_semaphore, #tpu.memory_space<semaphore_mem>>)
        %dma_wait3A = arith.constant 0 : i32
        %dma_wait3A_130 = arith.constant 0 : i32
        %dma_wait3A_131 = tpu.memref_slice %arg9[%arg0, %dma_wait3A, %dma_wait3A_130] : memref<2x10240x16xf32, #tpu.memory_space<hbm>> -> memref<1x10240x16xf32, #tpu.memory_space<hbm>>
        %dma_wait3A_132 = tpu.memref_squeeze %dma_wait3A_131 : memref<1x10240x16xf32, #tpu.memory_space<hbm>> -> memref<10240x16xf32, #tpu.memory_space<hbm>>
        tpu.wait_dma2 semaphore(%run_scoped3A_125 : memref<!tpu.dma_semaphore, #tpu.memory_space<semaphore_mem>>) src(%arg21 : memref<10240x16xf32, #tpu.memory_space<vmem_shared>>) dst(%dma_wait3A_132 : memref<10240x16xf32, #tpu.memory_space<hbm>>)
        tpu.yield
      }) : () -> ()
    } else {
    }
    return
  }
}

#map = affine_map<(d0, d1) -> (0, 0)>
#map1 = affine_map<(d0, d1) -> (0)>
module attributes {stable_mosaic.version = 14 : i64} {
  func.func @_sc_degree(%arg0: i32, %arg1: i32, %arg2: memref<2560x128xi32, #tpu.memory_space<hbm>>, %arg3: memref<10240xf32, #tpu.memory_space<hbm>>, %arg4: memref<2x10240xf32, #tpu.memory_space<hbm>>, %arg5: memref<80x128xi32, #tpu.memory_space<vmem>>, %arg6: memref<128xf32, #tpu.memory_space<vmem>>, %arg7: memref<10240xf32, #tpu.memory_space<vmem_shared>>) attributes {dimension_semantics = [#tpu.dimension_semantics<core_parallel>, #tpu.dimension_semantics<subcore_parallel>], iteration_bounds = array<i64: 2, 16>, scalar_prefetch = 0 : i64, scratch_operands = 3 : i64, tpu.core_type = #tpu.core_type<sc_vector_subcore>, window_params = [{transform_indices = #map}, {transform_indices = #map1}, {transform_indices = #map}]} {
    %mul3A = arith.constant 2 : i32
    %mul3A_0 = arith.muli %arg1, %mul3A : i32
    %add3A = arith.addi %mul3A_0, %arg0 : i32
    %eq3A = arith.constant 0 : i32
    %eq3A_1 = arith.cmpi eq, %arg1, %eq3A : i32
    %convert_element_type3A = arith.extui %eq3A_1 : i1 to i32
    %cond3A = arith.constant 0 : i32
    %cond3A_2 = arith.cmpi ne, %convert_element_type3A, %cond3A : i32
    scf.if %cond3A_2 {
      "tpu.region"() ({
        %run_scoped3A = tpu.sem_alloc : memref<!tpu.dma_semaphore, #tpu.memory_space<semaphore_mem>>
        tpu.enqueue_dma source(%arg3 : memref<10240xf32, #tpu.memory_space<hbm>>) target(%arg7 : memref<10240xf32, #tpu.memory_space<vmem_shared>>) target_semaphore(%run_scoped3A : memref<!tpu.dma_semaphore, #tpu.memory_space<semaphore_mem>>)
        tpu.wait_dma2 semaphore(%run_scoped3A : memref<!tpu.dma_semaphore, #tpu.memory_space<semaphore_mem>>) src(%arg3 : memref<10240xf32, #tpu.memory_space<hbm>>) dst(%arg7 : memref<10240xf32, #tpu.memory_space<vmem_shared>>)
        tpu.yield
      }) : () -> ()
    } else {
    }
    %broadcast_in_dim3A = arith.constant 1.000000e+00 : f32
    %broadcast_in_dim3A_3 = vector.broadcast %broadcast_in_dim3A : f32 to vector<16xf32>
    %swap3A = arith.constant 0 : index
    %swap3A_4 = tpu.vector_load %arg6[%swap3A] {strides = array<i32>} : memref<128xf32, #tpu.memory_space<vmem>>, vector<16xf32>,
    tpu.vector_store %arg6[%swap3A], %broadcast_in_dim3A_3 {strides = array<i32>} : memref<128xf32, #tpu.memory_space<vmem>>, vector<16xf32>,
    %broadcast_in_dim3A_5 = arith.constant 1.000000e+00 : f32
    %broadcast_in_dim3A_6 = vector.broadcast %broadcast_in_dim3A_5 : f32 to vector<16xf32>
    %swap3A_7 = arith.constant 16 : index
    %swap3A_8 = tpu.vector_load %arg6[%swap3A_7] {strides = array<i32>} : memref<128xf32, #tpu.memory_space<vmem>>, vector<16xf32>,
    tpu.vector_store %arg6[%swap3A_7], %broadcast_in_dim3A_6 {strides = array<i32>} : memref<128xf32, #tpu.memory_space<vmem>>, vector<16xf32>,
    %broadcast_in_dim3A_9 = arith.constant 1.000000e+00 : f32
    %broadcast_in_dim3A_10 = vector.broadcast %broadcast_in_dim3A_9 : f32 to vector<16xf32>
    %swap3A_11 = arith.constant 32 : index
    %swap3A_12 = tpu.vector_load %arg6[%swap3A_11] {strides = array<i32>} : memref<128xf32, #tpu.memory_space<vmem>>, vector<16xf32>,
    tpu.vector_store %arg6[%swap3A_11], %broadcast_in_dim3A_10 {strides = array<i32>} : memref<128xf32, #tpu.memory_space<vmem>>, vector<16xf32>,
    %broadcast_in_dim3A_13 = arith.constant 1.000000e+00 : f32
    %broadcast_in_dim3A_14 = vector.broadcast %broadcast_in_dim3A_13 : f32 to vector<16xf32>
    %swap3A_15 = arith.constant 48 : index
    %swap3A_16 = tpu.vector_load %arg6[%swap3A_15] {strides = array<i32>} : memref<128xf32, #tpu.memory_space<vmem>>, vector<16xf32>,
    tpu.vector_store %arg6[%swap3A_15], %broadcast_in_dim3A_14 {strides = array<i32>} : memref<128xf32, #tpu.memory_space<vmem>>, vector<16xf32>,
    %broadcast_in_dim3A_17 = arith.constant 1.000000e+00 : f32
    %broadcast_in_dim3A_18 = vector.broadcast %broadcast_in_dim3A_17 : f32 to vector<16xf32>
    %swap3A_19 = arith.constant 64 : index
    %swap3A_20 = tpu.vector_load %arg6[%swap3A_19] {strides = array<i32>} : memref<128xf32, #tpu.memory_space<vmem>>, vector<16xf32>,
    tpu.vector_store %arg6[%swap3A_19], %broadcast_in_dim3A_18 {strides = array<i32>} : memref<128xf32, #tpu.memory_space<vmem>>, vector<16xf32>,
    %broadcast_in_dim3A_21 = arith.constant 1.000000e+00 : f32
    %broadcast_in_dim3A_22 = vector.broadcast %broadcast_in_dim3A_21 : f32 to vector<16xf32>
    %swap3A_23 = arith.constant 80 : index
    %swap3A_24 = tpu.vector_load %arg6[%swap3A_23] {strides = array<i32>} : memref<128xf32, #tpu.memory_space<vmem>>, vector<16xf32>,
    tpu.vector_store %arg6[%swap3A_23], %broadcast_in_dim3A_22 {strides = array<i32>} : memref<128xf32, #tpu.memory_space<vmem>>, vector<16xf32>,
    %broadcast_in_dim3A_25 = arith.constant 1.000000e+00 : f32
    %broadcast_in_dim3A_26 = vector.broadcast %broadcast_in_dim3A_25 : f32 to vector<16xf32>
    %swap3A_27 = arith.constant 96 : index
    %swap3A_28 = tpu.vector_load %arg6[%swap3A_27] {strides = array<i32>} : memref<128xf32, #tpu.memory_space<vmem>>, vector<16xf32>,
    tpu.vector_store %arg6[%swap3A_27], %broadcast_in_dim3A_26 {strides = array<i32>} : memref<128xf32, #tpu.memory_space<vmem>>, vector<16xf32>,
    %broadcast_in_dim3A_29 = arith.constant 1.000000e+00 : f32
    %broadcast_in_dim3A_30 = vector.broadcast %broadcast_in_dim3A_29 : f32 to vector<16xf32>
    %swap3A_31 = arith.constant 112 : index
    %swap3A_32 = tpu.vector_load %arg6[%swap3A_31] {strides = array<i32>} : memref<128xf32, #tpu.memory_space<vmem>>, vector<16xf32>,
    tpu.vector_store %arg6[%swap3A_31], %broadcast_in_dim3A_30 {strides = array<i32>} : memref<128xf32, #tpu.memory_space<vmem>>, vector<16xf32>,
    %mul3A_33 = arith.constant 80 : i32
    %mul3A_34 = arith.muli %add3A, %mul3A_33 : i32
    "tpu.region"() ({
      %run_scoped3A = tpu.sem_alloc : memref<!tpu.dma_semaphore, #tpu.memory_space<semaphore_mem>>
      %dma_start3A = arith.constant 0 : i32
      %dma_start3A_46 = tpu.memref_slice %arg2[%mul3A_34, %dma_start3A] : memref<2560x128xi32, #tpu.memory_space<hbm>> -> memref<80x128xi32, #tpu.memory_space<hbm>>
      %dma_start3A_47 = arith.constant 0 : i32
      %dma_start3A_48 = tpu.memref_slice %arg2[%mul3A_34, %dma_start3A_47] : memref<2560x128xi32, #tpu.memory_space<hbm>> -> memref<80x128xi32, #tpu.memory_space<hbm>>
      tpu.enqueue_dma source(%dma_start3A_48 : memref<80x128xi32, #tpu.memory_space<hbm>>) target(%arg5 : memref<80x128xi32, #tpu.memory_space<vmem>>) target_semaphore(%run_scoped3A : memref<!tpu.dma_semaphore, #tpu.memory_space<semaphore_mem>>)
      %dma_wait3A = arith.constant 0 : i32
      %dma_wait3A_49 = tpu.memref_slice %arg2[%mul3A_34, %dma_wait3A] : memref<2560x128xi32, #tpu.memory_space<hbm>> -> memref<80x128xi32, #tpu.memory_space<hbm>>
      %dma_wait3A_50 = arith.constant 0 : i32
      %dma_wait3A_51 = tpu.memref_slice %arg2[%mul3A_34, %dma_wait3A_50] : memref<2560x128xi32, #tpu.memory_space<hbm>> -> memref<80x128xi32, #tpu.memory_space<hbm>>
      tpu.wait_dma2 semaphore(%run_scoped3A : memref<!tpu.dma_semaphore, #tpu.memory_space<semaphore_mem>>) src(%dma_wait3A_51 : memref<80x128xi32, #tpu.memory_space<hbm>>) dst(%arg5 : memref<80x128xi32, #tpu.memory_space<vmem>>)
      tpu.yield
    }) : () -> ()
    %barrier3A = arith.constant 0 : index
    tpu.barrier barrier_id(%barrier3A)
    %scan3A = arith.constant 0 : i32
    %scan3A_35 = arith.constant 0 : i32
    %scan3A_36 = arith.constant 80 : i32
    %scan3A_37 = arith.addi %scan3A_35, %scan3A_36 : i32
    %scan3A_38 = arith.constant 1 : i32
    scf.for %scan3A_46 = %scan3A_35 to %scan3A_37 step %scan3A_38  : i32 {
      "tpu.region"() ({
        %run_scoped3A = tpu.sem_alloc : memref<!tpu.dma_semaphore, #tpu.memory_space<semaphore_mem>>
        %dma_start3A = arith.constant 0 : i32
        %dma_start3A_47 = tpu.memref_slice %arg5[%scan3A_46, %dma_start3A] : memref<80x128xi32, #tpu.memory_space<vmem>> -> memref<1x128xi32, #tpu.memory_space<vmem>>
        %dma_start3A_48 = tpu.memref_squeeze %dma_start3A_47 : memref<1x128xi32, #tpu.memory_space<vmem>> -> memref<128xi32, #tpu.memory_space<vmem>>
        %dma_start3A_49 = arith.constant 0 : i32
        %dma_start3A_50 = tpu.memref_slice %arg7[%dma_start3A_49] : memref<10240xf32, #tpu.memory_space<vmem_shared>> -> memref<10240xf32, #tpu.memory_space<vmem_shared>>
        tpu.enqueue_indirect_dma source(%arg6 : memref<128xf32, #tpu.memory_space<vmem>>) target(%dma_start3A_50 : memref<10240xf32, #tpu.memory_space<vmem_shared>>) offsets(%dma_start3A_48 : memref<128xi32, #tpu.memory_space<vmem>>) semaphore(%run_scoped3A : memref<!tpu.dma_semaphore, #tpu.memory_space<semaphore_mem>>) {add = true}
        %dma_wait3A = arith.constant 0 : i32
        %dma_wait3A_51 = tpu.memref_slice %arg5[%scan3A_46, %dma_wait3A] : memref<80x128xi32, #tpu.memory_space<vmem>> -> memref<1x128xi32, #tpu.memory_space<vmem>>
        %dma_wait3A_52 = tpu.memref_squeeze %dma_wait3A_51 : memref<1x128xi32, #tpu.memory_space<vmem>> -> memref<128xi32, #tpu.memory_space<vmem>>
        %dma_wait3A_53 = arith.constant 0 : i32
        %dma_wait3A_54 = tpu.memref_slice %arg7[%dma_wait3A_53] : memref<10240xf32, #tpu.memory_space<vmem_shared>> -> memref<10240xf32, #tpu.memory_space<vmem_shared>>
        tpu.wait_indirect_dma semaphore(%run_scoped3A : memref<!tpu.dma_semaphore, #tpu.memory_space<semaphore_mem>>) src(%arg6 : memref<128xf32, #tpu.memory_space<vmem>>) dst(%dma_wait3A_54 : memref<10240xf32, #tpu.memory_space<vmem_shared>>)
        tpu.yield
      }) : () -> ()
    }
    %scan3A_39 = arith.constant 80 : i32
    %barrier3A_40 = arith.constant 0 : index
    tpu.barrier barrier_id(%barrier3A_40)
    %eq3A_41 = arith.constant 0 : i32
    %eq3A_42 = arith.cmpi eq, %arg1, %eq3A_41 : i32
    %convert_element_type3A_43 = arith.extui %eq3A_42 : i1 to i32
    %cond3A_44 = arith.constant 0 : i32
    %cond3A_45 = arith.cmpi ne, %convert_element_type3A_43, %cond3A_44 : i32
    scf.if %cond3A_45 {
      "tpu.region"() ({
        %run_scoped3A = tpu.sem_alloc : memref<!tpu.dma_semaphore, #tpu.memory_space<semaphore_mem>>
        %dma_start3A = arith.constant 0 : i32
        %dma_start3A_46 = tpu.memref_slice %arg4[%arg0, %dma_start3A] : memref<2x10240xf32, #tpu.memory_space<hbm>> -> memref<1x10240xf32, #tpu.memory_space<hbm>>
        %dma_start3A_47 = tpu.memref_squeeze %dma_start3A_46 : memref<1x10240xf32, #tpu.memory_space<hbm>> -> memref<10240xf32, #tpu.memory_space<hbm>>
        tpu.enqueue_dma source(%arg7 : memref<10240xf32, #tpu.memory_space<vmem_shared>>) target(%dma_start3A_47 : memref<10240xf32, #tpu.memory_space<hbm>>) target_semaphore(%run_scoped3A : memref<!tpu.dma_semaphore, #tpu.memory_space<semaphore_mem>>)
        %dma_wait3A = arith.constant 0 : i32
        %dma_wait3A_48 = tpu.memref_slice %arg4[%arg0, %dma_wait3A] : memref<2x10240xf32, #tpu.memory_space<hbm>> -> memref<1x10240xf32, #tpu.memory_space<hbm>>
        %dma_wait3A_49 = tpu.memref_squeeze %dma_wait3A_48 : memref<1x10240xf32, #tpu.memory_space<hbm>> -> memref<10240xf32, #tpu.memory_space<hbm>>
        tpu.wait_dma2 semaphore(%run_scoped3A : memref<!tpu.dma_semaphore, #tpu.memory_space<semaphore_mem>>) src(%arg7 : memref<10240xf32, #tpu.memory_space<vmem_shared>>) dst(%dma_wait3A_49 : memref<10240xf32, #tpu.memory_space<hbm>>)
        tpu.yield
      }) : () -> ()
    } else {
    }
    return
  }
}

#map = affine_map<(d0, d1) -> (0, 0, 0)>
#map1 = affine_map<(d0, d1) -> (0, 0)>
#map2 = affine_map<(d0, d1) -> (0)>
module attributes {stable_mosaic.version = 14 : i64} {
  func.func @_sc_softmax(%arg0: i32, %arg1: i32, %arg2: memref<2x10240x16xf32, #tpu.memory_space<hbm>>, %arg3: memref<10240x16xf32, #tpu.memory_space<hbm>>, %arg4: memref<16xf32, #tpu.memory_space<hbm>>, %arg5: memref<10000x16xf32, #tpu.memory_space<hbm>>, %arg6: memref<320x16xf32, #tpu.memory_space<vmem>>, %arg7: memref<320x16xf32, #tpu.memory_space<vmem>>, %arg8: memref<320x16xf32, #tpu.memory_space<vmem>>, %arg9: memref<320x16xf32, #tpu.memory_space<vmem>>, %arg10: memref<16xf32, #tpu.memory_space<vmem>>) attributes {dimension_semantics = [#tpu.dimension_semantics<core_parallel>, #tpu.dimension_semantics<subcore_parallel>], iteration_bounds = array<i64: 2, 16>, scalar_prefetch = 0 : i64, scratch_operands = 5 : i64, tpu.core_type = #tpu.core_type<sc_vector_subcore>, window_params = [{transform_indices = #map}, {transform_indices = #map1}, {transform_indices = #map2}, {transform_indices = #map1}]} {
    %mul3A = arith.constant 2 : i32
    %mul3A_0 = arith.muli %arg1, %mul3A : i32
    %add3A = arith.addi %mul3A_0, %arg0 : i32
    %mul3A_1 = arith.constant 320 : i32
    %mul3A_2 = arith.muli %add3A, %mul3A_1 : i32
    %run_scoped3A = arith.constant 0 : i32
    "tpu.region"() ({
      %run_scoped3A_22 = tpu.sem_alloc : memref<!tpu.dma_semaphore, #tpu.memory_space<semaphore_mem>>
      %dma_start3A = arith.constant 0 : i32
      %dma_start3A_23 = tpu.memref_slice %arg2[%run_scoped3A, %mul3A_2, %dma_start3A] : memref<2x10240x16xf32, #tpu.memory_space<hbm>> -> memref<1x320x16xf32, #tpu.memory_space<hbm>>
      %dma_start3A_24 = tpu.memref_squeeze %dma_start3A_23 : memref<1x320x16xf32, #tpu.memory_space<hbm>> -> memref<320x16xf32, #tpu.memory_space<hbm>>
      %dma_start3A_25 = arith.constant 0 : i32
      %dma_start3A_26 = tpu.memref_slice %arg2[%run_scoped3A, %mul3A_2, %dma_start3A_25] : memref<2x10240x16xf32, #tpu.memory_space<hbm>> -> memref<1x320x16xf32, #tpu.memory_space<hbm>>
      %dma_start3A_27 = tpu.memref_squeeze %dma_start3A_26 : memref<1x320x16xf32, #tpu.memory_space<hbm>> -> memref<320x16xf32, #tpu.memory_space<hbm>>
      tpu.enqueue_dma source(%dma_start3A_27 : memref<320x16xf32, #tpu.memory_space<hbm>>) target(%arg6 : memref<320x16xf32, #tpu.memory_space<vmem>>) target_semaphore(%run_scoped3A_22 : memref<!tpu.dma_semaphore, #tpu.memory_space<semaphore_mem>>)
      %dma_wait3A = arith.constant 0 : i32
      %dma_wait3A_28 = tpu.memref_slice %arg2[%run_scoped3A, %mul3A_2, %dma_wait3A] : memref<2x10240x16xf32, #tpu.memory_space<hbm>> -> memref<1x320x16xf32, #tpu.memory_space<hbm>>
      %dma_wait3A_29 = tpu.memref_squeeze %dma_wait3A_28 : memref<1x320x16xf32, #tpu.memory_space<hbm>> -> memref<320x16xf32, #tpu.memory_space<hbm>>
      %dma_wait3A_30 = arith.constant 0 : i32
      %dma_wait3A_31 = tpu.memref_slice %arg2[%run_scoped3A, %mul3A_2, %dma_wait3A_30] : memref<2x10240x16xf32, #tpu.memory_space<hbm>> -> memref<1x320x16xf32, #tpu.memory_space<hbm>>
      %dma_wait3A_32 = tpu.memref_squeeze %dma_wait3A_31 : memref<1x320x16xf32, #tpu.memory_space<hbm>> -> memref<320x16xf32, #tpu.memory_space<hbm>>
      tpu.wait_dma2 semaphore(%run_scoped3A_22 : memref<!tpu.dma_semaphore, #tpu.memory_space<semaphore_mem>>) src(%dma_wait3A_32 : memref<320x16xf32, #tpu.memory_space<hbm>>) dst(%arg6 : memref<320x16xf32, #tpu.memory_space<vmem>>)
      tpu.yield
    }) : () -> ()
    %run_scoped3A_3 = arith.constant 1 : i32
    "tpu.region"() ({
      %run_scoped3A_22 = tpu.sem_alloc : memref<!tpu.dma_semaphore, #tpu.memory_space<semaphore_mem>>
      %dma_start3A = arith.constant 0 : i32
      %dma_start3A_23 = tpu.memref_slice %arg2[%run_scoped3A_3, %mul3A_2, %dma_start3A] : memref<2x10240x16xf32, #tpu.memory_space<hbm>> -> memref<1x320x16xf32, #tpu.memory_space<hbm>>
      %dma_start3A_24 = tpu.memref_squeeze %dma_start3A_23 : memref<1x320x16xf32, #tpu.memory_space<hbm>> -> memref<320x16xf32, #tpu.memory_space<hbm>>
      %dma_start3A_25 = arith.constant 0 : i32
      %dma_start3A_26 = tpu.memref_slice %arg2[%run_scoped3A_3, %mul3A_2, %dma_start3A_25] : memref<2x10240x16xf32, #tpu.memory_space<hbm>> -> memref<1x320x16xf32, #tpu.memory_space<hbm>>
      %dma_start3A_27 = tpu.memref_squeeze %dma_start3A_26 : memref<1x320x16xf32, #tpu.memory_space<hbm>> -> memref<320x16xf32, #tpu.memory_space<hbm>>
      tpu.enqueue_dma source(%dma_start3A_27 : memref<320x16xf32, #tpu.memory_space<hbm>>) target(%arg7 : memref<320x16xf32, #tpu.memory_space<vmem>>) target_semaphore(%run_scoped3A_22 : memref<!tpu.dma_semaphore, #tpu.memory_space<semaphore_mem>>)
      %dma_wait3A = arith.constant 0 : i32
      %dma_wait3A_28 = tpu.memref_slice %arg2[%run_scoped3A_3, %mul3A_2, %dma_wait3A] : memref<2x10240x16xf32, #tpu.memory_space<hbm>> -> memref<1x320x16xf32, #tpu.memory_space<hbm>>
      %dma_wait3A_29 = tpu.memref_squeeze %dma_wait3A_28 : memref<1x320x16xf32, #tpu.memory_space<hbm>> -> memref<320x16xf32, #tpu.memory_space<hbm>>
      %dma_wait3A_30 = arith.constant 0 : i32
      %dma_wait3A_31 = tpu.memref_slice %arg2[%run_scoped3A_3, %mul3A_2, %dma_wait3A_30] : memref<2x10240x16xf32, #tpu.memory_space<hbm>> -> memref<1x320x16xf32, #tpu.memory_space<hbm>>
      %dma_wait3A_32 = tpu.memref_squeeze %dma_wait3A_31 : memref<1x320x16xf32, #tpu.memory_space<hbm>> -> memref<320x16xf32, #tpu.memory_space<hbm>>
      tpu.wait_dma2 semaphore(%run_scoped3A_22 : memref<!tpu.dma_semaphore, #tpu.memory_space<semaphore_mem>>) src(%dma_wait3A_32 : memref<320x16xf32, #tpu.memory_space<hbm>>) dst(%arg7 : memref<320x16xf32, #tpu.memory_space<vmem>>)
      tpu.yield
    }) : () -> ()
    "tpu.region"() ({
      %run_scoped3A_22 = tpu.sem_alloc : memref<!tpu.dma_semaphore, #tpu.memory_space<semaphore_mem>>
      %dma_start3A = arith.constant 0 : i32
      %dma_start3A_23 = tpu.memref_slice %arg3[%mul3A_2, %dma_start3A] : memref<10240x16xf32, #tpu.memory_space<hbm>> -> memref<320x16xf32, #tpu.memory_space<hbm>>
      %dma_start3A_24 = arith.constant 0 : i32
      %dma_start3A_25 = tpu.memref_slice %arg3[%mul3A_2, %dma_start3A_24] : memref<10240x16xf32, #tpu.memory_space<hbm>> -> memref<320x16xf32, #tpu.memory_space<hbm>>
      tpu.enqueue_dma source(%dma_start3A_25 : memref<320x16xf32, #tpu.memory_space<hbm>>) target(%arg8 : memref<320x16xf32, #tpu.memory_space<vmem>>) target_semaphore(%run_scoped3A_22 : memref<!tpu.dma_semaphore, #tpu.memory_space<semaphore_mem>>)
      %dma_wait3A = arith.constant 0 : i32
      %dma_wait3A_26 = tpu.memref_slice %arg3[%mul3A_2, %dma_wait3A] : memref<10240x16xf32, #tpu.memory_space<hbm>> -> memref<320x16xf32, #tpu.memory_space<hbm>>
      %dma_wait3A_27 = arith.constant 0 : i32
      %dma_wait3A_28 = tpu.memref_slice %arg3[%mul3A_2, %dma_wait3A_27] : memref<10240x16xf32, #tpu.memory_space<hbm>> -> memref<320x16xf32, #tpu.memory_space<hbm>>
      tpu.wait_dma2 semaphore(%run_scoped3A_22 : memref<!tpu.dma_semaphore, #tpu.memory_space<semaphore_mem>>) src(%dma_wait3A_28 : memref<320x16xf32, #tpu.memory_space<hbm>>) dst(%arg8 : memref<320x16xf32, #tpu.memory_space<vmem>>)
      tpu.yield
    }) : () -> ()
    "tpu.region"() ({
      %run_scoped3A_22 = tpu.sem_alloc : memref<!tpu.dma_semaphore, #tpu.memory_space<semaphore_mem>>
      tpu.enqueue_dma source(%arg4 : memref<16xf32, #tpu.memory_space<hbm>>) target(%arg10 : memref<16xf32, #tpu.memory_space<vmem>>) target_semaphore(%run_scoped3A_22 : memref<!tpu.dma_semaphore, #tpu.memory_space<semaphore_mem>>)
      tpu.wait_dma2 semaphore(%run_scoped3A_22 : memref<!tpu.dma_semaphore, #tpu.memory_space<semaphore_mem>>) src(%arg4 : memref<16xf32, #tpu.memory_space<hbm>>) dst(%arg10 : memref<16xf32, #tpu.memory_space<vmem>>)
      tpu.yield
    }) : () -> ()
    %get3A = arith.constant 0 : index
    %get3A_4 = tpu.vector_load %arg10[%get3A] {strides = array<i32>} : memref<16xf32, #tpu.memory_space<vmem>>, vector<16xf32>,
    %scan3A = arith.constant 0 : i32
    %scan3A_5 = arith.constant 0 : i32
    %scan3A_6 = arith.constant 320 : i32
    %scan3A_7 = arith.addi %scan3A_5, %scan3A_6 : i32
    %scan3A_8 = arith.constant 1 : i32
    scf.for %scan3A_22 = %scan3A_5 to %scan3A_7 step %scan3A_8  : i32 {
      %get3A_23 = arith.index_cast %scan3A_22 : i32 to index
      %get3A_24 = arith.constant 0 : index
      %get3A_25 = tpu.vector_load %arg8[%get3A_23, %get3A_24] {strides = array<i32>} : memref<320x16xf32, #tpu.memory_space<vmem>>, vector<16xf32>,
      %get3A_26 = arith.index_cast %scan3A_22 : i32 to index
      %get3A_27 = arith.constant 0 : index
      %get3A_28 = tpu.vector_load %arg6[%get3A_26, %get3A_27] {strides = array<i32>} : memref<320x16xf32, #tpu.memory_space<vmem>>, vector<16xf32>,
      %get3A_29 = arith.index_cast %scan3A_22 : i32 to index
      %get3A_30 = arith.constant 0 : index
      %get3A_31 = tpu.vector_load %arg7[%get3A_29, %get3A_30] {strides = array<i32>} : memref<320x16xf32, #tpu.memory_space<vmem>>, vector<16xf32>,
      %add3A_32 = arith.addf %get3A_28, %get3A_31 : vector<16xf32>
      %mul3A_33 = arith.mulf %get3A_25, %add3A_32 : vector<16xf32>
      %add3A_34 = arith.addf %mul3A_33, %get3A_4 : vector<16xf32>
      %swap3A = arith.index_cast %scan3A_22 : i32 to index
      %swap3A_35 = arith.constant 0 : index
      %swap3A_36 = tpu.vector_load %arg6[%swap3A, %swap3A_35] {strides = array<i32>} : memref<320x16xf32, #tpu.memory_space<vmem>>, vector<16xf32>,
      tpu.vector_store %arg6[%swap3A, %swap3A_35], %add3A_34 {strides = array<i32>} : memref<320x16xf32, #tpu.memory_space<vmem>>, vector<16xf32>,
    }
    %scan3A_9 = arith.constant 320 : i32
    %iota3A = tpu.iota {dimensions = array<i32: 0>} : vector<16xi32>
    %scan3A_10 = arith.constant 0 : i32
    %scan3A_11 = arith.constant 0 : i32
    %scan3A_12 = arith.constant 20 : i32
    %scan3A_13 = arith.addi %scan3A_11, %scan3A_12 : i32
    %scan3A_14 = arith.constant 1 : i32
    scf.for %scan3A_22 = %scan3A_11 to %scan3A_13 step %scan3A_14  : i32 {
      %mul3A_23 = arith.constant 16 : i32
      %mul3A_24 = arith.muli %scan3A_22, %mul3A_23 : i32
      %add3A_25 = vector.broadcast %mul3A_24 : i32 to vector<16xi32>
      %add3A_26 = arith.addi %iota3A, %add3A_25 : vector<16xi32>
      %broadcast_in_dim3A = arith.constant 0 : i32
      %broadcast_in_dim3A_27 = vector.broadcast %broadcast_in_dim3A : i32 to vector<16xi32>
      %gather3A = tpu.vector_load_idx %arg6[%add3A_26, %broadcast_in_dim3A_27] : memref<320x16xf32, #tpu.memory_space<vmem>>[vector<16xi32>, vector<16xi32>], vector<16xf32>,
      %broadcast_in_dim3A_28 = arith.constant 1 : i32
      %broadcast_in_dim3A_29 = vector.broadcast %broadcast_in_dim3A_28 : i32 to vector<16xi32>
      %gather3A_30 = tpu.vector_load_idx %arg6[%add3A_26, %broadcast_in_dim3A_29] : memref<320x16xf32, #tpu.memory_space<vmem>>[vector<16xi32>, vector<16xi32>], vector<16xf32>,
      %broadcast_in_dim3A_31 = arith.constant 2 : i32
      %broadcast_in_dim3A_32 = vector.broadcast %broadcast_in_dim3A_31 : i32 to vector<16xi32>
      %gather3A_33 = tpu.vector_load_idx %arg6[%add3A_26, %broadcast_in_dim3A_32] : memref<320x16xf32, #tpu.memory_space<vmem>>[vector<16xi32>, vector<16xi32>], vector<16xf32>,
      %broadcast_in_dim3A_34 = arith.constant 3 : i32
      %broadcast_in_dim3A_35 = vector.broadcast %broadcast_in_dim3A_34 : i32 to vector<16xi32>
      %gather3A_36 = tpu.vector_load_idx %arg6[%add3A_26, %broadcast_in_dim3A_35] : memref<320x16xf32, #tpu.memory_space<vmem>>[vector<16xi32>, vector<16xi32>], vector<16xf32>,
      %broadcast_in_dim3A_37 = arith.constant 4 : i32
      %broadcast_in_dim3A_38 = vector.broadcast %broadcast_in_dim3A_37 : i32 to vector<16xi32>
      %gather3A_39 = tpu.vector_load_idx %arg6[%add3A_26, %broadcast_in_dim3A_38] : memref<320x16xf32, #tpu.memory_space<vmem>>[vector<16xi32>, vector<16xi32>], vector<16xf32>,
      %broadcast_in_dim3A_40 = arith.constant 5 : i32
      %broadcast_in_dim3A_41 = vector.broadcast %broadcast_in_dim3A_40 : i32 to vector<16xi32>
      %gather3A_42 = tpu.vector_load_idx %arg6[%add3A_26, %broadcast_in_dim3A_41] : memref<320x16xf32, #tpu.memory_space<vmem>>[vector<16xi32>, vector<16xi32>], vector<16xf32>,
      %broadcast_in_dim3A_43 = arith.constant 6 : i32
      %broadcast_in_dim3A_44 = vector.broadcast %broadcast_in_dim3A_43 : i32 to vector<16xi32>
      %gather3A_45 = tpu.vector_load_idx %arg6[%add3A_26, %broadcast_in_dim3A_44] : memref<320x16xf32, #tpu.memory_space<vmem>>[vector<16xi32>, vector<16xi32>], vector<16xf32>,
      %broadcast_in_dim3A_46 = arith.constant 7 : i32
      %broadcast_in_dim3A_47 = vector.broadcast %broadcast_in_dim3A_46 : i32 to vector<16xi32>
      %gather3A_48 = tpu.vector_load_idx %arg6[%add3A_26, %broadcast_in_dim3A_47] : memref<320x16xf32, #tpu.memory_space<vmem>>[vector<16xi32>, vector<16xi32>], vector<16xf32>,
      %broadcast_in_dim3A_49 = arith.constant 8 : i32
      %broadcast_in_dim3A_50 = vector.broadcast %broadcast_in_dim3A_49 : i32 to vector<16xi32>
      %gather3A_51 = tpu.vector_load_idx %arg6[%add3A_26, %broadcast_in_dim3A_50] : memref<320x16xf32, #tpu.memory_space<vmem>>[vector<16xi32>, vector<16xi32>], vector<16xf32>,
      %broadcast_in_dim3A_52 = arith.constant 9 : i32
      %broadcast_in_dim3A_53 = vector.broadcast %broadcast_in_dim3A_52 : i32 to vector<16xi32>
      %gather3A_54 = tpu.vector_load_idx %arg6[%add3A_26, %broadcast_in_dim3A_53] : memref<320x16xf32, #tpu.memory_space<vmem>>[vector<16xi32>, vector<16xi32>], vector<16xf32>,
      %broadcast_in_dim3A_55 = arith.constant 10 : i32
      %broadcast_in_dim3A_56 = vector.broadcast %broadcast_in_dim3A_55 : i32 to vector<16xi32>
      %gather3A_57 = tpu.vector_load_idx %arg6[%add3A_26, %broadcast_in_dim3A_56] : memref<320x16xf32, #tpu.memory_space<vmem>>[vector<16xi32>, vector<16xi32>], vector<16xf32>,
      %broadcast_in_dim3A_58 = arith.constant 11 : i32
      %broadcast_in_dim3A_59 = vector.broadcast %broadcast_in_dim3A_58 : i32 to vector<16xi32>
      %gather3A_60 = tpu.vector_load_idx %arg6[%add3A_26, %broadcast_in_dim3A_59] : memref<320x16xf32, #tpu.memory_space<vmem>>[vector<16xi32>, vector<16xi32>], vector<16xf32>,
      %broadcast_in_dim3A_61 = arith.constant 12 : i32
      %broadcast_in_dim3A_62 = vector.broadcast %broadcast_in_dim3A_61 : i32 to vector<16xi32>
      %gather3A_63 = tpu.vector_load_idx %arg6[%add3A_26, %broadcast_in_dim3A_62] : memref<320x16xf32, #tpu.memory_space<vmem>>[vector<16xi32>, vector<16xi32>], vector<16xf32>,
      %broadcast_in_dim3A_64 = arith.constant 13 : i32
      %broadcast_in_dim3A_65 = vector.broadcast %broadcast_in_dim3A_64 : i32 to vector<16xi32>
      %gather3A_66 = tpu.vector_load_idx %arg6[%add3A_26, %broadcast_in_dim3A_65] : memref<320x16xf32, #tpu.memory_space<vmem>>[vector<16xi32>, vector<16xi32>], vector<16xf32>,
      %broadcast_in_dim3A_67 = arith.constant 14 : i32
      %broadcast_in_dim3A_68 = vector.broadcast %broadcast_in_dim3A_67 : i32 to vector<16xi32>
      %gather3A_69 = tpu.vector_load_idx %arg6[%add3A_26, %broadcast_in_dim3A_68] : memref<320x16xf32, #tpu.memory_space<vmem>>[vector<16xi32>, vector<16xi32>], vector<16xf32>,
      %broadcast_in_dim3A_70 = arith.constant 15 : i32
      %broadcast_in_dim3A_71 = vector.broadcast %broadcast_in_dim3A_70 : i32 to vector<16xi32>
      %gather3A_72 = tpu.vector_load_idx %arg6[%add3A_26, %broadcast_in_dim3A_71] : memref<320x16xf32, #tpu.memory_space<vmem>>[vector<16xi32>, vector<16xi32>], vector<16xf32>,
      %max3A = arith.maximumf %gather3A, %gather3A_30 : vector<16xf32>
      %max3A_73 = arith.maximumf %max3A, %gather3A_33 : vector<16xf32>
      %max3A_74 = arith.maximumf %max3A_73, %gather3A_36 : vector<16xf32>
      %max3A_75 = arith.maximumf %max3A_74, %gather3A_39 : vector<16xf32>
      %max3A_76 = arith.maximumf %max3A_75, %gather3A_42 : vector<16xf32>
      %max3A_77 = arith.maximumf %max3A_76, %gather3A_45 : vector<16xf32>
      %max3A_78 = arith.maximumf %max3A_77, %gather3A_48 : vector<16xf32>
      %max3A_79 = arith.maximumf %max3A_78, %gather3A_51 : vector<16xf32>
      %max3A_80 = arith.maximumf %max3A_79, %gather3A_54 : vector<16xf32>
      %max3A_81 = arith.maximumf %max3A_80, %gather3A_57 : vector<16xf32>
      %max3A_82 = arith.maximumf %max3A_81, %gather3A_60 : vector<16xf32>
      %max3A_83 = arith.maximumf %max3A_82, %gather3A_63 : vector<16xf32>
      %max3A_84 = arith.maximumf %max3A_83, %gather3A_66 : vector<16xf32>
      %max3A_85 = arith.maximumf %max3A_84, %gather3A_69 : vector<16xf32>
      %max3A_86 = arith.maximumf %max3A_85, %gather3A_72 : vector<16xf32>
      %sub3A = arith.subf %gather3A, %max3A_86 : vector<16xf32>
      %exp3A = math.exp %sub3A : vector<16xf32>
      %sub3A_87 = arith.subf %gather3A_30, %max3A_86 : vector<16xf32>
      %exp3A_88 = math.exp %sub3A_87 : vector<16xf32>
      %sub3A_89 = arith.subf %gather3A_33, %max3A_86 : vector<16xf32>
      %exp3A_90 = math.exp %sub3A_89 : vector<16xf32>
      %sub3A_91 = arith.subf %gather3A_36, %max3A_86 : vector<16xf32>
      %exp3A_92 = math.exp %sub3A_91 : vector<16xf32>
      %sub3A_93 = arith.subf %gather3A_39, %max3A_86 : vector<16xf32>
      %exp3A_94 = math.exp %sub3A_93 : vector<16xf32>
      %sub3A_95 = arith.subf %gather3A_42, %max3A_86 : vector<16xf32>
      %exp3A_96 = math.exp %sub3A_95 : vector<16xf32>
      %sub3A_97 = arith.subf %gather3A_45, %max3A_86 : vector<16xf32>
      %exp3A_98 = math.exp %sub3A_97 : vector<16xf32>
      %sub3A_99 = arith.subf %gather3A_48, %max3A_86 : vector<16xf32>
      %exp3A_100 = math.exp %sub3A_99 : vector<16xf32>
      %sub3A_101 = arith.subf %gather3A_51, %max3A_86 : vector<16xf32>
      %exp3A_102 = math.exp %sub3A_101 : vector<16xf32>
      %sub3A_103 = arith.subf %gather3A_54, %max3A_86 : vector<16xf32>
      %exp3A_104 = math.exp %sub3A_103 : vector<16xf32>
      %sub3A_105 = arith.subf %gather3A_57, %max3A_86 : vector<16xf32>
      %exp3A_106 = math.exp %sub3A_105 : vector<16xf32>
      %sub3A_107 = arith.subf %gather3A_60, %max3A_86 : vector<16xf32>
      %exp3A_108 = math.exp %sub3A_107 : vector<16xf32>
      %sub3A_109 = arith.subf %gather3A_63, %max3A_86 : vector<16xf32>
      %exp3A_110 = math.exp %sub3A_109 : vector<16xf32>
      %sub3A_111 = arith.subf %gather3A_66, %max3A_86 : vector<16xf32>
      %exp3A_112 = math.exp %sub3A_111 : vector<16xf32>
      %sub3A_113 = arith.subf %gather3A_69, %max3A_86 : vector<16xf32>
      %exp3A_114 = math.exp %sub3A_113 : vector<16xf32>
      %sub3A_115 = arith.subf %gather3A_72, %max3A_86 : vector<16xf32>
      %exp3A_116 = math.exp %sub3A_115 : vector<16xf32>
      %add3A_117 = arith.addf %exp3A, %exp3A_88 : vector<16xf32>
      %add3A_118 = arith.addf %exp3A_90, %exp3A_92 : vector<16xf32>
      %add3A_119 = arith.addf %exp3A_94, %exp3A_96 : vector<16xf32>
      %add3A_120 = arith.addf %exp3A_98, %exp3A_100 : vector<16xf32>
      %add3A_121 = arith.addf %exp3A_102, %exp3A_104 : vector<16xf32>
      %add3A_122 = arith.addf %exp3A_106, %exp3A_108 : vector<16xf32>
      %add3A_123 = arith.addf %exp3A_110, %exp3A_112 : vector<16xf32>
      %add3A_124 = arith.addf %exp3A_114, %exp3A_116 : vector<16xf32>
      %add3A_125 = arith.addf %add3A_117, %add3A_118 : vector<16xf32>
      %add3A_126 = arith.addf %add3A_119, %add3A_120 : vector<16xf32>
      %add3A_127 = arith.addf %add3A_121, %add3A_122 : vector<16xf32>
      %add3A_128 = arith.addf %add3A_123, %add3A_124 : vector<16xf32>
      %add3A_129 = arith.addf %add3A_125, %add3A_126 : vector<16xf32>
      %add3A_130 = arith.addf %add3A_127, %add3A_128 : vector<16xf32>
      %add3A_131 = arith.addf %add3A_129, %add3A_130 : vector<16xf32>
      %bitcast3A = vector.bitcast %add3A_131 : vector<16xf32> to vector<16xi32>
      %shift_right_logical3A = arith.constant 23 : i32
      %shift_right_logical3A_132 = vector.broadcast %shift_right_logical3A : i32 to vector<16xi32>
      %shift_right_logical3A_133 = arith.shrui %bitcast3A, %shift_right_logical3A_132 : vector<16xi32>
      %sub3A_134 = arith.constant 127 : i32
      %sub3A_135 = vector.broadcast %sub3A_134 : i32 to vector<16xi32>
      %sub3A_136 = arith.subi %shift_right_logical3A_133, %sub3A_135 : vector<16xi32>
      %convert_element_type3A_137 = arith.sitofp %sub3A_136 : vector<16xi32> to vector<16xf32>
      %and3A = arith.constant 8388607 : i32
      %and3A_138 = vector.broadcast %and3A : i32 to vector<16xi32>
      %and3A_139 = arith.andi %bitcast3A, %and3A_138 : vector<16xi32>
      %or3A = arith.constant 1065353216 : i32
      %or3A_140 = vector.broadcast %or3A : i32 to vector<16xi32>
      %or3A_141 = arith.ori %and3A_139, %or3A_140 : vector<16xi32>
      %bitcast3A_142 = vector.bitcast %or3A_141 : vector<16xi32> to vector<16xf32>
      %add3A_143 = arith.addf %convert_element_type3A_137, %bitcast3A_142 : vector<16xf32>
      %sub3A_144 = arith.constant 1.000000e+00 : f32
      %sub3A_145 = vector.broadcast %sub3A_144 : f32 to vector<16xf32>
      %sub3A_146 = arith.subf %add3A_143, %sub3A_145 : vector<16xf32>
      %mul3A_147 = arith.constant 0.693147182 : f32
      %mul3A_148 = vector.broadcast %mul3A_147 : f32 to vector<16xf32>
      %mul3A_149 = arith.mulf %sub3A_146, %mul3A_148 : vector<16xf32>
      %neg3A = arith.constant 0.000000e+00 : f32
      %neg3A_150 = vector.broadcast %neg3A : f32 to vector<16xf32>
      %neg3A_151 = arith.subf %neg3A_150, %mul3A_149 : vector<16xf32>
      %exp3A_152 = math.exp %neg3A_151 : vector<16xf32>
      %mul3A_153 = arith.mulf %add3A_131, %exp3A_152 : vector<16xf32>
      %add3A_154 = arith.addf %mul3A_149, %mul3A_153 : vector<16xf32>
      %sub3A_155 = arith.constant 1.000000e+00 : f32
      %sub3A_156 = vector.broadcast %sub3A_155 : f32 to vector<16xf32>
      %sub3A_157 = arith.subf %add3A_154, %sub3A_156 : vector<16xf32>
      %neg3A_158 = arith.constant 0.000000e+00 : f32
      %neg3A_159 = vector.broadcast %neg3A_158 : f32 to vector<16xf32>
      %neg3A_160 = arith.subf %neg3A_159, %sub3A_157 : vector<16xf32>
      %exp3A_161 = math.exp %neg3A_160 : vector<16xf32>
      %mul3A_162 = arith.mulf %add3A_131, %exp3A_161 : vector<16xf32>
      %add3A_163 = arith.addf %sub3A_157, %mul3A_162 : vector<16xf32>
      %sub3A_164 = arith.constant 1.000000e+00 : f32
      %sub3A_165 = vector.broadcast %sub3A_164 : f32 to vector<16xf32>
      %sub3A_166 = arith.subf %add3A_163, %sub3A_165 : vector<16xf32>
      %neg3A_167 = arith.constant 0.000000e+00 : f32
      %neg3A_168 = vector.broadcast %neg3A_167 : f32 to vector<16xf32>
      %neg3A_169 = arith.subf %neg3A_168, %sub3A_166 : vector<16xf32>
      %exp3A_170 = math.exp %neg3A_169 : vector<16xf32>
      %mul3A_171 = arith.mulf %add3A_131, %exp3A_170 : vector<16xf32>
      %add3A_172 = arith.addf %sub3A_166, %mul3A_171 : vector<16xf32>
      %sub3A_173 = arith.constant 1.000000e+00 : f32
      %sub3A_174 = vector.broadcast %sub3A_173 : f32 to vector<16xf32>
      %sub3A_175 = arith.subf %add3A_172, %sub3A_174 : vector<16xf32>
      %add3A_176 = arith.addf %max3A_86, %sub3A_175 : vector<16xf32>
      %broadcast_in_dim3A_177 = arith.constant 0 : i32
      %broadcast_in_dim3A_178 = vector.broadcast %broadcast_in_dim3A_177 : i32 to vector<16xi32>
      %sub3A_179 = arith.subf %gather3A, %add3A_176 : vector<16xf32>
      tpu.vector_store_idx %arg9[%add3A_26, %broadcast_in_dim3A_178], %sub3A_179 : memref<320x16xf32, #tpu.memory_space<vmem>>[vector<16xi32>, vector<16xi32>], vector<16xf32>,
      %broadcast_in_dim3A_180 = arith.constant 1 : i32
      %broadcast_in_dim3A_181 = vector.broadcast %broadcast_in_dim3A_180 : i32 to vector<16xi32>
      %sub3A_182 = arith.subf %gather3A_30, %add3A_176 : vector<16xf32>
      tpu.vector_store_idx %arg9[%add3A_26, %broadcast_in_dim3A_181], %sub3A_182 : memref<320x16xf32, #tpu.memory_space<vmem>>[vector<16xi32>, vector<16xi32>], vector<16xf32>,
      %broadcast_in_dim3A_183 = arith.constant 2 : i32
      %broadcast_in_dim3A_184 = vector.broadcast %broadcast_in_dim3A_183 : i32 to vector<16xi32>
      %sub3A_185 = arith.subf %gather3A_33, %add3A_176 : vector<16xf32>
      tpu.vector_store_idx %arg9[%add3A_26, %broadcast_in_dim3A_184], %sub3A_185 : memref<320x16xf32, #tpu.memory_space<vmem>>[vector<16xi32>, vector<16xi32>], vector<16xf32>,
      %broadcast_in_dim3A_186 = arith.constant 3 : i32
      %broadcast_in_dim3A_187 = vector.broadcast %broadcast_in_dim3A_186 : i32 to vector<16xi32>
      %sub3A_188 = arith.subf %gather3A_36, %add3A_176 : vector<16xf32>
      tpu.vector_store_idx %arg9[%add3A_26, %broadcast_in_dim3A_187], %sub3A_188 : memref<320x16xf32, #tpu.memory_space<vmem>>[vector<16xi32>, vector<16xi32>], vector<16xf32>,
      %broadcast_in_dim3A_189 = arith.constant 4 : i32
      %broadcast_in_dim3A_190 = vector.broadcast %broadcast_in_dim3A_189 : i32 to vector<16xi32>
      %sub3A_191 = arith.subf %gather3A_39, %add3A_176 : vector<16xf32>
      tpu.vector_store_idx %arg9[%add3A_26, %broadcast_in_dim3A_190], %sub3A_191 : memref<320x16xf32, #tpu.memory_space<vmem>>[vector<16xi32>, vector<16xi32>], vector<16xf32>,
      %broadcast_in_dim3A_192 = arith.constant 5 : i32
      %broadcast_in_dim3A_193 = vector.broadcast %broadcast_in_dim3A_192 : i32 to vector<16xi32>
      %sub3A_194 = arith.subf %gather3A_42, %add3A_176 : vector<16xf32>
      tpu.vector_store_idx %arg9[%add3A_26, %broadcast_in_dim3A_193], %sub3A_194 : memref<320x16xf32, #tpu.memory_space<vmem>>[vector<16xi32>, vector<16xi32>], vector<16xf32>,
      %broadcast_in_dim3A_195 = arith.constant 6 : i32
      %broadcast_in_dim3A_196 = vector.broadcast %broadcast_in_dim3A_195 : i32 to vector<16xi32>
      %sub3A_197 = arith.subf %gather3A_45, %add3A_176 : vector<16xf32>
      tpu.vector_store_idx %arg9[%add3A_26, %broadcast_in_dim3A_196], %sub3A_197 : memref<320x16xf32, #tpu.memory_space<vmem>>[vector<16xi32>, vector<16xi32>], vector<16xf32>,
      %broadcast_in_dim3A_198 = arith.constant 7 : i32
      %broadcast_in_dim3A_199 = vector.broadcast %broadcast_in_dim3A_198 : i32 to vector<16xi32>
      %sub3A_200 = arith.subf %gather3A_48, %add3A_176 : vector<16xf32>
      tpu.vector_store_idx %arg9[%add3A_26, %broadcast_in_dim3A_199], %sub3A_200 : memref<320x16xf32, #tpu.memory_space<vmem>>[vector<16xi32>, vector<16xi32>], vector<16xf32>,
      %broadcast_in_dim3A_201 = arith.constant 8 : i32
      %broadcast_in_dim3A_202 = vector.broadcast %broadcast_in_dim3A_201 : i32 to vector<16xi32>
      %sub3A_203 = arith.subf %gather3A_51, %add3A_176 : vector<16xf32>
      tpu.vector_store_idx %arg9[%add3A_26, %broadcast_in_dim3A_202], %sub3A_203 : memref<320x16xf32, #tpu.memory_space<vmem>>[vector<16xi32>, vector<16xi32>], vector<16xf32>,
      %broadcast_in_dim3A_204 = arith.constant 9 : i32
      %broadcast_in_dim3A_205 = vector.broadcast %broadcast_in_dim3A_204 : i32 to vector<16xi32>
      %sub3A_206 = arith.subf %gather3A_54, %add3A_176 : vector<16xf32>
      tpu.vector_store_idx %arg9[%add3A_26, %broadcast_in_dim3A_205], %sub3A_206 : memref<320x16xf32, #tpu.memory_space<vmem>>[vector<16xi32>, vector<16xi32>], vector<16xf32>,
      %broadcast_in_dim3A_207 = arith.constant 10 : i32
      %broadcast_in_dim3A_208 = vector.broadcast %broadcast_in_dim3A_207 : i32 to vector<16xi32>
      %sub3A_209 = arith.subf %gather3A_57, %add3A_176 : vector<16xf32>
      tpu.vector_store_idx %arg9[%add3A_26, %broadcast_in_dim3A_208], %sub3A_209 : memref<320x16xf32, #tpu.memory_space<vmem>>[vector<16xi32>, vector<16xi32>], vector<16xf32>,
      %broadcast_in_dim3A_210 = arith.constant 11 : i32
      %broadcast_in_dim3A_211 = vector.broadcast %broadcast_in_dim3A_210 : i32 to vector<16xi32>
      %sub3A_212 = arith.subf %gather3A_60, %add3A_176 : vector<16xf32>
      tpu.vector_store_idx %arg9[%add3A_26, %broadcast_in_dim3A_211], %sub3A_212 : memref<320x16xf32, #tpu.memory_space<vmem>>[vector<16xi32>, vector<16xi32>], vector<16xf32>,
      %broadcast_in_dim3A_213 = arith.constant 12 : i32
      %broadcast_in_dim3A_214 = vector.broadcast %broadcast_in_dim3A_213 : i32 to vector<16xi32>
      %sub3A_215 = arith.subf %gather3A_63, %add3A_176 : vector<16xf32>
      tpu.vector_store_idx %arg9[%add3A_26, %broadcast_in_dim3A_214], %sub3A_215 : memref<320x16xf32, #tpu.memory_space<vmem>>[vector<16xi32>, vector<16xi32>], vector<16xf32>,
      %broadcast_in_dim3A_216 = arith.constant 13 : i32
      %broadcast_in_dim3A_217 = vector.broadcast %broadcast_in_dim3A_216 : i32 to vector<16xi32>
      %sub3A_218 = arith.subf %gather3A_66, %add3A_176 : vector<16xf32>
      tpu.vector_store_idx %arg9[%add3A_26, %broadcast_in_dim3A_217], %sub3A_218 : memref<320x16xf32, #tpu.memory_space<vmem>>[vector<16xi32>, vector<16xi32>], vector<16xf32>,
      %broadcast_in_dim3A_219 = arith.constant 14 : i32
      %broadcast_in_dim3A_220 = vector.broadcast %broadcast_in_dim3A_219 : i32 to vector<16xi32>
      %sub3A_221 = arith.subf %gather3A_69, %add3A_176 : vector<16xf32>
      tpu.vector_store_idx %arg9[%add3A_26, %broadcast_in_dim3A_220], %sub3A_221 : memref<320x16xf32, #tpu.memory_space<vmem>>[vector<16xi32>, vector<16xi32>], vector<16xf32>,
      %broadcast_in_dim3A_222 = arith.constant 15 : i32
      %broadcast_in_dim3A_223 = vector.broadcast %broadcast_in_dim3A_222 : i32 to vector<16xi32>
      %sub3A_224 = arith.subf %gather3A_72, %add3A_176 : vector<16xf32>
      tpu.vector_store_idx %arg9[%add3A_26, %broadcast_in_dim3A_223], %sub3A_224 : memref<320x16xf32, #tpu.memory_space<vmem>>[vector<16xi32>, vector<16xi32>], vector<16xf32>,
    }
    %scan3A_15 = arith.constant 20 : i32
    %lt3A = arith.constant 31 : i32
    %lt3A_16 = arith.cmpi slt, %add3A, %lt3A : i32
    %convert_element_type3A = arith.extui %lt3A_16 : i1 to i32
    %cond3A = arith.constant 0 : i32
    %cond3A_17 = arith.cmpi ne, %convert_element_type3A, %cond3A : i32
    scf.if %cond3A_17 {
      "tpu.region"() ({
        %run_scoped3A_22 = tpu.sem_alloc : memref<!tpu.dma_semaphore, #tpu.memory_space<semaphore_mem>>
        %dma_start3A = arith.constant 0 : i32
        %dma_start3A_23 = tpu.memref_slice %arg5[%mul3A_2, %dma_start3A] : memref<10000x16xf32, #tpu.memory_space<hbm>> -> memref<320x16xf32, #tpu.memory_space<hbm>>
        %dma_start3A_24 = arith.constant 0 : i32
        %dma_start3A_25 = tpu.memref_slice %arg5[%mul3A_2, %dma_start3A_24] : memref<10000x16xf32, #tpu.memory_space<hbm>> -> memref<320x16xf32, #tpu.memory_space<hbm>>
        tpu.enqueue_dma source(%arg9 : memref<320x16xf32, #tpu.memory_space<vmem>>) target(%dma_start3A_25 : memref<320x16xf32, #tpu.memory_space<hbm>>) target_semaphore(%run_scoped3A_22 : memref<!tpu.dma_semaphore, #tpu.memory_space<semaphore_mem>>)
        %dma_wait3A = arith.constant 0 : i32
        %dma_wait3A_26 = tpu.memref_slice %arg5[%mul3A_2, %dma_wait3A] : memref<10000x16xf32, #tpu.memory_space<hbm>> -> memref<320x16xf32, #tpu.memory_space<hbm>>
        %dma_wait3A_27 = arith.constant 0 : i32
        %dma_wait3A_28 = tpu.memref_slice %arg5[%mul3A_2, %dma_wait3A_27] : memref<10000x16xf32, #tpu.memory_space<hbm>> -> memref<320x16xf32, #tpu.memory_space<hbm>>
        tpu.wait_dma2 semaphore(%run_scoped3A_22 : memref<!tpu.dma_semaphore, #tpu.memory_space<semaphore_mem>>) src(%arg9 : memref<320x16xf32, #tpu.memory_space<vmem>>) dst(%dma_wait3A_28 : memref<320x16xf32, #tpu.memory_space<hbm>>)
        tpu.yield
      }) : () -> ()
    } else {
    }
    %eq3A = arith.constant 31 : i32
    %eq3A_18 = arith.cmpi eq, %add3A, %eq3A : i32
    %convert_element_type3A_19 = arith.extui %eq3A_18 : i1 to i32
    %cond3A_20 = arith.constant 0 : i32
    %cond3A_21 = arith.cmpi ne, %convert_element_type3A_19, %cond3A_20 : i32
    scf.if %cond3A_21 {
      "tpu.region"() ({
        %run_scoped3A_22 = tpu.sem_alloc : memref<!tpu.dma_semaphore, #tpu.memory_space<semaphore_mem>>
        %dma_start3A = arith.constant 0 : i32
        %dma_start3A_23 = arith.constant 0 : i32
        %dma_start3A_24 = tpu.memref_slice %arg9[%dma_start3A, %dma_start3A_23] : memref<320x16xf32, #tpu.memory_space<vmem>> -> memref<80x16xf32, #tpu.memory_space<vmem>>
        %dma_start3A_25 = arith.constant 0 : i32
        %dma_start3A_26 = tpu.memref_slice %arg5[%mul3A_2, %dma_start3A_25] : memref<10000x16xf32, #tpu.memory_space<hbm>> -> memref<80x16xf32, #tpu.memory_space<hbm>>
        %dma_start3A_27 = arith.constant 0 : i32
        %dma_start3A_28 = tpu.memref_slice %arg5[%mul3A_2, %dma_start3A_27] : memref<10000x16xf32, #tpu.memory_space<hbm>> -> memref<80x16xf32, #tpu.memory_space<hbm>>
        %dma_start3A_29 = arith.constant 0 : i32
        %dma_start3A_30 = arith.constant 0 : i32
        %dma_start3A_31 = tpu.memref_slice %arg9[%dma_start3A_29, %dma_start3A_30] : memref<320x16xf32, #tpu.memory_space<vmem>> -> memref<80x16xf32, #tpu.memory_space<vmem>>
        tpu.enqueue_dma source(%dma_start3A_31 : memref<80x16xf32, #tpu.memory_space<vmem>>) target(%dma_start3A_28 : memref<80x16xf32, #tpu.memory_space<hbm>>) target_semaphore(%run_scoped3A_22 : memref<!tpu.dma_semaphore, #tpu.memory_space<semaphore_mem>>)
        %dma_wait3A = arith.constant 0 : i32
        %dma_wait3A_32 = arith.constant 0 : i32
        %dma_wait3A_33 = tpu.memref_slice %arg9[%dma_wait3A, %dma_wait3A_32] : memref<320x16xf32, #tpu.memory_space<vmem>> -> memref<80x16xf32, #tpu.memory_space<vmem>>
        %dma_wait3A_34 = arith.constant 0 : i32
        %dma_wait3A_35 = tpu.memref_slice %arg5[%mul3A_2, %dma_wait3A_34] : memref<10000x16xf32, #tpu.memory_space<hbm>> -> memref<80x16xf32, #tpu.memory_space<hbm>>
        %dma_wait3A_36 = arith.constant 0 : i32
        %dma_wait3A_37 = tpu.memref_slice %arg5[%mul3A_2, %dma_wait3A_36] : memref<10000x16xf32, #tpu.memory_space<hbm>> -> memref<80x16xf32, #tpu.memory_space<hbm>>
        %dma_wait3A_38 = arith.constant 0 : i32
        %dma_wait3A_39 = arith.constant 0 : i32
        %dma_wait3A_40 = tpu.memref_slice %arg9[%dma_wait3A_38, %dma_wait3A_39] : memref<320x16xf32, #tpu.memory_space<vmem>> -> memref<80x16xf32, #tpu.memory_space<vmem>>
        tpu.wait_dma2 semaphore(%run_scoped3A_22 : memref<!tpu.dma_semaphore, #tpu.memory_space<semaphore_mem>>) src(%dma_wait3A_40 : memref<80x16xf32, #tpu.memory_space<vmem>>) dst(%dma_wait3A_37 : memref<80x16xf32, #tpu.memory_space<hbm>>)
        tpu.yield
      }) : () -> ()
    } else {
    }
    return
  }
}

#map = affine_map<(d0, d1) -> (0, 0)>
#map1 = affine_map<(d0, d1) -> (0, 0, 0)>
module attributes {stable_mosaic.version = 14 : i64} {
  func.func @_sc_scale_agg(%arg0: i32, %arg1: i32, %arg2: memref<2x10240xf32, #tpu.memory_space<hbm>>, %arg3: memref<10240x16xf32, #tpu.memory_space<hbm>>, %arg4: memref<2560x128xi32, #tpu.memory_space<hbm>>, %arg5: memref<2560x128xi32, #tpu.memory_space<hbm>>, %arg6: memref<10240x16xf32, #tpu.memory_space<hbm>>, %arg7: memref<2x10240x16xf32, #tpu.memory_space<hbm>>, %arg8: memref<10240x16xf32, #tpu.memory_space<hbm>>, %arg9: memref<80x128xi32, #tpu.memory_space<vmem>>, %arg10: memref<80x128xi32, #tpu.memory_space<vmem>>, %arg11: memref<128x16xf32, #tpu.memory_space<vmem>>, %arg12: memref<128x16xf32, #tpu.memory_space<vmem>>, %arg13: memref<128x16xf32, #tpu.memory_space<vmem>>, %arg14: memref<128x16xf32, #tpu.memory_space<vmem>>, %arg15: memref<640x16xf32, #tpu.memory_space<vmem>>, %arg16: memref<640x16xf32, #tpu.memory_space<vmem>>, %arg17: memref<640xf32, #tpu.memory_space<vmem>>, %arg18: memref<640xf32, #tpu.memory_space<vmem>>, %arg19: memref<10240x16xf32, #tpu.memory_space<vmem_shared>>, %arg20: memref<10240x16xf32, #tpu.memory_space<vmem_shared>>, %arg21: memref<!tpu.dma_semaphore, #tpu.memory_space<semaphore_mem>>, %arg22: memref<!tpu.dma_semaphore, #tpu.memory_space<semaphore_mem>>, %arg23: memref<!tpu.dma_semaphore, #tpu.memory_space<semaphore_mem>>, %arg24: memref<!tpu.dma_semaphore, #tpu.memory_space<semaphore_mem>>) attributes {dimension_semantics = [#tpu.dimension_semantics<core_parallel>, #tpu.dimension_semantics<subcore_parallel>], iteration_bounds = array<i64: 2, 16>, scalar_prefetch = 0 : i64, scratch_operands = 16 : i64, tpu.core_type = #tpu.core_type<sc_vector_subcore>, window_params = [{transform_indices = #map}, {transform_indices = #map}, {transform_indices = #map}, {transform_indices = #map}, {transform_indices = #map}, {transform_indices = #map1}, {transform_indices = #map}]} {
    %mul3A = arith.constant 2 : i32
    %mul3A_0 = arith.muli %arg1, %mul3A : i32
    %add3A = arith.addi %mul3A_0, %arg0 : i32
    %mul3A_1 = arith.constant 640 : i32
    %mul3A_2 = arith.muli %arg1, %mul3A_1 : i32
    %mul3A_3 = arith.constant 80 : i32
    %mul3A_4 = arith.muli %add3A, %mul3A_3 : i32
    "tpu.region"() ({
      %run_scoped3A_60 = tpu.sem_alloc : memref<!tpu.dma_semaphore, #tpu.memory_space<semaphore_mem>>
      %dma_start3A_61 = arith.constant 0 : i32
      %dma_start3A_62 = tpu.memref_slice %arg4[%mul3A_4, %dma_start3A_61] : memref<2560x128xi32, #tpu.memory_space<hbm>> -> memref<80x128xi32, #tpu.memory_space<hbm>>
      %dma_start3A_63 = arith.constant 0 : i32
      %dma_start3A_64 = tpu.memref_slice %arg4[%mul3A_4, %dma_start3A_63] : memref<2560x128xi32, #tpu.memory_space<hbm>> -> memref<80x128xi32, #tpu.memory_space<hbm>>
      tpu.enqueue_dma source(%dma_start3A_64 : memref<80x128xi32, #tpu.memory_space<hbm>>) target(%arg9 : memref<80x128xi32, #tpu.memory_space<vmem>>) target_semaphore(%run_scoped3A_60 : memref<!tpu.dma_semaphore, #tpu.memory_space<semaphore_mem>>)
      %dma_wait3A = arith.constant 0 : i32
      %dma_wait3A_65 = tpu.memref_slice %arg4[%mul3A_4, %dma_wait3A] : memref<2560x128xi32, #tpu.memory_space<hbm>> -> memref<80x128xi32, #tpu.memory_space<hbm>>
      %dma_wait3A_66 = arith.constant 0 : i32
      %dma_wait3A_67 = tpu.memref_slice %arg4[%mul3A_4, %dma_wait3A_66] : memref<2560x128xi32, #tpu.memory_space<hbm>> -> memref<80x128xi32, #tpu.memory_space<hbm>>
      tpu.wait_dma2 semaphore(%run_scoped3A_60 : memref<!tpu.dma_semaphore, #tpu.memory_space<semaphore_mem>>) src(%dma_wait3A_67 : memref<80x128xi32, #tpu.memory_space<hbm>>) dst(%arg9 : memref<80x128xi32, #tpu.memory_space<vmem>>)
      tpu.yield
    }) : () -> ()
    %mul3A_5 = arith.constant 80 : i32
    %mul3A_6 = arith.muli %add3A, %mul3A_5 : i32
    "tpu.region"() ({
      %run_scoped3A_60 = tpu.sem_alloc : memref<!tpu.dma_semaphore, #tpu.memory_space<semaphore_mem>>
      %dma_start3A_61 = arith.constant 0 : i32
      %dma_start3A_62 = tpu.memref_slice %arg5[%mul3A_6, %dma_start3A_61] : memref<2560x128xi32, #tpu.memory_space<hbm>> -> memref<80x128xi32, #tpu.memory_space<hbm>>
      %dma_start3A_63 = arith.constant 0 : i32
      %dma_start3A_64 = tpu.memref_slice %arg5[%mul3A_6, %dma_start3A_63] : memref<2560x128xi32, #tpu.memory_space<hbm>> -> memref<80x128xi32, #tpu.memory_space<hbm>>
      tpu.enqueue_dma source(%dma_start3A_64 : memref<80x128xi32, #tpu.memory_space<hbm>>) target(%arg10 : memref<80x128xi32, #tpu.memory_space<vmem>>) target_semaphore(%run_scoped3A_60 : memref<!tpu.dma_semaphore, #tpu.memory_space<semaphore_mem>>)
      %dma_wait3A = arith.constant 0 : i32
      %dma_wait3A_65 = tpu.memref_slice %arg5[%mul3A_6, %dma_wait3A] : memref<2560x128xi32, #tpu.memory_space<hbm>> -> memref<80x128xi32, #tpu.memory_space<hbm>>
      %dma_wait3A_66 = arith.constant 0 : i32
      %dma_wait3A_67 = tpu.memref_slice %arg5[%mul3A_6, %dma_wait3A_66] : memref<2560x128xi32, #tpu.memory_space<hbm>> -> memref<80x128xi32, #tpu.memory_space<hbm>>
      tpu.wait_dma2 semaphore(%run_scoped3A_60 : memref<!tpu.dma_semaphore, #tpu.memory_space<semaphore_mem>>) src(%dma_wait3A_67 : memref<80x128xi32, #tpu.memory_space<hbm>>) dst(%arg10 : memref<80x128xi32, #tpu.memory_space<vmem>>)
      tpu.yield
    }) : () -> ()
    %eq3A = arith.constant 0 : i32
    %eq3A_7 = arith.cmpi eq, %arg1, %eq3A : i32
    %ne3A = arith.constant 0 : i32
    %ne3A_8 = arith.cmpi ne, %arg0, %ne3A : i32
    %and3A = arith.andi %eq3A_7, %ne3A_8 : i1
    %convert_element_type3A = arith.extui %and3A : i1 to i32
    %cond3A = arith.constant 0 : i32
    %cond3A_9 = arith.cmpi ne, %convert_element_type3A, %cond3A : i32
    scf.if %cond3A_9 {
      "tpu.region"() ({
        %run_scoped3A_60 = tpu.sem_alloc : memref<!tpu.dma_semaphore, #tpu.memory_space<semaphore_mem>>
        tpu.enqueue_dma source(%arg6 : memref<10240x16xf32, #tpu.memory_space<hbm>>) target(%arg19 : memref<10240x16xf32, #tpu.memory_space<vmem_shared>>) target_semaphore(%run_scoped3A_60 : memref<!tpu.dma_semaphore, #tpu.memory_space<semaphore_mem>>)
        tpu.wait_dma2 semaphore(%run_scoped3A_60 : memref<!tpu.dma_semaphore, #tpu.memory_space<semaphore_mem>>) src(%arg6 : memref<10240x16xf32, #tpu.memory_space<hbm>>) dst(%arg19 : memref<10240x16xf32, #tpu.memory_space<vmem_shared>>)
        tpu.yield
      }) : () -> ()
    } else {
    }
    %run_scoped3A = arith.constant 0 : i32
    "tpu.region"() ({
      %run_scoped3A_60 = tpu.sem_alloc : memref<!tpu.dma_semaphore, #tpu.memory_space<semaphore_mem>>
      %dma_start3A_61 = tpu.memref_slice %arg2[%run_scoped3A, %mul3A_2] : memref<2x10240xf32, #tpu.memory_space<hbm>> -> memref<1x640xf32, #tpu.memory_space<hbm>>
      %dma_start3A_62 = tpu.memref_squeeze %dma_start3A_61 : memref<1x640xf32, #tpu.memory_space<hbm>> -> memref<640xf32, #tpu.memory_space<hbm>>
      %dma_start3A_63 = tpu.memref_slice %arg2[%run_scoped3A, %mul3A_2] : memref<2x10240xf32, #tpu.memory_space<hbm>> -> memref<1x640xf32, #tpu.memory_space<hbm>>
      %dma_start3A_64 = tpu.memref_squeeze %dma_start3A_63 : memref<1x640xf32, #tpu.memory_space<hbm>> -> memref<640xf32, #tpu.memory_space<hbm>>
      tpu.enqueue_dma source(%dma_start3A_64 : memref<640xf32, #tpu.memory_space<hbm>>) target(%arg17 : memref<640xf32, #tpu.memory_space<vmem>>) target_semaphore(%run_scoped3A_60 : memref<!tpu.dma_semaphore, #tpu.memory_space<semaphore_mem>>)
      %dma_wait3A = tpu.memref_slice %arg2[%run_scoped3A, %mul3A_2] : memref<2x10240xf32, #tpu.memory_space<hbm>> -> memref<1x640xf32, #tpu.memory_space<hbm>>
      %dma_wait3A_65 = tpu.memref_squeeze %dma_wait3A : memref<1x640xf32, #tpu.memory_space<hbm>> -> memref<640xf32, #tpu.memory_space<hbm>>
      %dma_wait3A_66 = tpu.memref_slice %arg2[%run_scoped3A, %mul3A_2] : memref<2x10240xf32, #tpu.memory_space<hbm>> -> memref<1x640xf32, #tpu.memory_space<hbm>>
      %dma_wait3A_67 = tpu.memref_squeeze %dma_wait3A_66 : memref<1x640xf32, #tpu.memory_space<hbm>> -> memref<640xf32, #tpu.memory_space<hbm>>
      tpu.wait_dma2 semaphore(%run_scoped3A_60 : memref<!tpu.dma_semaphore, #tpu.memory_space<semaphore_mem>>) src(%dma_wait3A_67 : memref<640xf32, #tpu.memory_space<hbm>>) dst(%arg17 : memref<640xf32, #tpu.memory_space<vmem>>)
      tpu.yield
    }) : () -> ()
    %run_scoped3A_10 = arith.constant 1 : i32
    "tpu.region"() ({
      %run_scoped3A_60 = tpu.sem_alloc : memref<!tpu.dma_semaphore, #tpu.memory_space<semaphore_mem>>
      %dma_start3A_61 = tpu.memref_slice %arg2[%run_scoped3A_10, %mul3A_2] : memref<2x10240xf32, #tpu.memory_space<hbm>> -> memref<1x640xf32, #tpu.memory_space<hbm>>
      %dma_start3A_62 = tpu.memref_squeeze %dma_start3A_61 : memref<1x640xf32, #tpu.memory_space<hbm>> -> memref<640xf32, #tpu.memory_space<hbm>>
      %dma_start3A_63 = tpu.memref_slice %arg2[%run_scoped3A_10, %mul3A_2] : memref<2x10240xf32, #tpu.memory_space<hbm>> -> memref<1x640xf32, #tpu.memory_space<hbm>>
      %dma_start3A_64 = tpu.memref_squeeze %dma_start3A_63 : memref<1x640xf32, #tpu.memory_space<hbm>> -> memref<640xf32, #tpu.memory_space<hbm>>
      tpu.enqueue_dma source(%dma_start3A_64 : memref<640xf32, #tpu.memory_space<hbm>>) target(%arg18 : memref<640xf32, #tpu.memory_space<vmem>>) target_semaphore(%run_scoped3A_60 : memref<!tpu.dma_semaphore, #tpu.memory_space<semaphore_mem>>)
      %dma_wait3A = tpu.memref_slice %arg2[%run_scoped3A_10, %mul3A_2] : memref<2x10240xf32, #tpu.memory_space<hbm>> -> memref<1x640xf32, #tpu.memory_space<hbm>>
      %dma_wait3A_65 = tpu.memref_squeeze %dma_wait3A : memref<1x640xf32, #tpu.memory_space<hbm>> -> memref<640xf32, #tpu.memory_space<hbm>>
      %dma_wait3A_66 = tpu.memref_slice %arg2[%run_scoped3A_10, %mul3A_2] : memref<2x10240xf32, #tpu.memory_space<hbm>> -> memref<1x640xf32, #tpu.memory_space<hbm>>
      %dma_wait3A_67 = tpu.memref_squeeze %dma_wait3A_66 : memref<1x640xf32, #tpu.memory_space<hbm>> -> memref<640xf32, #tpu.memory_space<hbm>>
      tpu.wait_dma2 semaphore(%run_scoped3A_60 : memref<!tpu.dma_semaphore, #tpu.memory_space<semaphore_mem>>) src(%dma_wait3A_67 : memref<640xf32, #tpu.memory_space<hbm>>) dst(%arg18 : memref<640xf32, #tpu.memory_space<vmem>>)
      tpu.yield
    }) : () -> ()
    "tpu.region"() ({
      %run_scoped3A_60 = tpu.sem_alloc : memref<!tpu.dma_semaphore, #tpu.memory_space<semaphore_mem>>
      %dma_start3A_61 = arith.constant 0 : i32
      %dma_start3A_62 = tpu.memref_slice %arg3[%mul3A_2, %dma_start3A_61] : memref<10240x16xf32, #tpu.memory_space<hbm>> -> memref<640x16xf32, #tpu.memory_space<hbm>>
      %dma_start3A_63 = arith.constant 0 : i32
      %dma_start3A_64 = tpu.memref_slice %arg3[%mul3A_2, %dma_start3A_63] : memref<10240x16xf32, #tpu.memory_space<hbm>> -> memref<640x16xf32, #tpu.memory_space<hbm>>
      tpu.enqueue_dma source(%dma_start3A_64 : memref<640x16xf32, #tpu.memory_space<hbm>>) target(%arg15 : memref<640x16xf32, #tpu.memory_space<vmem>>) target_semaphore(%run_scoped3A_60 : memref<!tpu.dma_semaphore, #tpu.memory_space<semaphore_mem>>)
      %dma_wait3A = arith.constant 0 : i32
      %dma_wait3A_65 = tpu.memref_slice %arg3[%mul3A_2, %dma_wait3A] : memref<10240x16xf32, #tpu.memory_space<hbm>> -> memref<640x16xf32, #tpu.memory_space<hbm>>
      %dma_wait3A_66 = arith.constant 0 : i32
      %dma_wait3A_67 = tpu.memref_slice %arg3[%mul3A_2, %dma_wait3A_66] : memref<10240x16xf32, #tpu.memory_space<hbm>> -> memref<640x16xf32, #tpu.memory_space<hbm>>
      tpu.wait_dma2 semaphore(%run_scoped3A_60 : memref<!tpu.dma_semaphore, #tpu.memory_space<semaphore_mem>>) src(%dma_wait3A_67 : memref<640x16xf32, #tpu.memory_space<hbm>>) dst(%arg15 : memref<640x16xf32, #tpu.memory_space<vmem>>)
      tpu.yield
    }) : () -> ()
    %iota3A = tpu.iota {dimensions = array<i32: 0>} : vector<16xi32>
    %scan3A = arith.constant 0 : i32
    %scan3A_11 = arith.constant 0 : i32
    %scan3A_12 = arith.constant 40 : i32
    %scan3A_13 = arith.addi %scan3A_11, %scan3A_12 : i32
    %scan3A_14 = arith.constant 1 : i32
    scf.for %scan3A_60 = %scan3A_11 to %scan3A_13 step %scan3A_14  : i32 {
      %mul3A_61 = arith.constant 16 : i32
      %mul3A_62 = arith.muli %scan3A_60, %mul3A_61 : i32
      %get3A = arith.index_cast %mul3A_62 : i32 to index
      %get3A_63 = tpu.vector_load %arg17[%get3A] {strides = array<i32>} : memref<640xf32, #tpu.memory_space<vmem>>, vector<16xf32>,
      %get3A_64 = arith.index_cast %mul3A_62 : i32 to index
      %get3A_65 = tpu.vector_load %arg18[%get3A_64] {strides = array<i32>} : memref<640xf32, #tpu.memory_space<vmem>>, vector<16xf32>,
      %add3A_66 = arith.addf %get3A_63, %get3A_65 : vector<16xf32>
      %add3A_67 = arith.constant 1.000000e+00 : f32
      %add3A_68 = vector.broadcast %add3A_67 : f32 to vector<16xf32>
      %add3A_69 = arith.addf %add3A_66, %add3A_68 : vector<16xf32>
      %bitcast3A = vector.bitcast %add3A_69 : vector<16xf32> to vector<16xi32>
      %shift_right_logical3A = arith.constant 1 : i32
      %shift_right_logical3A_70 = vector.broadcast %shift_right_logical3A : i32 to vector<16xi32>
      %shift_right_logical3A_71 = arith.shrui %bitcast3A, %shift_right_logical3A_70 : vector<16xi32>
      %sub3A = arith.constant 1597463007 : i32
      %sub3A_72 = vector.broadcast %sub3A : i32 to vector<16xi32>
      %sub3A_73 = arith.subi %sub3A_72, %shift_right_logical3A_71 : vector<16xi32>
      %bitcast3A_74 = vector.bitcast %sub3A_73 : vector<16xi32> to vector<16xf32>
      %mul3A_75 = arith.constant 5.000000e-01 : f32
      %mul3A_76 = vector.broadcast %mul3A_75 : f32 to vector<16xf32>
      %mul3A_77 = arith.mulf %mul3A_76, %add3A_69 : vector<16xf32>
      %mul3A_78 = arith.mulf %mul3A_77, %bitcast3A_74 : vector<16xf32>
      %mul3A_79 = arith.mulf %mul3A_78, %bitcast3A_74 : vector<16xf32>
      %sub3A_80 = arith.constant 1.500000e+00 : f32
      %sub3A_81 = vector.broadcast %sub3A_80 : f32 to vector<16xf32>
      %sub3A_82 = arith.subf %sub3A_81, %mul3A_79 : vector<16xf32>
      %mul3A_83 = arith.mulf %bitcast3A_74, %sub3A_82 : vector<16xf32>
      %mul3A_84 = arith.constant 5.000000e-01 : f32
      %mul3A_85 = vector.broadcast %mul3A_84 : f32 to vector<16xf32>
      %mul3A_86 = arith.mulf %mul3A_85, %add3A_69 : vector<16xf32>
      %mul3A_87 = arith.mulf %mul3A_86, %mul3A_83 : vector<16xf32>
      %mul3A_88 = arith.mulf %mul3A_87, %mul3A_83 : vector<16xf32>
      %sub3A_89 = arith.constant 1.500000e+00 : f32
      %sub3A_90 = vector.broadcast %sub3A_89 : f32 to vector<16xf32>
      %sub3A_91 = arith.subf %sub3A_90, %mul3A_88 : vector<16xf32>
      %mul3A_92 = arith.mulf %mul3A_83, %sub3A_91 : vector<16xf32>
      %mul3A_93 = arith.constant 5.000000e-01 : f32
      %mul3A_94 = vector.broadcast %mul3A_93 : f32 to vector<16xf32>
      %mul3A_95 = arith.mulf %mul3A_94, %add3A_69 : vector<16xf32>
      %mul3A_96 = arith.mulf %mul3A_95, %mul3A_92 : vector<16xf32>
      %mul3A_97 = arith.mulf %mul3A_96, %mul3A_92 : vector<16xf32>
      %sub3A_98 = arith.constant 1.500000e+00 : f32
      %sub3A_99 = vector.broadcast %sub3A_98 : f32 to vector<16xf32>
      %sub3A_100 = arith.subf %sub3A_99, %mul3A_97 : vector<16xf32>
      %mul3A_101 = arith.mulf %mul3A_92, %sub3A_100 : vector<16xf32>
      %add3A_102 = vector.broadcast %mul3A_62 : i32 to vector<16xi32>
      %add3A_103 = arith.addi %iota3A, %add3A_102 : vector<16xi32>
      %broadcast_in_dim3A = arith.constant 0 : i32
      %broadcast_in_dim3A_104 = vector.broadcast %broadcast_in_dim3A : i32 to vector<16xi32>
      %gather3A = tpu.vector_load_idx %arg15[%add3A_103, %broadcast_in_dim3A_104] : memref<640x16xf32, #tpu.memory_space<vmem>>[vector<16xi32>, vector<16xi32>], vector<16xf32>,
      %mul3A_105 = arith.mulf %gather3A, %mul3A_101 : vector<16xf32>
      tpu.vector_store_idx %arg15[%add3A_103, %broadcast_in_dim3A_104], %mul3A_105 : memref<640x16xf32, #tpu.memory_space<vmem>>[vector<16xi32>, vector<16xi32>], vector<16xf32>,
      tpu.vector_store_idx %arg16[%add3A_103, %broadcast_in_dim3A_104], %mul3A_101 : memref<640x16xf32, #tpu.memory_space<vmem>>[vector<16xi32>, vector<16xi32>], vector<16xf32>,
      %broadcast_in_dim3A_106 = arith.constant 1 : i32
      %broadcast_in_dim3A_107 = vector.broadcast %broadcast_in_dim3A_106 : i32 to vector<16xi32>
      %gather3A_108 = tpu.vector_load_idx %arg15[%add3A_103, %broadcast_in_dim3A_107] : memref<640x16xf32, #tpu.memory_space<vmem>>[vector<16xi32>, vector<16xi32>], vector<16xf32>,
      %mul3A_109 = arith.mulf %gather3A_108, %mul3A_101 : vector<16xf32>
      tpu.vector_store_idx %arg15[%add3A_103, %broadcast_in_dim3A_107], %mul3A_109 : memref<640x16xf32, #tpu.memory_space<vmem>>[vector<16xi32>, vector<16xi32>], vector<16xf32>,
      tpu.vector_store_idx %arg16[%add3A_103, %broadcast_in_dim3A_107], %mul3A_101 : memref<640x16xf32, #tpu.memory_space<vmem>>[vector<16xi32>, vector<16xi32>], vector<16xf32>,
      %broadcast_in_dim3A_110 = arith.constant 2 : i32
      %broadcast_in_dim3A_111 = vector.broadcast %broadcast_in_dim3A_110 : i32 to vector<16xi32>
      %gather3A_112 = tpu.vector_load_idx %arg15[%add3A_103, %broadcast_in_dim3A_111] : memref<640x16xf32, #tpu.memory_space<vmem>>[vector<16xi32>, vector<16xi32>], vector<16xf32>,
      %mul3A_113 = arith.mulf %gather3A_112, %mul3A_101 : vector<16xf32>
      tpu.vector_store_idx %arg15[%add3A_103, %broadcast_in_dim3A_111], %mul3A_113 : memref<640x16xf32, #tpu.memory_space<vmem>>[vector<16xi32>, vector<16xi32>], vector<16xf32>,
      tpu.vector_store_idx %arg16[%add3A_103, %broadcast_in_dim3A_111], %mul3A_101 : memref<640x16xf32, #tpu.memory_space<vmem>>[vector<16xi32>, vector<16xi32>], vector<16xf32>,
      %broadcast_in_dim3A_114 = arith.constant 3 : i32
      %broadcast_in_dim3A_115 = vector.broadcast %broadcast_in_dim3A_114 : i32 to vector<16xi32>
      %gather3A_116 = tpu.vector_load_idx %arg15[%add3A_103, %broadcast_in_dim3A_115] : memref<640x16xf32, #tpu.memory_space<vmem>>[vector<16xi32>, vector<16xi32>], vector<16xf32>,
      %mul3A_117 = arith.mulf %gather3A_116, %mul3A_101 : vector<16xf32>
      tpu.vector_store_idx %arg15[%add3A_103, %broadcast_in_dim3A_115], %mul3A_117 : memref<640x16xf32, #tpu.memory_space<vmem>>[vector<16xi32>, vector<16xi32>], vector<16xf32>,
      tpu.vector_store_idx %arg16[%add3A_103, %broadcast_in_dim3A_115], %mul3A_101 : memref<640x16xf32, #tpu.memory_space<vmem>>[vector<16xi32>, vector<16xi32>], vector<16xf32>,
      %broadcast_in_dim3A_118 = arith.constant 4 : i32
      %broadcast_in_dim3A_119 = vector.broadcast %broadcast_in_dim3A_118 : i32 to vector<16xi32>
      %gather3A_120 = tpu.vector_load_idx %arg15[%add3A_103, %broadcast_in_dim3A_119] : memref<640x16xf32, #tpu.memory_space<vmem>>[vector<16xi32>, vector<16xi32>], vector<16xf32>,
      %mul3A_121 = arith.mulf %gather3A_120, %mul3A_101 : vector<16xf32>
      tpu.vector_store_idx %arg15[%add3A_103, %broadcast_in_dim3A_119], %mul3A_121 : memref<640x16xf32, #tpu.memory_space<vmem>>[vector<16xi32>, vector<16xi32>], vector<16xf32>,
      tpu.vector_store_idx %arg16[%add3A_103, %broadcast_in_dim3A_119], %mul3A_101 : memref<640x16xf32, #tpu.memory_space<vmem>>[vector<16xi32>, vector<16xi32>], vector<16xf32>,
      %broadcast_in_dim3A_122 = arith.constant 5 : i32
      %broadcast_in_dim3A_123 = vector.broadcast %broadcast_in_dim3A_122 : i32 to vector<16xi32>
      %gather3A_124 = tpu.vector_load_idx %arg15[%add3A_103, %broadcast_in_dim3A_123] : memref<640x16xf32, #tpu.memory_space<vmem>>[vector<16xi32>, vector<16xi32>], vector<16xf32>,
      %mul3A_125 = arith.mulf %gather3A_124, %mul3A_101 : vector<16xf32>
      tpu.vector_store_idx %arg15[%add3A_103, %broadcast_in_dim3A_123], %mul3A_125 : memref<640x16xf32, #tpu.memory_space<vmem>>[vector<16xi32>, vector<16xi32>], vector<16xf32>,
      tpu.vector_store_idx %arg16[%add3A_103, %broadcast_in_dim3A_123], %mul3A_101 : memref<640x16xf32, #tpu.memory_space<vmem>>[vector<16xi32>, vector<16xi32>], vector<16xf32>,
      %broadcast_in_dim3A_126 = arith.constant 6 : i32
      %broadcast_in_dim3A_127 = vector.broadcast %broadcast_in_dim3A_126 : i32 to vector<16xi32>
      %gather3A_128 = tpu.vector_load_idx %arg15[%add3A_103, %broadcast_in_dim3A_127] : memref<640x16xf32, #tpu.memory_space<vmem>>[vector<16xi32>, vector<16xi32>], vector<16xf32>,
      %mul3A_129 = arith.mulf %gather3A_128, %mul3A_101 : vector<16xf32>
      tpu.vector_store_idx %arg15[%add3A_103, %broadcast_in_dim3A_127], %mul3A_129 : memref<640x16xf32, #tpu.memory_space<vmem>>[vector<16xi32>, vector<16xi32>], vector<16xf32>,
      tpu.vector_store_idx %arg16[%add3A_103, %broadcast_in_dim3A_127], %mul3A_101 : memref<640x16xf32, #tpu.memory_space<vmem>>[vector<16xi32>, vector<16xi32>], vector<16xf32>,
      %broadcast_in_dim3A_130 = arith.constant 7 : i32
      %broadcast_in_dim3A_131 = vector.broadcast %broadcast_in_dim3A_130 : i32 to vector<16xi32>
      %gather3A_132 = tpu.vector_load_idx %arg15[%add3A_103, %broadcast_in_dim3A_131] : memref<640x16xf32, #tpu.memory_space<vmem>>[vector<16xi32>, vector<16xi32>], vector<16xf32>,
      %mul3A_133 = arith.mulf %gather3A_132, %mul3A_101 : vector<16xf32>
      tpu.vector_store_idx %arg15[%add3A_103, %broadcast_in_dim3A_131], %mul3A_133 : memref<640x16xf32, #tpu.memory_space<vmem>>[vector<16xi32>, vector<16xi32>], vector<16xf32>,
      tpu.vector_store_idx %arg16[%add3A_103, %broadcast_in_dim3A_131], %mul3A_101 : memref<640x16xf32, #tpu.memory_space<vmem>>[vector<16xi32>, vector<16xi32>], vector<16xf32>,
      %broadcast_in_dim3A_134 = arith.constant 8 : i32
      %broadcast_in_dim3A_135 = vector.broadcast %broadcast_in_dim3A_134 : i32 to vector<16xi32>
      %gather3A_136 = tpu.vector_load_idx %arg15[%add3A_103, %broadcast_in_dim3A_135] : memref<640x16xf32, #tpu.memory_space<vmem>>[vector<16xi32>, vector<16xi32>], vector<16xf32>,
      %mul3A_137 = arith.mulf %gather3A_136, %mul3A_101 : vector<16xf32>
      tpu.vector_store_idx %arg15[%add3A_103, %broadcast_in_dim3A_135], %mul3A_137 : memref<640x16xf32, #tpu.memory_space<vmem>>[vector<16xi32>, vector<16xi32>], vector<16xf32>,
      tpu.vector_store_idx %arg16[%add3A_103, %broadcast_in_dim3A_135], %mul3A_101 : memref<640x16xf32, #tpu.memory_space<vmem>>[vector<16xi32>, vector<16xi32>], vector<16xf32>,
      %broadcast_in_dim3A_138 = arith.constant 9 : i32
      %broadcast_in_dim3A_139 = vector.broadcast %broadcast_in_dim3A_138 : i32 to vector<16xi32>
      %gather3A_140 = tpu.vector_load_idx %arg15[%add3A_103, %broadcast_in_dim3A_139] : memref<640x16xf32, #tpu.memory_space<vmem>>[vector<16xi32>, vector<16xi32>], vector<16xf32>,
      %mul3A_141 = arith.mulf %gather3A_140, %mul3A_101 : vector<16xf32>
      tpu.vector_store_idx %arg15[%add3A_103, %broadcast_in_dim3A_139], %mul3A_141 : memref<640x16xf32, #tpu.memory_space<vmem>>[vector<16xi32>, vector<16xi32>], vector<16xf32>,
      tpu.vector_store_idx %arg16[%add3A_103, %broadcast_in_dim3A_139], %mul3A_101 : memref<640x16xf32, #tpu.memory_space<vmem>>[vector<16xi32>, vector<16xi32>], vector<16xf32>,
      %broadcast_in_dim3A_142 = arith.constant 10 : i32
      %broadcast_in_dim3A_143 = vector.broadcast %broadcast_in_dim3A_142 : i32 to vector<16xi32>
      %gather3A_144 = tpu.vector_load_idx %arg15[%add3A_103, %broadcast_in_dim3A_143] : memref<640x16xf32, #tpu.memory_space<vmem>>[vector<16xi32>, vector<16xi32>], vector<16xf32>,
      %mul3A_145 = arith.mulf %gather3A_144, %mul3A_101 : vector<16xf32>
      tpu.vector_store_idx %arg15[%add3A_103, %broadcast_in_dim3A_143], %mul3A_145 : memref<640x16xf32, #tpu.memory_space<vmem>>[vector<16xi32>, vector<16xi32>], vector<16xf32>,
      tpu.vector_store_idx %arg16[%add3A_103, %broadcast_in_dim3A_143], %mul3A_101 : memref<640x16xf32, #tpu.memory_space<vmem>>[vector<16xi32>, vector<16xi32>], vector<16xf32>,
      %broadcast_in_dim3A_146 = arith.constant 11 : i32
      %broadcast_in_dim3A_147 = vector.broadcast %broadcast_in_dim3A_146 : i32 to vector<16xi32>
      %gather3A_148 = tpu.vector_load_idx %arg15[%add3A_103, %broadcast_in_dim3A_147] : memref<640x16xf32, #tpu.memory_space<vmem>>[vector<16xi32>, vector<16xi32>], vector<16xf32>,
      %mul3A_149 = arith.mulf %gather3A_148, %mul3A_101 : vector<16xf32>
      tpu.vector_store_idx %arg15[%add3A_103, %broadcast_in_dim3A_147], %mul3A_149 : memref<640x16xf32, #tpu.memory_space<vmem>>[vector<16xi32>, vector<16xi32>], vector<16xf32>,
      tpu.vector_store_idx %arg16[%add3A_103, %broadcast_in_dim3A_147], %mul3A_101 : memref<640x16xf32, #tpu.memory_space<vmem>>[vector<16xi32>, vector<16xi32>], vector<16xf32>,
      %broadcast_in_dim3A_150 = arith.constant 12 : i32
      %broadcast_in_dim3A_151 = vector.broadcast %broadcast_in_dim3A_150 : i32 to vector<16xi32>
      %gather3A_152 = tpu.vector_load_idx %arg15[%add3A_103, %broadcast_in_dim3A_151] : memref<640x16xf32, #tpu.memory_space<vmem>>[vector<16xi32>, vector<16xi32>], vector<16xf32>,
      %mul3A_153 = arith.mulf %gather3A_152, %mul3A_101 : vector<16xf32>
      tpu.vector_store_idx %arg15[%add3A_103, %broadcast_in_dim3A_151], %mul3A_153 : memref<640x16xf32, #tpu.memory_space<vmem>>[vector<16xi32>, vector<16xi32>], vector<16xf32>,
      tpu.vector_store_idx %arg16[%add3A_103, %broadcast_in_dim3A_151], %mul3A_101 : memref<640x16xf32, #tpu.memory_space<vmem>>[vector<16xi32>, vector<16xi32>], vector<16xf32>,
      %broadcast_in_dim3A_154 = arith.constant 13 : i32
      %broadcast_in_dim3A_155 = vector.broadcast %broadcast_in_dim3A_154 : i32 to vector<16xi32>
      %gather3A_156 = tpu.vector_load_idx %arg15[%add3A_103, %broadcast_in_dim3A_155] : memref<640x16xf32, #tpu.memory_space<vmem>>[vector<16xi32>, vector<16xi32>], vector<16xf32>,
      %mul3A_157 = arith.mulf %gather3A_156, %mul3A_101 : vector<16xf32>
      tpu.vector_store_idx %arg15[%add3A_103, %broadcast_in_dim3A_155], %mul3A_157 : memref<640x16xf32, #tpu.memory_space<vmem>>[vector<16xi32>, vector<16xi32>], vector<16xf32>,
      tpu.vector_store_idx %arg16[%add3A_103, %broadcast_in_dim3A_155], %mul3A_101 : memref<640x16xf32, #tpu.memory_space<vmem>>[vector<16xi32>, vector<16xi32>], vector<16xf32>,
      %broadcast_in_dim3A_158 = arith.constant 14 : i32
      %broadcast_in_dim3A_159 = vector.broadcast %broadcast_in_dim3A_158 : i32 to vector<16xi32>
      %gather3A_160 = tpu.vector_load_idx %arg15[%add3A_103, %broadcast_in_dim3A_159] : memref<640x16xf32, #tpu.memory_space<vmem>>[vector<16xi32>, vector<16xi32>], vector<16xf32>,
      %mul3A_161 = arith.mulf %gather3A_160, %mul3A_101 : vector<16xf32>
      tpu.vector_store_idx %arg15[%add3A_103, %broadcast_in_dim3A_159], %mul3A_161 : memref<640x16xf32, #tpu.memory_space<vmem>>[vector<16xi32>, vector<16xi32>], vector<16xf32>,
      tpu.vector_store_idx %arg16[%add3A_103, %broadcast_in_dim3A_159], %mul3A_101 : memref<640x16xf32, #tpu.memory_space<vmem>>[vector<16xi32>, vector<16xi32>], vector<16xf32>,
      %broadcast_in_dim3A_162 = arith.constant 15 : i32
      %broadcast_in_dim3A_163 = vector.broadcast %broadcast_in_dim3A_162 : i32 to vector<16xi32>
      %gather3A_164 = tpu.vector_load_idx %arg15[%add3A_103, %broadcast_in_dim3A_163] : memref<640x16xf32, #tpu.memory_space<vmem>>[vector<16xi32>, vector<16xi32>], vector<16xf32>,
      %mul3A_165 = arith.mulf %gather3A_164, %mul3A_101 : vector<16xf32>
      tpu.vector_store_idx %arg15[%add3A_103, %broadcast_in_dim3A_163], %mul3A_165 : memref<640x16xf32, #tpu.memory_space<vmem>>[vector<16xi32>, vector<16xi32>], vector<16xf32>,
      tpu.vector_store_idx %arg16[%add3A_103, %broadcast_in_dim3A_163], %mul3A_101 : memref<640x16xf32, #tpu.memory_space<vmem>>[vector<16xi32>, vector<16xi32>], vector<16xf32>,
    }
    %scan3A_15 = arith.constant 40 : i32
    "tpu.region"() ({
      %run_scoped3A_60 = tpu.sem_alloc : memref<!tpu.dma_semaphore, #tpu.memory_space<semaphore_mem>>
      %dma_start3A_61 = arith.constant 0 : i32
      %dma_start3A_62 = tpu.memref_slice %arg20[%mul3A_2, %dma_start3A_61] : memref<10240x16xf32, #tpu.memory_space<vmem_shared>> -> memref<640x16xf32, #tpu.memory_space<vmem_shared>>
      %dma_start3A_63 = arith.constant 0 : i32
      %dma_start3A_64 = tpu.memref_slice %arg20[%mul3A_2, %dma_start3A_63] : memref<10240x16xf32, #tpu.memory_space<vmem_shared>> -> memref<640x16xf32, #tpu.memory_space<vmem_shared>>
      tpu.enqueue_dma source(%arg15 : memref<640x16xf32, #tpu.memory_space<vmem>>) target(%dma_start3A_64 : memref<640x16xf32, #tpu.memory_space<vmem_shared>>) target_semaphore(%run_scoped3A_60 : memref<!tpu.dma_semaphore, #tpu.memory_space<semaphore_mem>>)
      %dma_wait3A = arith.constant 0 : i32
      %dma_wait3A_65 = tpu.memref_slice %arg20[%mul3A_2, %dma_wait3A] : memref<10240x16xf32, #tpu.memory_space<vmem_shared>> -> memref<640x16xf32, #tpu.memory_space<vmem_shared>>
      %dma_wait3A_66 = arith.constant 0 : i32
      %dma_wait3A_67 = tpu.memref_slice %arg20[%mul3A_2, %dma_wait3A_66] : memref<10240x16xf32, #tpu.memory_space<vmem_shared>> -> memref<640x16xf32, #tpu.memory_space<vmem_shared>>
      tpu.wait_dma2 semaphore(%run_scoped3A_60 : memref<!tpu.dma_semaphore, #tpu.memory_space<semaphore_mem>>) src(%arg15 : memref<640x16xf32, #tpu.memory_space<vmem>>) dst(%dma_wait3A_67 : memref<640x16xf32, #tpu.memory_space<vmem_shared>>)
      tpu.yield
    }) : () -> ()
    %eq3A_16 = arith.constant 0 : i32
    %eq3A_17 = arith.cmpi eq, %arg0, %eq3A_16 : i32
    %convert_element_type3A_18 = arith.extui %eq3A_17 : i1 to i32
    %cond3A_19 = arith.constant 0 : i32
    %cond3A_20 = arith.cmpi ne, %convert_element_type3A_18, %cond3A_19 : i32
    scf.if %cond3A_20 {
      "tpu.region"() ({
        %run_scoped3A_60 = tpu.sem_alloc : memref<!tpu.dma_semaphore, #tpu.memory_space<semaphore_mem>>
        %dma_start3A_61 = arith.constant 0 : i32
        %dma_start3A_62 = tpu.memref_slice %arg19[%mul3A_2, %dma_start3A_61] : memref<10240x16xf32, #tpu.memory_space<vmem_shared>> -> memref<640x16xf32, #tpu.memory_space<vmem_shared>>
        %dma_start3A_63 = arith.constant 0 : i32
        %dma_start3A_64 = tpu.memref_slice %arg19[%mul3A_2, %dma_start3A_63] : memref<10240x16xf32, #tpu.memory_space<vmem_shared>> -> memref<640x16xf32, #tpu.memory_space<vmem_shared>>
        tpu.enqueue_dma source(%arg15 : memref<640x16xf32, #tpu.memory_space<vmem>>) target(%dma_start3A_64 : memref<640x16xf32, #tpu.memory_space<vmem_shared>>) target_semaphore(%run_scoped3A_60 : memref<!tpu.dma_semaphore, #tpu.memory_space<semaphore_mem>>)
        %dma_wait3A = arith.constant 0 : i32
        %dma_wait3A_65 = tpu.memref_slice %arg19[%mul3A_2, %dma_wait3A] : memref<10240x16xf32, #tpu.memory_space<vmem_shared>> -> memref<640x16xf32, #tpu.memory_space<vmem_shared>>
        %dma_wait3A_66 = arith.constant 0 : i32
        %dma_wait3A_67 = tpu.memref_slice %arg19[%mul3A_2, %dma_wait3A_66] : memref<10240x16xf32, #tpu.memory_space<vmem_shared>> -> memref<640x16xf32, #tpu.memory_space<vmem_shared>>
        tpu.wait_dma2 semaphore(%run_scoped3A_60 : memref<!tpu.dma_semaphore, #tpu.memory_space<semaphore_mem>>) src(%arg15 : memref<640x16xf32, #tpu.memory_space<vmem>>) dst(%dma_wait3A_67 : memref<640x16xf32, #tpu.memory_space<vmem_shared>>)
        tpu.yield
      }) : () -> ()
      "tpu.region"() ({
        %run_scoped3A_60 = tpu.sem_alloc : memref<!tpu.dma_semaphore, #tpu.memory_space<semaphore_mem>>
        %dma_start3A_61 = arith.constant 0 : i32
        %dma_start3A_62 = tpu.memref_slice %arg8[%mul3A_2, %dma_start3A_61] : memref<10240x16xf32, #tpu.memory_space<hbm>> -> memref<640x16xf32, #tpu.memory_space<hbm>>
        %dma_start3A_63 = arith.constant 0 : i32
        %dma_start3A_64 = tpu.memref_slice %arg8[%mul3A_2, %dma_start3A_63] : memref<10240x16xf32, #tpu.memory_space<hbm>> -> memref<640x16xf32, #tpu.memory_space<hbm>>
        tpu.enqueue_dma source(%arg16 : memref<640x16xf32, #tpu.memory_space<vmem>>) target(%dma_start3A_64 : memref<640x16xf32, #tpu.memory_space<hbm>>) target_semaphore(%run_scoped3A_60 : memref<!tpu.dma_semaphore, #tpu.memory_space<semaphore_mem>>)
        %dma_wait3A = arith.constant 0 : i32
        %dma_wait3A_65 = tpu.memref_slice %arg8[%mul3A_2, %dma_wait3A] : memref<10240x16xf32, #tpu.memory_space<hbm>> -> memref<640x16xf32, #tpu.memory_space<hbm>>
        %dma_wait3A_66 = arith.constant 0 : i32
        %dma_wait3A_67 = tpu.memref_slice %arg8[%mul3A_2, %dma_wait3A_66] : memref<10240x16xf32, #tpu.memory_space<hbm>> -> memref<640x16xf32, #tpu.memory_space<hbm>>
        tpu.wait_dma2 semaphore(%run_scoped3A_60 : memref<!tpu.dma_semaphore, #tpu.memory_space<semaphore_mem>>) src(%arg16 : memref<640x16xf32, #tpu.memory_space<vmem>>) dst(%dma_wait3A_67 : memref<640x16xf32, #tpu.memory_space<hbm>>)
        tpu.yield
      }) : () -> ()
    } else {
    }
    %barrier3A = arith.constant 0 : index
    tpu.barrier barrier_id(%barrier3A)
    %dma_start3A = arith.constant 0 : i32
    %dma_start3A_21 = arith.constant 0 : i32
    %dma_start3A_22 = tpu.memref_slice %arg9[%dma_start3A, %dma_start3A_21] : memref<80x128xi32, #tpu.memory_space<vmem>> -> memref<1x128xi32, #tpu.memory_space<vmem>>
    %dma_start3A_23 = tpu.memref_squeeze %dma_start3A_22 : memref<1x128xi32, #tpu.memory_space<vmem>> -> memref<128xi32, #tpu.memory_space<vmem>>
    %dma_start3A_24 = arith.constant 0 : i32
    %dma_start3A_25 = arith.constant 0 : i32
    %dma_start3A_26 = tpu.memref_slice %arg20[%dma_start3A_24, %dma_start3A_25] : memref<10240x16xf32, #tpu.memory_space<vmem_shared>> -> memref<10240x16xf32, #tpu.memory_space<vmem_shared>>
    tpu.enqueue_indirect_dma source(%dma_start3A_26 : memref<10240x16xf32, #tpu.memory_space<vmem_shared>>) target(%arg11 : memref<128x16xf32, #tpu.memory_space<vmem>>) offsets(%dma_start3A_23 : memref<128xi32, #tpu.memory_space<vmem>>) semaphore(%arg21 : memref<!tpu.dma_semaphore, #tpu.memory_space<semaphore_mem>>)
    %dma_start3A_27 = arith.constant 1 : i32
    %dma_start3A_28 = arith.constant 0 : i32
    %dma_start3A_29 = tpu.memref_slice %arg9[%dma_start3A_27, %dma_start3A_28] : memref<80x128xi32, #tpu.memory_space<vmem>> -> memref<1x128xi32, #tpu.memory_space<vmem>>
    %dma_start3A_30 = tpu.memref_squeeze %dma_start3A_29 : memref<1x128xi32, #tpu.memory_space<vmem>> -> memref<128xi32, #tpu.memory_space<vmem>>
    %dma_start3A_31 = arith.constant 0 : i32
    %dma_start3A_32 = arith.constant 0 : i32
    %dma_start3A_33 = tpu.memref_slice %arg20[%dma_start3A_31, %dma_start3A_32] : memref<10240x16xf32, #tpu.memory_space<vmem_shared>> -> memref<10240x16xf32, #tpu.memory_space<vmem_shared>>
    tpu.enqueue_indirect_dma source(%dma_start3A_33 : memref<10240x16xf32, #tpu.memory_space<vmem_shared>>) target(%arg12 : memref<128x16xf32, #tpu.memory_space<vmem>>) offsets(%dma_start3A_30 : memref<128xi32, #tpu.memory_space<vmem>>) semaphore(%arg22 : memref<!tpu.dma_semaphore, #tpu.memory_space<semaphore_mem>>)
    %dma_start3A_34 = arith.constant 2 : i32
    %dma_start3A_35 = arith.constant 0 : i32
    %dma_start3A_36 = tpu.memref_slice %arg9[%dma_start3A_34, %dma_start3A_35] : memref<80x128xi32, #tpu.memory_space<vmem>> -> memref<1x128xi32, #tpu.memory_space<vmem>>
    %dma_start3A_37 = tpu.memref_squeeze %dma_start3A_36 : memref<1x128xi32, #tpu.memory_space<vmem>> -> memref<128xi32, #tpu.memory_space<vmem>>
    %dma_start3A_38 = arith.constant 0 : i32
    %dma_start3A_39 = arith.constant 0 : i32
    %dma_start3A_40 = tpu.memref_slice %arg20[%dma_start3A_38, %dma_start3A_39] : memref<10240x16xf32, #tpu.memory_space<vmem_shared>> -> memref<10240x16xf32, #tpu.memory_space<vmem_shared>>
    tpu.enqueue_indirect_dma source(%dma_start3A_40 : memref<10240x16xf32, #tpu.memory_space<vmem_shared>>) target(%arg13 : memref<128x16xf32, #tpu.memory_space<vmem>>) offsets(%dma_start3A_37 : memref<128xi32, #tpu.memory_space<vmem>>) semaphore(%arg23 : memref<!tpu.dma_semaphore, #tpu.memory_space<semaphore_mem>>)
    %dma_start3A_41 = arith.constant 3 : i32
    %dma_start3A_42 = arith.constant 0 : i32
    %dma_start3A_43 = tpu.memref_slice %arg9[%dma_start3A_41, %dma_start3A_42] : memref<80x128xi32, #tpu.memory_space<vmem>> -> memref<1x128xi32, #tpu.memory_space<vmem>>
    %dma_start3A_44 = tpu.memref_squeeze %dma_start3A_43 : memref<1x128xi32, #tpu.memory_space<vmem>> -> memref<128xi32, #tpu.memory_space<vmem>>
    %dma_start3A_45 = arith.constant 0 : i32
    %dma_start3A_46 = arith.constant 0 : i32
    %dma_start3A_47 = tpu.memref_slice %arg20[%dma_start3A_45, %dma_start3A_46] : memref<10240x16xf32, #tpu.memory_space<vmem_shared>> -> memref<10240x16xf32, #tpu.memory_space<vmem_shared>>
    tpu.enqueue_indirect_dma source(%dma_start3A_47 : memref<10240x16xf32, #tpu.memory_space<vmem_shared>>) target(%arg14 : memref<128x16xf32, #tpu.memory_space<vmem>>) offsets(%dma_start3A_44 : memref<128xi32, #tpu.memory_space<vmem>>) semaphore(%arg24 : memref<!tpu.dma_semaphore, #tpu.memory_space<semaphore_mem>>)
    %scan3A_48 = arith.constant 0 : i32
    %scan3A_49 = arith.constant 0 : i32
    %scan3A_50 = arith.constant 20 : i32
    %scan3A_51 = arith.addi %scan3A_49, %scan3A_50 : i32
    %scan3A_52 = arith.constant 1 : i32
    scf.for %scan3A_60 = %scan3A_49 to %scan3A_51 step %scan3A_52  : i32 {
      %mul3A_61 = arith.constant 4 : i32
      %mul3A_62 = arith.muli %scan3A_60, %mul3A_61 : i32
      %add3A_63 = arith.constant 0 : i32
      %add3A_64 = arith.addi %mul3A_62, %add3A_63 : i32
      %dma_wait3A = arith.constant 0 : i32
      %dma_wait3A_65 = tpu.memref_slice %arg9[%add3A_64, %dma_wait3A] : memref<80x128xi32, #tpu.memory_space<vmem>> -> memref<1x128xi32, #tpu.memory_space<vmem>>
      %dma_wait3A_66 = tpu.memref_squeeze %dma_wait3A_65 : memref<1x128xi32, #tpu.memory_space<vmem>> -> memref<128xi32, #tpu.memory_space<vmem>>
      %dma_wait3A_67 = arith.constant 0 : i32
      %dma_wait3A_68 = arith.constant 0 : i32
      %dma_wait3A_69 = tpu.memref_slice %arg20[%dma_wait3A_67, %dma_wait3A_68] : memref<10240x16xf32, #tpu.memory_space<vmem_shared>> -> memref<10240x16xf32, #tpu.memory_space<vmem_shared>>
      tpu.wait_indirect_dma semaphore(%arg21 : memref<!tpu.dma_semaphore, #tpu.memory_space<semaphore_mem>>) src(%dma_wait3A_69 : memref<10240x16xf32, #tpu.memory_space<vmem_shared>>) dst(%arg11 : memref<128x16xf32, #tpu.memory_space<vmem>>)
      "tpu.region"() ({
        %run_scoped3A_121 = tpu.sem_alloc : memref<!tpu.dma_semaphore, #tpu.memory_space<semaphore_mem>>
        %dma_start3A_122 = arith.constant 0 : i32
        %dma_start3A_123 = tpu.memref_slice %arg10[%add3A_64, %dma_start3A_122] : memref<80x128xi32, #tpu.memory_space<vmem>> -> memref<1x128xi32, #tpu.memory_space<vmem>>
        %dma_start3A_124 = tpu.memref_squeeze %dma_start3A_123 : memref<1x128xi32, #tpu.memory_space<vmem>> -> memref<128xi32, #tpu.memory_space<vmem>>
        %dma_start3A_125 = arith.constant 0 : i32
        %dma_start3A_126 = arith.constant 0 : i32
        %dma_start3A_127 = tpu.memref_slice %arg19[%dma_start3A_125, %dma_start3A_126] : memref<10240x16xf32, #tpu.memory_space<vmem_shared>> -> memref<10240x16xf32, #tpu.memory_space<vmem_shared>>
        tpu.enqueue_indirect_dma source(%arg11 : memref<128x16xf32, #tpu.memory_space<vmem>>) target(%dma_start3A_127 : memref<10240x16xf32, #tpu.memory_space<vmem_shared>>) offsets(%dma_start3A_124 : memref<128xi32, #tpu.memory_space<vmem>>) semaphore(%run_scoped3A_121 : memref<!tpu.dma_semaphore, #tpu.memory_space<semaphore_mem>>) {add = true}
        %dma_wait3A_128 = arith.constant 0 : i32
        %dma_wait3A_129 = tpu.memref_slice %arg10[%add3A_64, %dma_wait3A_128] : memref<80x128xi32, #tpu.memory_space<vmem>> -> memref<1x128xi32, #tpu.memory_space<vmem>>
        %dma_wait3A_130 = tpu.memref_squeeze %dma_wait3A_129 : memref<1x128xi32, #tpu.memory_space<vmem>> -> memref<128xi32, #tpu.memory_space<vmem>>
        %dma_wait3A_131 = arith.constant 0 : i32
        %dma_wait3A_132 = arith.constant 0 : i32
        %dma_wait3A_133 = tpu.memref_slice %arg19[%dma_wait3A_131, %dma_wait3A_132] : memref<10240x16xf32, #tpu.memory_space<vmem_shared>> -> memref<10240x16xf32, #tpu.memory_space<vmem_shared>>
        tpu.wait_indirect_dma semaphore(%run_scoped3A_121 : memref<!tpu.dma_semaphore, #tpu.memory_space<semaphore_mem>>) src(%arg11 : memref<128x16xf32, #tpu.memory_space<vmem>>) dst(%dma_wait3A_133 : memref<10240x16xf32, #tpu.memory_space<vmem_shared>>)
        tpu.yield
      }) : () -> ()
      %add3A_70 = arith.constant 4 : i32
      %add3A_71 = arith.addi %add3A_64, %add3A_70 : i32
      %lt3A = arith.constant 80 : i32
      %lt3A_72 = arith.cmpi slt, %add3A_71, %lt3A : i32
      %convert_element_type3A_73 = arith.extui %lt3A_72 : i1 to i32
      %cond3A_74 = arith.constant 0 : i32
      %cond3A_75 = arith.cmpi ne, %convert_element_type3A_73, %cond3A_74 : i32
      scf.if %cond3A_75 {
        %add3A_121 = arith.constant 4 : i32
        %add3A_122 = arith.addi %add3A_64, %add3A_121 : i32
        %dma_start3A_123 = arith.constant 0 : i32
        %dma_start3A_124 = tpu.memref_slice %arg9[%add3A_122, %dma_start3A_123] : memref<80x128xi32, #tpu.memory_space<vmem>> -> memref<1x128xi32, #tpu.memory_space<vmem>>
        %dma_start3A_125 = tpu.memref_squeeze %dma_start3A_124 : memref<1x128xi32, #tpu.memory_space<vmem>> -> memref<128xi32, #tpu.memory_space<vmem>>
        %dma_start3A_126 = arith.constant 0 : i32
        %dma_start3A_127 = arith.constant 0 : i32
        %dma_start3A_128 = tpu.memref_slice %arg20[%dma_start3A_126, %dma_start3A_127] : memref<10240x16xf32, #tpu.memory_space<vmem_shared>> -> memref<10240x16xf32, #tpu.memory_space<vmem_shared>>
        tpu.enqueue_indirect_dma source(%dma_start3A_128 : memref<10240x16xf32, #tpu.memory_space<vmem_shared>>) target(%arg11 : memref<128x16xf32, #tpu.memory_space<vmem>>) offsets(%dma_start3A_125 : memref<128xi32, #tpu.memory_space<vmem>>) semaphore(%arg21 : memref<!tpu.dma_semaphore, #tpu.memory_space<semaphore_mem>>)
      } else {
      }
      %add3A_76 = arith.constant 1 : i32
      %add3A_77 = arith.addi %mul3A_62, %add3A_76 : i32
      %dma_wait3A_78 = arith.constant 0 : i32
      %dma_wait3A_79 = tpu.memref_slice %arg9[%add3A_77, %dma_wait3A_78] : memref<80x128xi32, #tpu.memory_space<vmem>> -> memref<1x128xi32, #tpu.memory_space<vmem>>
      %dma_wait3A_80 = tpu.memref_squeeze %dma_wait3A_79 : memref<1x128xi32, #tpu.memory_space<vmem>> -> memref<128xi32, #tpu.memory_space<vmem>>
      %dma_wait3A_81 = arith.constant 0 : i32
      %dma_wait3A_82 = arith.constant 0 : i32
      %dma_wait3A_83 = tpu.memref_slice %arg20[%dma_wait3A_81, %dma_wait3A_82] : memref<10240x16xf32, #tpu.memory_space<vmem_shared>> -> memref<10240x16xf32, #tpu.memory_space<vmem_shared>>
      tpu.wait_indirect_dma semaphore(%arg22 : memref<!tpu.dma_semaphore, #tpu.memory_space<semaphore_mem>>) src(%dma_wait3A_83 : memref<10240x16xf32, #tpu.memory_space<vmem_shared>>) dst(%arg12 : memref<128x16xf32, #tpu.memory_space<vmem>>)
      "tpu.region"() ({
        %run_scoped3A_121 = tpu.sem_alloc : memref<!tpu.dma_semaphore, #tpu.memory_space<semaphore_mem>>
        %dma_start3A_122 = arith.constant 0 : i32
        %dma_start3A_123 = tpu.memref_slice %arg10[%add3A_77, %dma_start3A_122] : memref<80x128xi32, #tpu.memory_space<vmem>> -> memref<1x128xi32, #tpu.memory_space<vmem>>
        %dma_start3A_124 = tpu.memref_squeeze %dma_start3A_123 : memref<1x128xi32, #tpu.memory_space<vmem>> -> memref<128xi32, #tpu.memory_space<vmem>>
        %dma_start3A_125 = arith.constant 0 : i32
        %dma_start3A_126 = arith.constant 0 : i32
        %dma_start3A_127 = tpu.memref_slice %arg19[%dma_start3A_125, %dma_start3A_126] : memref<10240x16xf32, #tpu.memory_space<vmem_shared>> -> memref<10240x16xf32, #tpu.memory_space<vmem_shared>>
        tpu.enqueue_indirect_dma source(%arg12 : memref<128x16xf32, #tpu.memory_space<vmem>>) target(%dma_start3A_127 : memref<10240x16xf32, #tpu.memory_space<vmem_shared>>) offsets(%dma_start3A_124 : memref<128xi32, #tpu.memory_space<vmem>>) semaphore(%run_scoped3A_121 : memref<!tpu.dma_semaphore, #tpu.memory_space<semaphore_mem>>) {add = true}
        %dma_wait3A_128 = arith.constant 0 : i32
        %dma_wait3A_129 = tpu.memref_slice %arg10[%add3A_77, %dma_wait3A_128] : memref<80x128xi32, #tpu.memory_space<vmem>> -> memref<1x128xi32, #tpu.memory_space<vmem>>
        %dma_wait3A_130 = tpu.memref_squeeze %dma_wait3A_129 : memref<1x128xi32, #tpu.memory_space<vmem>> -> memref<128xi32, #tpu.memory_space<vmem>>
        %dma_wait3A_131 = arith.constant 0 : i32
        %dma_wait3A_132 = arith.constant 0 : i32
        %dma_wait3A_133 = tpu.memref_slice %arg19[%dma_wait3A_131, %dma_wait3A_132] : memref<10240x16xf32, #tpu.memory_space<vmem_shared>> -> memref<10240x16xf32, #tpu.memory_space<vmem_shared>>
        tpu.wait_indirect_dma semaphore(%run_scoped3A_121 : memref<!tpu.dma_semaphore, #tpu.memory_space<semaphore_mem>>) src(%arg12 : memref<128x16xf32, #tpu.memory_space<vmem>>) dst(%dma_wait3A_133 : memref<10240x16xf32, #tpu.memory_space<vmem_shared>>)
        tpu.yield
      }) : () -> ()
      %add3A_84 = arith.constant 4 : i32
      %add3A_85 = arith.addi %add3A_77, %add3A_84 : i32
      %lt3A_86 = arith.constant 80 : i32
      %lt3A_87 = arith.cmpi slt, %add3A_85, %lt3A_86 : i32
      %convert_element_type3A_88 = arith.extui %lt3A_87 : i1 to i32
      %cond3A_89 = arith.constant 0 : i32
      %cond3A_90 = arith.cmpi ne, %convert_element_type3A_88, %cond3A_89 : i32
      scf.if %cond3A_90 {
        %add3A_121 = arith.constant 4 : i32
        %add3A_122 = arith.addi %add3A_77, %add3A_121 : i32
        %dma_start3A_123 = arith.constant 0 : i32
        %dma_start3A_124 = tpu.memref_slice %arg9[%add3A_122, %dma_start3A_123] : memref<80x128xi32, #tpu.memory_space<vmem>> -> memref<1x128xi32, #tpu.memory_space<vmem>>
        %dma_start3A_125 = tpu.memref_squeeze %dma_start3A_124 : memref<1x128xi32, #tpu.memory_space<vmem>> -> memref<128xi32, #tpu.memory_space<vmem>>
        %dma_start3A_126 = arith.constant 0 : i32
        %dma_start3A_127 = arith.constant 0 : i32
        %dma_start3A_128 = tpu.memref_slice %arg20[%dma_start3A_126, %dma_start3A_127] : memref<10240x16xf32, #tpu.memory_space<vmem_shared>> -> memref<10240x16xf32, #tpu.memory_space<vmem_shared>>
        tpu.enqueue_indirect_dma source(%dma_start3A_128 : memref<10240x16xf32, #tpu.memory_space<vmem_shared>>) target(%arg12 : memref<128x16xf32, #tpu.memory_space<vmem>>) offsets(%dma_start3A_125 : memref<128xi32, #tpu.memory_space<vmem>>) semaphore(%arg22 : memref<!tpu.dma_semaphore, #tpu.memory_space<semaphore_mem>>)
      } else {
      }
      %add3A_91 = arith.constant 2 : i32
      %add3A_92 = arith.addi %mul3A_62, %add3A_91 : i32
      %dma_wait3A_93 = arith.constant 0 : i32
      %dma_wait3A_94 = tpu.memref_slice %arg9[%add3A_92, %dma_wait3A_93] : memref<80x128xi32, #tpu.memory_space<vmem>> -> memref<1x128xi32, #tpu.memory_space<vmem>>
      %dma_wait3A_95 = tpu.memref_squeeze %dma_wait3A_94 : memref<1x128xi32, #tpu.memory_space<vmem>> -> memref<128xi32, #tpu.memory_space<vmem>>
      %dma_wait3A_96 = arith.constant 0 : i32
      %dma_wait3A_97 = arith.constant 0 : i32
      %dma_wait3A_98 = tpu.memref_slice %arg20[%dma_wait3A_96, %dma_wait3A_97] : memref<10240x16xf32, #tpu.memory_space<vmem_shared>> -> memref<10240x16xf32, #tpu.memory_space<vmem_shared>>
      tpu.wait_indirect_dma semaphore(%arg23 : memref<!tpu.dma_semaphore, #tpu.memory_space<semaphore_mem>>) src(%dma_wait3A_98 : memref<10240x16xf32, #tpu.memory_space<vmem_shared>>) dst(%arg13 : memref<128x16xf32, #tpu.memory_space<vmem>>)
      "tpu.region"() ({
        %run_scoped3A_121 = tpu.sem_alloc : memref<!tpu.dma_semaphore, #tpu.memory_space<semaphore_mem>>
        %dma_start3A_122 = arith.constant 0 : i32
        %dma_start3A_123 = tpu.memref_slice %arg10[%add3A_92, %dma_start3A_122] : memref<80x128xi32, #tpu.memory_space<vmem>> -> memref<1x128xi32, #tpu.memory_space<vmem>>
        %dma_start3A_124 = tpu.memref_squeeze %dma_start3A_123 : memref<1x128xi32, #tpu.memory_space<vmem>> -> memref<128xi32, #tpu.memory_space<vmem>>
        %dma_start3A_125 = arith.constant 0 : i32
        %dma_start3A_126 = arith.constant 0 : i32
        %dma_start3A_127 = tpu.memref_slice %arg19[%dma_start3A_125, %dma_start3A_126] : memref<10240x16xf32, #tpu.memory_space<vmem_shared>> -> memref<10240x16xf32, #tpu.memory_space<vmem_shared>>
        tpu.enqueue_indirect_dma source(%arg13 : memref<128x16xf32, #tpu.memory_space<vmem>>) target(%dma_start3A_127 : memref<10240x16xf32, #tpu.memory_space<vmem_shared>>) offsets(%dma_start3A_124 : memref<128xi32, #tpu.memory_space<vmem>>) semaphore(%run_scoped3A_121 : memref<!tpu.dma_semaphore, #tpu.memory_space<semaphore_mem>>) {add = true}
        %dma_wait3A_128 = arith.constant 0 : i32
        %dma_wait3A_129 = tpu.memref_slice %arg10[%add3A_92, %dma_wait3A_128] : memref<80x128xi32, #tpu.memory_space<vmem>> -> memref<1x128xi32, #tpu.memory_space<vmem>>
        %dma_wait3A_130 = tpu.memref_squeeze %dma_wait3A_129 : memref<1x128xi32, #tpu.memory_space<vmem>> -> memref<128xi32, #tpu.memory_space<vmem>>
        %dma_wait3A_131 = arith.constant 0 : i32
        %dma_wait3A_132 = arith.constant 0 : i32
        %dma_wait3A_133 = tpu.memref_slice %arg19[%dma_wait3A_131, %dma_wait3A_132] : memref<10240x16xf32, #tpu.memory_space<vmem_shared>> -> memref<10240x16xf32, #tpu.memory_space<vmem_shared>>
        tpu.wait_indirect_dma semaphore(%run_scoped3A_121 : memref<!tpu.dma_semaphore, #tpu.memory_space<semaphore_mem>>) src(%arg13 : memref<128x16xf32, #tpu.memory_space<vmem>>) dst(%dma_wait3A_133 : memref<10240x16xf32, #tpu.memory_space<vmem_shared>>)
        tpu.yield
      }) : () -> ()
      %add3A_99 = arith.constant 4 : i32
      %add3A_100 = arith.addi %add3A_92, %add3A_99 : i32
      %lt3A_101 = arith.constant 80 : i32
      %lt3A_102 = arith.cmpi slt, %add3A_100, %lt3A_101 : i32
      %convert_element_type3A_103 = arith.extui %lt3A_102 : i1 to i32
      %cond3A_104 = arith.constant 0 : i32
      %cond3A_105 = arith.cmpi ne, %convert_element_type3A_103, %cond3A_104 : i32
      scf.if %cond3A_105 {
        %add3A_121 = arith.constant 4 : i32
        %add3A_122 = arith.addi %add3A_92, %add3A_121 : i32
        %dma_start3A_123 = arith.constant 0 : i32
        %dma_start3A_124 = tpu.memref_slice %arg9[%add3A_122, %dma_start3A_123] : memref<80x128xi32, #tpu.memory_space<vmem>> -> memref<1x128xi32, #tpu.memory_space<vmem>>
        %dma_start3A_125 = tpu.memref_squeeze %dma_start3A_124 : memref<1x128xi32, #tpu.memory_space<vmem>> -> memref<128xi32, #tpu.memory_space<vmem>>
        %dma_start3A_126 = arith.constant 0 : i32
        %dma_start3A_127 = arith.constant 0 : i32
        %dma_start3A_128 = tpu.memref_slice %arg20[%dma_start3A_126, %dma_start3A_127] : memref<10240x16xf32, #tpu.memory_space<vmem_shared>> -> memref<10240x16xf32, #tpu.memory_space<vmem_shared>>
        tpu.enqueue_indirect_dma source(%dma_start3A_128 : memref<10240x16xf32, #tpu.memory_space<vmem_shared>>) target(%arg13 : memref<128x16xf32, #tpu.memory_space<vmem>>) offsets(%dma_start3A_125 : memref<128xi32, #tpu.memory_space<vmem>>) semaphore(%arg23 : memref<!tpu.dma_semaphore, #tpu.memory_space<semaphore_mem>>)
      } else {
      }
      %add3A_106 = arith.constant 3 : i32
      %add3A_107 = arith.addi %mul3A_62, %add3A_106 : i32
      %dma_wait3A_108 = arith.constant 0 : i32
      %dma_wait3A_109 = tpu.memref_slice %arg9[%add3A_107, %dma_wait3A_108] : memref<80x128xi32, #tpu.memory_space<vmem>> -> memref<1x128xi32, #tpu.memory_space<vmem>>
      %dma_wait3A_110 = tpu.memref_squeeze %dma_wait3A_109 : memref<1x128xi32, #tpu.memory_space<vmem>> -> memref<128xi32, #tpu.memory_space<vmem>>
      %dma_wait3A_111 = arith.constant 0 : i32
      %dma_wait3A_112 = arith.constant 0 : i32
      %dma_wait3A_113 = tpu.memref_slice %arg20[%dma_wait3A_111, %dma_wait3A_112] : memref<10240x16xf32, #tpu.memory_space<vmem_shared>> -> memref<10240x16xf32, #tpu.memory_space<vmem_shared>>
      tpu.wait_indirect_dma semaphore(%arg24 : memref<!tpu.dma_semaphore, #tpu.memory_space<semaphore_mem>>) src(%dma_wait3A_113 : memref<10240x16xf32, #tpu.memory_space<vmem_shared>>) dst(%arg14 : memref<128x16xf32, #tpu.memory_space<vmem>>)
      "tpu.region"() ({
        %run_scoped3A_121 = tpu.sem_alloc : memref<!tpu.dma_semaphore, #tpu.memory_space<semaphore_mem>>
        %dma_start3A_122 = arith.constant 0 : i32
        %dma_start3A_123 = tpu.memref_slice %arg10[%add3A_107, %dma_start3A_122] : memref<80x128xi32, #tpu.memory_space<vmem>> -> memref<1x128xi32, #tpu.memory_space<vmem>>
        %dma_start3A_124 = tpu.memref_squeeze %dma_start3A_123 : memref<1x128xi32, #tpu.memory_space<vmem>> -> memref<128xi32, #tpu.memory_space<vmem>>
        %dma_start3A_125 = arith.constant 0 : i32
        %dma_start3A_126 = arith.constant 0 : i32
        %dma_start3A_127 = tpu.memref_slice %arg19[%dma_start3A_125, %dma_start3A_126] : memref<10240x16xf32, #tpu.memory_space<vmem_shared>> -> memref<10240x16xf32, #tpu.memory_space<vmem_shared>>
        tpu.enqueue_indirect_dma source(%arg14 : memref<128x16xf32, #tpu.memory_space<vmem>>) target(%dma_start3A_127 : memref<10240x16xf32, #tpu.memory_space<vmem_shared>>) offsets(%dma_start3A_124 : memref<128xi32, #tpu.memory_space<vmem>>) semaphore(%run_scoped3A_121 : memref<!tpu.dma_semaphore, #tpu.memory_space<semaphore_mem>>) {add = true}
        %dma_wait3A_128 = arith.constant 0 : i32
        %dma_wait3A_129 = tpu.memref_slice %arg10[%add3A_107, %dma_wait3A_128] : memref<80x128xi32, #tpu.memory_space<vmem>> -> memref<1x128xi32, #tpu.memory_space<vmem>>
        %dma_wait3A_130 = tpu.memref_squeeze %dma_wait3A_129 : memref<1x128xi32, #tpu.memory_space<vmem>> -> memref<128xi32, #tpu.memory_space<vmem>>
        %dma_wait3A_131 = arith.constant 0 : i32
        %dma_wait3A_132 = arith.constant 0 : i32
        %dma_wait3A_133 = tpu.memref_slice %arg19[%dma_wait3A_131, %dma_wait3A_132] : memref<10240x16xf32, #tpu.memory_space<vmem_shared>> -> memref<10240x16xf32, #tpu.memory_space<vmem_shared>>
        tpu.wait_indirect_dma semaphore(%run_scoped3A_121 : memref<!tpu.dma_semaphore, #tpu.memory_space<semaphore_mem>>) src(%arg14 : memref<128x16xf32, #tpu.memory_space<vmem>>) dst(%dma_wait3A_133 : memref<10240x16xf32, #tpu.memory_space<vmem_shared>>)
        tpu.yield
      }) : () -> ()
      %add3A_114 = arith.constant 4 : i32
      %add3A_115 = arith.addi %add3A_107, %add3A_114 : i32
      %lt3A_116 = arith.constant 80 : i32
      %lt3A_117 = arith.cmpi slt, %add3A_115, %lt3A_116 : i32
      %convert_element_type3A_118 = arith.extui %lt3A_117 : i1 to i32
      %cond3A_119 = arith.constant 0 : i32
      %cond3A_120 = arith.cmpi ne, %convert_element_type3A_118, %cond3A_119 : i32
      scf.if %cond3A_120 {
        %add3A_121 = arith.constant 4 : i32
        %add3A_122 = arith.addi %add3A_107, %add3A_121 : i32
        %dma_start3A_123 = arith.constant 0 : i32
        %dma_start3A_124 = tpu.memref_slice %arg9[%add3A_122, %dma_start3A_123] : memref<80x128xi32, #tpu.memory_space<vmem>> -> memref<1x128xi32, #tpu.memory_space<vmem>>
        %dma_start3A_125 = tpu.memref_squeeze %dma_start3A_124 : memref<1x128xi32, #tpu.memory_space<vmem>> -> memref<128xi32, #tpu.memory_space<vmem>>
        %dma_start3A_126 = arith.constant 0 : i32
        %dma_start3A_127 = arith.constant 0 : i32
        %dma_start3A_128 = tpu.memref_slice %arg20[%dma_start3A_126, %dma_start3A_127] : memref<10240x16xf32, #tpu.memory_space<vmem_shared>> -> memref<10240x16xf32, #tpu.memory_space<vmem_shared>>
        tpu.enqueue_indirect_dma source(%dma_start3A_128 : memref<10240x16xf32, #tpu.memory_space<vmem_shared>>) target(%arg14 : memref<128x16xf32, #tpu.memory_space<vmem>>) offsets(%dma_start3A_125 : memref<128xi32, #tpu.memory_space<vmem>>) semaphore(%arg24 : memref<!tpu.dma_semaphore, #tpu.memory_space<semaphore_mem>>)
      } else {
      }
    }
    %scan3A_53 = arith.constant 20 : i32
    %barrier3A_54 = arith.constant 0 : index
    tpu.barrier barrier_id(%barrier3A_54)
    %eq3A_55 = arith.constant 0 : i32
    %eq3A_56 = arith.cmpi eq, %arg1, %eq3A_55 : i32
    %convert_element_type3A_57 = arith.extui %eq3A_56 : i1 to i32
    %cond3A_58 = arith.constant 0 : i32
    %cond3A_59 = arith.cmpi ne, %convert_element_type3A_57, %cond3A_58 : i32
    scf.if %cond3A_59 {
      "tpu.region"() ({
        %run_scoped3A_60 = tpu.sem_alloc : memref<!tpu.dma_semaphore, #tpu.memory_space<semaphore_mem>>
        %dma_start3A_61 = arith.constant 0 : i32
        %dma_start3A_62 = arith.constant 0 : i32
        %dma_start3A_63 = tpu.memref_slice %arg7[%arg0, %dma_start3A_61, %dma_start3A_62] : memref<2x10240x16xf32, #tpu.memory_space<hbm>> -> memref<1x10240x16xf32, #tpu.memory_space<hbm>>
        %dma_start3A_64 = tpu.memref_squeeze %dma_start3A_63 : memref<1x10240x16xf32, #tpu.memory_space<hbm>> -> memref<10240x16xf32, #tpu.memory_space<hbm>>
        tpu.enqueue_dma source(%arg19 : memref<10240x16xf32, #tpu.memory_space<vmem_shared>>) target(%dma_start3A_64 : memref<10240x16xf32, #tpu.memory_space<hbm>>) target_semaphore(%run_scoped3A_60 : memref<!tpu.dma_semaphore, #tpu.memory_space<semaphore_mem>>)
        %dma_wait3A = arith.constant 0 : i32
        %dma_wait3A_65 = arith.constant 0 : i32
        %dma_wait3A_66 = tpu.memref_slice %arg7[%arg0, %dma_wait3A, %dma_wait3A_65] : memref<2x10240x16xf32, #tpu.memory_space<hbm>> -> memref<1x10240x16xf32, #tpu.memory_space<hbm>>
        %dma_wait3A_67 = tpu.memref_squeeze %dma_wait3A_66 : memref<1x10240x16xf32, #tpu.memory_space<hbm>> -> memref<10240x16xf32, #tpu.memory_space<hbm>>
        tpu.wait_dma2 semaphore(%run_scoped3A_60 : memref<!tpu.dma_semaphore, #tpu.memory_space<semaphore_mem>>) src(%arg19 : memref<10240x16xf32, #tpu.memory_space<vmem_shared>>) dst(%dma_wait3A_67 : memref<10240x16xf32, #tpu.memory_space<hbm>>)
        tpu.yield
      }) : () -> ()
    } else {
    }
    return
  }
}

module attributes {stable_mosaic.version = 14 : i64} {
  func.func @_tca_body(%arg0: memref<10000x128xf32, #tpu.memory_space<vmem>>, %arg1: memref<128x16xf32, #tpu.memory_space<vmem>>, %arg2: memref<10240x16xf32, #tpu.memory_space<vmem>>) attributes {dimension_semantics = [], scalar_prefetch = 0 : i64, scratch_operands = 0 : i64, tpu.core_type = #tpu.core_type<tc>} {
    %get3A = arith.constant 0 : index
    %get3A_0 = arith.constant 0 : index
    %get3A_1 = vector.load %arg0[%get3A, %get3A_0] : memref<10000x128xf32, #tpu.memory_space<vmem>>, vector<10000x128xf32>
    %get3A_2 = arith.constant 0 : index
    %get3A_3 = arith.constant 0 : index
    %get3A_4 = vector.load %arg1[%get3A_2, %get3A_3] : memref<128x16xf32, #tpu.memory_space<vmem>>, vector<128x16xf32>
    %dot_general3A = arith.constant dense<0.000000e+00> : vector<10000x16xf32>
    %dot_general3A_5 = tpu.matmul %get3A_1, %get3A_4, %dot_general3A {dimension_numbers = #tpu.dot_dimension_numbers<[1], [0], [0], [1], [0, 0, 1, 1], [], []>, transpose_lhs_hint = false} : vector<10000x128xf32>, vector<128x16xf32>, vector<10000x16xf32> -> vector<10000x16xf32>
    %swap3A = arith.constant 0 : index
    %swap3A_6 = arith.constant 0 : index
    %swap3A_7 = vector.load %arg2[%swap3A, %swap3A_6] : memref<10240x16xf32, #tpu.memory_space<vmem>>, vector<10000x16xf32>
    tpu.vector_store %arg2[%swap3A, %swap3A_6], %dot_general3A_5 {strides = array<i32>} : memref<10240x16xf32, #tpu.memory_space<vmem>>, vector<10000x16xf32>,
    %broadcast_in_dim3A = arith.constant 0.000000e+00 : f32
    %broadcast_in_dim3A_8 = vector.broadcast %broadcast_in_dim3A : f32 to vector<240x16xf32>
    %swap3A_9 = arith.constant 10000 : index
    %swap3A_10 = arith.constant 0 : index
    %swap3A_11 = vector.load %arg2[%swap3A_9, %swap3A_10] : memref<10240x16xf32, #tpu.memory_space<vmem>>, vector<240x16xf32>
    tpu.vector_store %arg2[%swap3A_9, %swap3A_10], %broadcast_in_dim3A_8 {strides = array<i32>} : memref<10240x16xf32, #tpu.memory_space<vmem>>, vector<240x16xf32>,
    return
  }
}

</mosaic_0001>

<sc_bundles>
// kernel: kernel.10.cloned.1.call-start
scs
__scs_entry_jumppad:
0x0: {  	(pc) =	sbr.rel $0x88, $3  }
0x1: {  	(tag) =	ssettag $0x0;
	lr =	simm.s32 $0x1  }
0x2: {  	[smem:$0x3F9B] =	sst lr;
	_ =	strace $0xD0000000  }
0x3: {  	_ = 	snop  }
0x4: {  	_ = 	snop  }
0x5: {  	_ = 	snop  }
0x6: {  	_ = 	snop  }
0x7: {  	_ = 	snop  }
__scs_overlays_trampoline_lowered:
0x8: {  	[smem:$0x3FAA] =	sst s0  }
0x9: {  	[smem:$0x3FAB] =	sst s1  }
0xa: {  	[smem:$0x3FAC] =	sst s2  }
0xb: {  	[smem:$0x3FAD] =	sst s3  }
0xc: {  	[smem:$0x3FAE] =	sst s4  }
0xd: {  	[smem:$0x3FAF] =	sst s5  }
0xe: {  	[smem:$0x3FB0] =	sst s6  }
0xf: {  	[smem:$0x3FB1] =	sst s7  }
0x10: {  	[smem:$0x3FB2] =	sst s8  }
0x11: {  	[smem:$0x3FB3] =	sst s9;
	s0 =	simm.s32 @!p0 $0x0  }
0x12: {  	s1 =	sld [smem:$0x3F99];
	s0 =	simm.s32 @p0 $0x1  }
0x13: {  	[smem:$0x3FB4] =	sst s0;
	s0 =	simm.s32 @!p1 $0x0  }
0x14: {  	s2 =	sld [smem:$0x3F98];
	s0 =	simm.s32 @p1 $0x1  }
0x15: {  	[smem:$0x3FB5] =	sst s0;
	s0 =	simm.s32 @!p2 $0x0  }
0x16: {  	s3 =	sld [smem:$0x3FDB];
	s0 =	simm.s32 @p2 $0x1  }
0x17: {  	s4 =	simm.s32 $0x1BF5;
	[smem:$0x3FB7] =	sst s0  }
0x18: {  	s0 =	sld [smem:$0x3F9A];
	_ =	swait.ge [sflag:s4], $0x0  }
0x19: {  	s7 =	sld [smem:$0x3F9B]  }
0x1a: {  	s8 =	sadd.s32 $0xFFFFE003, lr  }
0x1b: {  	s9 =	sadd.s32 $0xFFFFFEF7, lr;
	s5 =	simm.s32 $0xFFFFFFFF;
	p2 =	slt.u32 s8, $0xFFFFF086  }
0x1c: {  	p1 =	slt.u32 s9, $0xF7A;
	s5 =	simm.s32 @!p2 $0x0  }
0x1d: {  	s5 =	simm.s32 @p1 $0x1;
	p0 =	seq.s32 s7, s2  }
0x1e: {  	s7 =	smul.u32 @!p0 $0xF7A, s2;
	p2 =	seq.s32 @!p0 s5, $0x0  }
0x1f: {  	s9 =	smul.u32 $0xF7A, s1;
	s8 =	simm.s32 @!p0 $0x1BF5;
	p2 =	por !p2, p0  }
0x20: {  	[sflag:s8] =	ssyncset.s32 @!p0 $0xFFFFF086;
	s6 =	sadd.s32 @!p0 s3, s7;
	s7 =	simm.s32 @!p0 $0x108  }
0x21: {  	s3 =	sadd.s32 s3, s9;
	s6 =	sadd.s32 @!p0 $0x88, s6;
	s7 =	simm.s32 @p2 $0x1082  }
0x22: {  	[simem:s7], [sflag:s8] =	dma.local @!p0 [hbm:s6], $0xF7A  }
0x23: {  	s9 =	sor.u32 $0xD0000000, s2;
	s6 =	simm.s32 $0x108;
	_ =	swait.ge @!p0 [sflag:s8], $0x0  }
0x24: {  	s3 =	sadd.s32 $0x88, s3;
	s6 =	simm.s32 @!p1 $0x1082;
	[sflag:s4] =	ssyncset.s32 $0xFFFFF086  }
0x25: {  	[simem:s6], [sflag:s4] =	dma.local [hbm:s3], $0xF7A  }
0x26: {  	[smem:$0x3F9B] =	sst s1;
	(tag) =	ssettag s2;
	_ =	strace s9  }
0x27: {  	s1 =	sld [smem:$0x3FAB]  }
0x28: {  	s2 =	sld [smem:$0x3FAC]  }
0x29: {  	s4 =	sld [smem:$0x3FAE]  }
0x2a: {  	p0 =	seq.s32 s5, $0x0;
	s5 =	sld [smem:$0x3FAF]  }
0x2b: {  	s6 =	sld [smem:$0x3FB0]  }
0x2c: {  	s7 =	sld [smem:$0x3FB1]  }
0x2d: {  	s3 =	simm.s32 $0x108;
	s8 =	sld [smem:$0x3FB2]  }
0x2e: {  	s3 =	simm.s32 @!p0 $0x1082;
	s9 =	sld [smem:$0x3FB3]  }
0x2f: {  	lr =	sadd.s32 s0, s3;
	s0 =	sld [smem:$0x3FAA]  }
0x30: {  	s3 =	sld [smem:$0x3FAD]  }
0x31: {  	[smem:$0x3FB6] =	sst s10  }
0x32: {  	s10 =	sld [smem:$0x3FB4];
	_ =	sdelay $0x3  }
0x33: {  	p0 =	seq.s32 s10, $0x1;
	s10 =	sld [smem:$0x3FB6];
	_ =	sdelay $0x3  }
0x34: {  	[smem:$0x3FB6] =	sst s10  }
0x35: {  	s10 =	sld [smem:$0x3FB5];
	_ =	sdelay $0x3  }
0x36: {  	p1 =	seq.s32 s10, $0x1;
	s10 =	sld [smem:$0x3FB6];
	_ =	sdelay $0x3  }
0x37: {  	[smem:$0x3FB6] =	sst s10  }
0x38: {  	s10 =	sld [smem:$0x3FB7]  }
0x39: {  	_ = 	snop;
	(pc) =	sbr.ind lr, $3  }
0x3a: {  	_ = 	snop  }
0x3b: {  	_ = 	snop  }
0x3c: {  	p2 =	seq.s32 s10, $0x1;
	s10 =	sld [smem:$0x3FB6]  }
0x3d: {  	_ =	shalt  }
0x3e: {  	_ =	shalt  }
0x3f: {  	_ =	shalt  }
0x40: {  	_ =	shalt  }
0x41: {  	_ =	shalt  }
0x42: {  	_ =	shalt  }
0x43: {  	_ =	shalt  }
0x44: {  	_ =	shalt  }
0x45: {  	_ =	shalt  }
0x46: {  	_ =	shalt  }
0x47: {  	_ =	shalt  }
0x48: {  	_ =	shalt  }
0x49: {  	_ =	shalt  }
0x4a: {  	_ =	shalt  }
0x4b: {  	_ =	shalt  }
0x4c: {  	_ =	shalt  }
0x4d: {  	_ =	shalt  }
0x4e: {  	_ =	shalt  }
0x4f: {  	_ =	shalt  }
0x50: {  	_ =	shalt  }
0x51: {  	_ =	shalt  }
0x52: {  	_ =	shalt  }
0x53: {  	_ =	shalt  }
0x54: {  	_ =	shalt  }
0x55: {  	_ =	shalt  }
0x56: {  	_ =	shalt  }
0x57: {  	_ =	shalt  }
0x58: {  	_ =	shalt  }
0x59: {  	_ =	shalt  }
0x5a: {  	_ =	shalt  }
0x5b: {  	_ =	shalt  }
0x5c: {  	_ =	shalt  }
0x5d: {  	_ =	shalt  }
0x5e: {  	_ =	shalt  }
0x5f: {  	_ =	shalt  }
0x60: {  	_ =	shalt  }
0x61: {  	_ =	shalt  }
0x62: {  	_ =	shalt  }
0x63: {  	_ =	shalt  }
0x64: {  	_ =	shalt  }
0x65: {  	_ =	shalt  }
0x66: {  	_ =	shalt  }
0x67: {  	_ =	shalt  }
0x68: {  	_ =	shalt  }
0x69: {  	_ =	shalt  }
0x6a: {  	_ =	shalt  }
0x6b: {  	_ =	shalt  }
0x6c: {  	_ =	shalt  }
0x6d: {  	_ =	shalt  }
0x6e: {  	_ =	shalt  }
0x6f: {  	_ =	shalt  }
0x70: {  	_ =	shalt  }
0x71: {  	_ =	shalt  }
0x72: {  	_ =	shalt  }
0x73: {  	_ =	shalt  }
0x74: {  	_ =	shalt  }
0x75: {  	_ =	shalt  }
0x76: {  	_ =	shalt  }
0x77: {  	_ =	shalt  }
0x78: {  	_ =	shalt  }
0x79: {  	_ =	shalt  }
0x7a: {  	_ =	shalt  }
0x7b: {  	_ =	shalt  }
0x7c: {  	_ =	shalt  }
0x7d: {  	_ =	shalt  }
0x7e: {  	_ =	shalt  }
0x7f: {  	_ =	shalt  }
0x80: {  	_ =	shalt  }
0x81: {  	_ =	shalt  }
0x82: {  	_ =	shalt  }
0x83: {  	_ =	shalt  }
0x84: {  	_ =	shalt  }
0x85: {  	_ =	shalt  }
0x86: {  	_ =	shalt  }
0x87: {  	_ =	shalt  }
.Lfunc_end0:
.L_simem_size_0:
called_computation.1_lowered:
.L_overlay_start_0:
0x88: {  	s2 =	sld [smem:$0x3FD9]  }
0x89: {  	s3 =	sld [smem:$0x3FFE];
	_ =	sdelay $0x1  }
0x8a: {  	s1 =	srdreg.scid  }
0x8b: {  	s0 =	sand.u32 $0x1, s1  }
0x8c: {  	s17 =	sshll.u32 s0, $0xA;
	s2 =	sadd.s32 s3, s2  }
0x8d: {  	s2 =	sadd.s32 s2, s17  }
0x8e: {  	[smem:$0x3FC2] =	sst s2  }
0x8f: {  	_ = 	snop  }
0x90: {  	s2 =	sld [smem:$0x3FD0];
	(tm) =	ssettm $0x1  }
0x91: {  	s18 =	sld [smem:$0x3FFB];
	_ =	sdelay $0x3  }
0x92: {  	_ =	strace s18  }
0x93: {  	s3 =	sld [smem:$0x3FFC];
	_ =	sdelay $0x3  }
0x94: {  	_ =	strace s3  }
0x95: {  	s3 =	sld [smem:$0x3FFD];
	_ =	sdelay $0x3  }
0x96: {  	_ =	strace s3  }
0x97: {  	_ =	strace $0x8FFFFFFF  }
0x98: {  	s19 =	sld [smem:$0x3FDB];
	_ =	sdelay $0x1  }
0x99: {  	s4 =	simm.s32 $_scs_section_size  }
0x9a: {  	s5 =	simm.s32 $_size__tile_overlayer_lowered;
	s6 =	simm.s32 $_tile_overlayer_lowered  }
0x9b: {  	s22 =	simm.s32 $0x1BFF;
	s21 =	sshll.u32 s6, $0x1;
	s3 =	sadd.s32 s4, s19  }
0x9c: {  	s7 =	simm.s32 $0x0;
	s20 =	sshll.u32 s5, $0x1;
	s5 =	sadd.s32 s21, s3  }
0x9d: {  	[timem:s7], [sflag:s22] =	dma.local [hbm:s5], s20  }
0x9e: {  	_ =	swait.ge [sflag:s22], s20  }
0x9f: {  	s4 =	ssub.s32 $0x0, s20;
	[sflag:s22] =	ssyncset.done $0x0  }
0xa0: {  	[sflag:s22] =	ssyncadd.s32 s4;
	_ =	sdelay $0x1  }
0xa1: {  	s23 =	simm.s32 $0x1B8B  }
0xa2: {  	_ =	swait.ge [sflag:s23], $0x1  }
0xa3: {  	[sflag:s23] =	ssyncset.done $0x0  }
0xa4: {  	s25 =	simm.s32 $0x1B8E;
	s24 =	sld [smem:$0x3FFE];
	[sflag:s23] =	ssyncadd.s32 $0xFFFFFFFF  }
0xa5: {  	s26 =	simm.s32 $execute0_lowered;
	[smem:$0x3FD2] =	sst s25  }
0xa6: {  	s5 =	sshll.u32 s26, $0x1;
	_ =	strace $0x80000049;
	[dreg:$0x1] =	wrdreg $0xFFFFFFFF  }
0xa7: {  	s28 =	simm.s32 $_size_execute0_lowered;
	s3 =	sadd.s32 s3, s5;
	[dreg:$0x0] =	wrdreg $0x0  }
0xa8: {  	s5 =	sshll.u32 s28, $0x1;
	[dreg:$0x2] =	wrdreg s3  }
0xa9: {  	[dreg:$0x3] =	wrdreg s5  }
0xaa: {  	[dreg:$0x4] =	wrdreg $0xC0  }
0xab: {  	_ =	task [dreg:s7], $0x5FFFF  }
0xac: {  	[dreg:$0x1] =	wrdreg $0xFFFFFFFF  }
0xad: {  	[dreg:$0x0] =	wrdreg $0x60  }
0xae: {  	[dreg:$0x2] =	wrdreg s2  }
0xaf: {  	[dreg:$0x3] =	wrdreg s24  }
0xb0: {  	[dreg:$0x4] =	wrdreg $0xC5000  }
0xb1: {  	[dreg:$0x5] =	wrdreg $0xED000  }
0xb2: {  	[dreg:$0x6] =	wrdreg $0x9  }
0xb3: {  	_ =	task.clear_ibuf [dreg:s7], $0x7FFFF;
	_ =	strace $0x90000049  }
0xb4: {  	s29 =	simm.s32 $0x9;
	_ =	strace $0x8000004B  }
0xb5: {  	_ =	swait.ge [sflag:s29], $0x1  }
0xb6: {  	[sflag:s29] =	ssyncadd.s32 $0xFFFFFFFF  }
0xb7: {  	_ =	strace $0x9000004B  }
0xb8: {  	_ =	sfence  }
0xb9: {  	s30 =	sld [smem:$0x0];
	_ =	sdelay $0x2  }
0xba: {  	s31 =	sshll.u32 s1, $0xD;
	s1 =	sshrl.u32 s1, $0x2  }
0xbb: {  	s3 =	sand.u32 $0x4000, s31;
	s1 =	sadd.s32 s1, s30  }
0xbc: {  	s0 =	sor.u32 s3, s0;
	s1 =	sshll.u32 s1, $0x11  }
0xbd: {  	s0 =	sor.u32 s1, s0  }
0xbe: {  	s0 =	sadd.s32 $0x8F2B, s0  }
0xbf: {  	[sflag:s0] =	ssyncadd.remote.s32 $0x1  }
0xc0: {  	_ =	sfence.sel $0xFFFF  }
0xc1: {  	[dreg:$0x0] =	wrdreg $0xFFFFFFFF;
	(pc) =	sbr.abs _section_cstart, $3  }
0xc2: {  	[dreg:$0x1] =	wrdreg $0xFFFFFFFF  }
0xc3: {  	_ =	task.clear_ibuf [dreg:s7], $0x2FFFF;
	_ =	strace $0x9FFFFFFF  }
0xc4: {  	(tm) =	ssettm $0x7FFFFFFF  }
0xc5: {  	_ =	shalt  }
tec
execute0_lowered:
.L_overlay_start_1:
0x0: {  	(tag) =	ssettag $0x1  }
0x1: {  	s0 =	rddreg [dreg:$0x0];
	s1 =	srdreg.scid  }
0x2: {  	s16 =	stileid.u32;
	s5 =	rddreg [dreg:$0x1];
	s15 =	simm.s32 $0x5  }
0x3: {  	s18 =	simm.s32 $0x7000;
	s19 =	simm.s32 $0x9800;
	s21 =	simm.s32 $0x5000  }
0x4: {  	s28 =	simm.s32 $0x1;
	s29 =	simm.s32 $0x2;
	s30 =	simm.s32 $0x3  }
0x5: {  	s31 =	simm.s32 $0x4;
	s20 =	sand.u32 $0x1, s1;
	s2 =	sshll.u32 s16, $0x1  }
0x6: {  	s1 =	rddreg [dreg:$0x2];
	s11 =	smul.u32 $0x2800, s16;
	s22 =	sadd.s32 $0x1B800, s5  }
0x7: {  	s25 =	smul.u32 $0x280, s16;
	p0 =	seq.s32 s16, $0x0;
	s3 =	sor.u32 s20, s2  }
0x8: {  	s2 =	rddreg [dreg:$0x3];
	s6 =	smul.u32 $0x5000, s20;
	s8 =	ssub.s32 $0x2, s20  }
0x9: {  	p1 =	seq.s32 s20, $0x1;
	p2 =	sne.s32 s20, $0x0;
	s20 =	simm.s32 $0x80  }
0xa: {  	s4 =	smul.u32 $0x500, s3;
	s3 =	simm.s32 $0x0;
	s23 =	sshrl.u32 s11, $0x3  }
0xb: {  	s24 =	sshrl.u32 s8, $0x1;
	p0 =	por !p0, !p1;
	s26 =	sshrl.u32 s25, $0x3  }
0xc: {  	s10 =	sadd.s32 s11, s2;
	s11 =	sadd.s32 s11, s1;
	p1 =	sne.s32 s16, $0x0  }
0xd: {  	[smem:$0x7FF] =	sst s3;
	s13 =	sadd.s32 s6, s5;
	s12 =	sadd.s32 s23, s5  }
0xe: {  	s14 =	ssub.s32 s8, s24;
	p0 =	por !p0, !p0;
	s24 =	simm.s32 $0x6000  }
0xf: {  	_ =	strace $0x8000004A;
	s7 =	sadd.s32 s4, s5;
	[dreg:$0x5] =	wrdreg s22  }
0x10: {  	s9 =	sadd.s32 $0x16800, s12;
	s12 =	sadd.s32 $0x2A800, s12;
	s13 =	sadd.s32 $0x20800, s13  }
0x11: {  	s14 =	smax.u32 s14, $0x1;
	s17 =	sshrl.u32 @p0 s1, $0x3;
	s22 =	simm.s32 $0x5800  }
0x12: {  	v0 =	vlaneseq.u32;
	s5 =	sadd.s32 $0x2200, s7;
	s6 =	sadd.s32 $0xC200, s7;
	s7 =	sadd.s32 s0, s26  }
0x13: {  	v0 =	vmul.u32 $0x10, v0;
	s26 =	simm.s32 $0x6800;
	s0 =	simm.s32 $0x0;
	s8 =	sadd.s32 $0x500, s7  }
.LBB2_1:
0x14: {  	[tilespmem:s3], [sflag:$0x5] =	stream.linear.gather [hbm4b:s5+s3], $0x2800, $0x38;
	[tilespmem:$0x11500] =	vst v63  }
0x15: {  	_ =	swait.ge [sflag:s15], $0x2800  }
0x16: {  	[sflag:s15] =	ssyncset.done $0x0  }
0x17: {  	s4 =	simm.s32 $0x2800;
	[sflag:s15] =	ssyncadd.s32 $0xFFFFD800  }
0x18: {  	[tilespmem:s4], [sflag:$0x5] =	stream.linear.gather [hbm4b:s6+s3], $0x2800, $0x38;
	[tilespmem:$0x11500] =	vst v63  }
0x19: {  	_ =	swait.ge [sflag:s15], $0x2800  }
0x1a: {  	[sflag:s15] =	ssyncset.done $0x0  }
0x1b: {  	s16 =	simm.s32 @p0 $0x1C05;
	s4 =	rddreg [dreg:$0x5];
	[sflag:s15] =	ssyncadd.s32 $0xFFFFD800  }
0x1c: {  	[spmem:s17], [sflag:s16] =	dma.local @p0 [hbm:s4], $0x5000  }
0x1d: {  	s16 =	simm.s32 @p0 $0x5  }
0x1e: {  	_ =	swait.ge @p0 [sflag:s16], $0x5000  }
0x1f: {  	[sflag:s16] =	ssyncset.done @p0 $0x0  }
0x20: {  	[sflag:s16] =	ssyncadd.s32 @p0 $0xFFFFB000;
	s16 =	simm.s32 $0xC000  }
0x21: {  	[tilespmem:s16], [sflag:$0x5] =	stream.linear.gather [hbm4b:s7+s3], $0x280, $0x38;
	[tilespmem:$0x11500] =	vst v63  }
0x22: {  	_ =	swait.ge [sflag:s15], $0x280  }
0x23: {  	[sflag:s15] =	ssyncset.done $0x0  }
0x24: {  	s23 =	simm.s32 $0xC280;
	[sflag:s15] =	ssyncadd.s32 $0xFFFFFD80  }
0x25: {  	[tilespmem:s23], [sflag:$0x5] =	stream.linear.gather [hbm4b:s8+s3], $0x280, $0x38;
	[tilespmem:$0x11500] =	vst v63  }
0x26: {  	_ =	swait.ge [sflag:s15], $0x280  }
0x27: {  	[sflag:s15] =	ssyncset.done $0x0  }
0x28: {  	[sflag:s15] =	ssyncadd.s32 $0xFFFFFD80  }
0x29: {  	[tilespmem:s18], [sflag:$0x5] =	stream.linear.gather [hbm4b:s9+s3], $0x2800, $0x38;
	[tilespmem:$0x11500] =	vst v63  }
0x2a: {  	_ =	swait.ge [sflag:s15], $0x2800  }
0x2b: {  	[sflag:s15] =	ssyncset.done $0x0  }
0x2c: {  	[sflag:s15] =	ssyncadd.s32 $0xFFFFD800  }
0x2d: {  	v1 =	vld [tilespmem:s16+$0x0]  }
0x2e: {  	v2 =	vld [tilespmem:s23+$0x0];
	_ =	sdelay $0x4  }
0x2f: {  	v1 =	vadd.f32 v2, v1;
	_ =	sdelay $0x1  }
0x30: {  	v1 =	vadd.f32 $1.000000000e+00, v1;
	_ =	sdelay $0x1  }
0x31: {  	v2 =	vshrl.u32 v1, $0x1;
	v1 =	vmul.f32 $5.000000000e-01, v1  }
0x32: {  	v2 =	vsub.s32 $0x5F3759DF, v2  }
0x33: {  	v3 =	vmul.f32 v2, v1;
	_ =	sdelay $0x1  }
0x34: {  	v3 =	vmul.f32 v2, v3;
	_ =	sdelay $0x1  }
0x35: {  	v3 =	vsub.f32 $1.500000000e+00, v3;
	_ =	sdelay $0x1  }
0x36: {  	v2 =	vmul.f32 v2, v3;
	_ =	sdelay $0x1  }
0x37: {  	v3 =	vmul.f32 v2, v1;
	_ =	sdelay $0x1  }
0x38: {  	v3 =	vmul.f32 v3, v2;
	_ =	sdelay $0x1  }
0x39: {  	v4 =	vmov s3;
	v3 =	vsub.f32 $1.500000000e+00, v3  }
0x3a: {  	v4 =	vshll.u32 v4, $0x4  }
0x3b: {  	v4 =	vor.u32 v0, v4;
	v2 =	vmul.f32 v3, v2;
	_ =	sdelay $0x1  }
0x3c: {  	v1 =	vmul.f32 v2, v1;
	_ =	sdelay $0x1  }
0x3d: {  	v1 =	vmul.f32 v1, v2  }
0x3e: {  	v3 =	vld.idx.msk [tilespmem:v4+s18+$0x0], $0xffff  }
0x3f: {  	v1 =	vsub.f32 $1.500000000e+00, v1;
	_ =	sdelay $0x1  }
0x40: {  	v1 =	vmul.f32 v1, v2  }
0x41: {  	v2 =	vor.u32 $0x1, v4  }
0x42: {  	v3 =	vmul.f32 v1, v3;
	_ =	sdelay $0x1  }
0x43: {  	[tilespmem:v4+s18+$0x0] =	vst.idx.msk $0xffff, v3  }
0x44: {  	[tilespmem:v4+s19+$0x0] =	vst.idx.msk $0xffff, v1  }
0x45: {  	v3 =	vld.idx.msk [tilespmem:v2+s18+$0x0], $0xffff;
	_ =	sdelay $0x3  }
0x46: {  	v5 =	vor.u32 $0x2, v4  }
0x47: {  	v3 =	vmul.f32 v1, v3;
	_ =	sdelay $0x1  }
0x48: {  	[tilespmem:v2+s18+$0x0] =	vst.idx.msk $0xffff, v3  }
0x49: {  	[tilespmem:v2+s19+$0x0] =	vst.idx.msk $0xffff, v1  }
0x4a: {  	v2 =	vld.idx.msk [tilespmem:v5+s18+$0x0], $0xffff;
	_ =	sdelay $0x3  }
0x4b: {  	v3 =	vor.u32 $0x3, v4  }
0x4c: {  	v2 =	vmul.f32 v1, v2;
	_ =	sdelay $0x1  }
0x4d: {  	[tilespmem:v5+s18+$0x0] =	vst.idx.msk $0xffff, v2  }
0x4e: {  	[tilespmem:v5+s19+$0x0] =	vst.idx.msk $0xffff, v1  }
0x4f: {  	v2 =	vld.idx.msk [tilespmem:v3+s18+$0x0], $0xffff;
	_ =	sdelay $0x3  }
0x50: {  	v58 =	vor.u32 $0x4, v4  }
0x51: {  	v2 =	vmul.f32 v1, v2;
	_ =	sdelay $0x1  }
0x52: {  	[tilespmem:v3+s18+$0x0] =	vst.idx.msk $0xffff, v2  }
0x53: {  	[tilespmem:v3+s19+$0x0] =	vst.idx.msk $0xffff, v1  }
0x54: {  	v2 =	vld.idx.msk [tilespmem:v58+s18+$0x0], $0xffff;
	_ =	sdelay $0x3  }
0x55: {  	v3 =	vor.u32 $0x5, v4  }
0x56: {  	v2 =	vmul.f32 v1, v2;
	_ =	sdelay $0x1  }
0x57: {  	[tilespmem:v58+s18+$0x0] =	vst.idx.msk $0xffff, v2  }
0x58: {  	[tilespmem:v58+s19+$0x0] =	vst.idx.msk $0xffff, v1  }
0x59: {  	v2 =	vld.idx.msk [tilespmem:v3+s18+$0x0], $0xffff;
	_ =	sdelay $0x3  }
0x5a: {  	v59 =	vor.u32 $0x6, v4  }
0x5b: {  	v2 =	vmul.f32 v1, v2;
	_ =	sdelay $0x1  }
0x5c: {  	[tilespmem:v3+s18+$0x0] =	vst.idx.msk $0xffff, v2  }
0x5d: {  	[tilespmem:v3+s19+$0x0] =	vst.idx.msk $0xffff, v1  }
0x5e: {  	v2 =	vld.idx.msk [tilespmem:v59+s18+$0x0], $0xffff;
	_ =	sdelay $0x3  }
0x5f: {  	v3 =	vor.u32 $0x7, v4  }
0x60: {  	v2 =	vmul.f32 v2, v1;
	_ =	sdelay $0x1  }
0x61: {  	[tilespmem:v59+s18+$0x0] =	vst.idx.msk $0xffff, v2  }
0x62: {  	[tilespmem:v59+s19+$0x0] =	vst.idx.msk $0xffff, v1  }
0x63: {  	v2 =	vld.idx.msk [tilespmem:v3+s18+$0x0], $0xffff;
	_ =	sdelay $0x3  }
0x64: {  	v60 =	vor.u32 $0x8, v4  }
0x65: {  	v2 =	vmul.f32 v2, v1;
	_ =	sdelay $0x1  }
0x66: {  	[tilespmem:v3+s18+$0x0] =	vst.idx.msk $0xffff, v2  }
0x67: {  	[tilespmem:v3+s19+$0x0] =	vst.idx.msk $0xffff, v1  }
0x68: {  	v2 =	vld.idx.msk [tilespmem:v60+s18+$0x0], $0xffff;
	_ =	sdelay $0x3  }
0x69: {  	v3 =	vor.u32 $0x9, v4  }
0x6a: {  	v2 =	vmul.f32 v2, v1;
	_ =	sdelay $0x1  }
0x6b: {  	[tilespmem:v60+s18+$0x0] =	vst.idx.msk $0xffff, v2  }
0x6c: {  	[tilespmem:v60+s19+$0x0] =	vst.idx.msk $0xffff, v1  }
0x6d: {  	v2 =	vld.idx.msk [tilespmem:v3+s18+$0x0], $0xffff;
	_ =	sdelay $0x3  }
0x6e: {  	v61 =	vor.u32 $0xA, v4  }
0x6f: {  	v2 =	vmul.f32 v2, v1;
	_ =	sdelay $0x1  }
0x70: {  	[tilespmem:v3+s18+$0x0] =	vst.idx.msk $0xffff, v2  }
0x71: {  	[tilespmem:v3+s19+$0x0] =	vst.idx.msk $0xffff, v1  }
0x72: {  	v2 =	vld.idx.msk [tilespmem:v61+s18+$0x0], $0xffff;
	_ =	sdelay $0x3  }
0x73: {  	v3 =	vor.u32 $0xB, v4  }
0x74: {  	v2 =	vmul.f32 v2, v1;
	_ =	sdelay $0x1  }
0x75: {  	[tilespmem:v61+s18+$0x0] =	vst.idx.msk $0xffff, v2  }
0x76: {  	[tilespmem:v61+s19+$0x0] =	vst.idx.msk $0xffff, v1  }
0x77: {  	v2 =	vld.idx.msk [tilespmem:v3+s18+$0x0], $0xffff;
	_ =	sdelay $0x3  }
0x78: {  	v62 =	vor.u32 $0xC, v4  }
0x79: {  	v2 =	vmul.f32 v2, v1;
	_ =	sdelay $0x1  }
0x7a: {  	[tilespmem:v3+s18+$0x0] =	vst.idx.msk $0xffff, v2  }
0x7b: {  	[tilespmem:v3+s19+$0x0] =	vst.idx.msk $0xffff, v1  }
0x7c: {  	v2 =	vld.idx.msk [tilespmem:v62+s18+$0x0], $0xffff;
	_ =	sdelay $0x3  }
0x7d: {  	v3 =	vor.u32 $0xD, v4  }
0x7e: {  	v2 =	vmul.f32 v2, v1;
	_ =	sdelay $0x1  }
0x7f: {  	[tilespmem:v62+s18+$0x0] =	vst.idx.msk $0xffff, v2  }
0x80: {  	[tilespmem:v62+s19+$0x0] =	vst.idx.msk $0xffff, v1  }
0x81: {  	v2 =	vld.idx.msk [tilespmem:v3+s18+$0x0], $0xffff;
	_ =	sdelay $0x3  }
0x82: {  	v63 =	vor.u32 $0xE, v4  }
0x83: {  	v2 =	vmul.f32 v2, v1;
	_ =	sdelay $0x1  }
0x84: {  	[tilespmem:v3+s18+$0x0] =	vst.idx.msk $0xffff, v2  }
0x85: {  	[tilespmem:v3+s19+$0x0] =	vst.idx.msk $0xffff, v1  }
0x86: {  	v3 =	vld.idx.msk [tilespmem:v63+s18+$0x0], $0xffff;
	_ =	sdelay $0x3  }
0x87: {  	v2 =	vor.u32 $0xF, v4  }
0x88: {  	v3 =	vmul.f32 v3, v1;
	_ =	sdelay $0x1  }
0x89: {  	[tilespmem:v63+s18+$0x0] =	vst.idx.msk $0xffff, v3  }
0x8a: {  	[tilespmem:v63+s19+$0x0] =	vst.idx.msk $0xffff, v1  }
0x8b: {  	v3 =	vld.idx.msk [tilespmem:v2+s18+$0x0], $0xffff;
	_ =	sdelay $0x4  }
0x8c: {  	v3 =	vmul.f32 v3, v1;
	_ =	sdelay $0x1  }
0x8d: {  	s25 =	simm.s32 $0x10;
	[tilespmem:v2+s18+$0x0] =	vst.idx.msk $0xffff, v3  }
.LBB2_2:
0x8e: {  	p3 =	sne.s32 s25, $0x270;
	[tilespmem:v2+s19+$0x0] =	vst.idx.msk $0xffff, v1;
	s16 =	sadd.s32 $0x10, s16;
	s23 =	sadd.s32 $0x10, s23  }
0x8f: {  	s4 =	smov.u32 s25;
	s25 =	sadd.s32 $0x10, s25;
	v1 =	vld [tilespmem:s16+$0x0]  }
0x90: {  	v2 =	vld [tilespmem:s23+$0x0];
	_ =	sdelay $0x4  }
0x91: {  	v1 =	vadd.f32 v2, v1;
	_ =	sdelay $0x1  }
0x92: {  	v1 =	vadd.f32 $1.000000000e+00, v1;
	_ =	sdelay $0x1  }
0x93: {  	v2 =	vshrl.u32 v1, $0x1;
	v1 =	vmul.f32 $5.000000000e-01, v1  }
0x94: {  	v2 =	vsub.s32 $0x5F3759DF, v2  }
0x95: {  	v3 =	vmul.f32 v2, v1;
	_ =	sdelay $0x1  }
0x96: {  	v3 =	vmul.f32 v2, v3;
	_ =	sdelay $0x1  }
0x97: {  	v3 =	vsub.f32 $1.500000000e+00, v3;
	_ =	sdelay $0x1  }
0x98: {  	v3 =	vmul.f32 v2, v3;
	_ =	sdelay $0x1  }
0x99: {  	v2 =	vmul.f32 v3, v1;
	_ =	sdelay $0x1  }
0x9a: {  	v2 =	vmul.f32 v2, v3  }
0x9b: {  	v4 =	vmov s4  }
0x9c: {  	v5 =	vsub.f32 $1.500000000e+00, v2;
	v2 =	vshll.u32 v4, $0x4  }
0x9d: {  	v2 =	vor.u32 v0, v2  }
0x9e: {  	v3 =	vmul.f32 v5, v3;
	_ =	sdelay $0x1  }
0x9f: {  	v1 =	vmul.f32 v3, v1;
	_ =	sdelay $0x1  }
0xa0: {  	v1 =	vmul.f32 v1, v3;
	v4 =	vld.idx.msk [tilespmem:v2+s18+$0x0], $0xffff;
	_ =	sdelay $0x1  }
0xa1: {  	v1 =	vsub.f32 $1.500000000e+00, v1;
	_ =	sdelay $0x1  }
0xa2: {  	v1 =	vmul.f32 v1, v3  }
0xa3: {  	v3 =	vor.u32 $0x1, v2  }
0xa4: {  	v4 =	vmul.f32 v1, v4;
	_ =	sdelay $0x1  }
0xa5: {  	[tilespmem:v2+s18+$0x0] =	vst.idx.msk $0xffff, v4  }
0xa6: {  	[tilespmem:v2+s19+$0x0] =	vst.idx.msk $0xffff, v1  }
0xa7: {  	v4 =	vld.idx.msk [tilespmem:v3+s18+$0x0], $0xffff;
	_ =	sdelay $0x4  }
0xa8: {  	v5 =	vor.u32 $0x2, v2  }
0xa9: {  	v4 =	vmul.f32 v1, v4;
	_ =	sdelay $0x1  }
0xaa: {  	[tilespmem:v3+s18+$0x0] =	vst.idx.msk $0xffff, v4  }
0xab: {  	[tilespmem:v3+s19+$0x0] =	vst.idx.msk $0xffff, v1  }
0xac: {  	v3 =	vld.idx.msk [tilespmem:v5+s18+$0x0], $0xffff;
	_ =	sdelay $0x4  }
0xad: {  	v4 =	vor.u32 $0x3, v2  }
0xae: {  	v3 =	vmul.f32 v1, v3;
	_ =	sdelay $0x1  }
0xaf: {  	[tilespmem:v5+s18+$0x0] =	vst.idx.msk $0xffff, v3  }
0xb0: {  	[tilespmem:v5+s19+$0x0] =	vst.idx.msk $0xffff, v1  }
0xb1: {  	v3 =	vld.idx.msk [tilespmem:v4+s18+$0x0], $0xffff;
	_ =	sdelay $0x4  }
0xb2: {  	v5 =	vor.u32 $0x4, v2  }
0xb3: {  	v3 =	vmul.f32 v1, v3;
	_ =	sdelay $0x1  }
0xb4: {  	[tilespmem:v4+s18+$0x0] =	vst.idx.msk $0xffff, v3  }
0xb5: {  	[tilespmem:v4+s19+$0x0] =	vst.idx.msk $0xffff, v1  }
0xb6: {  	v3 =	vld.idx.msk [tilespmem:v5+s18+$0x0], $0xffff;
	_ =	sdelay $0x4  }
0xb7: {  	v4 =	vor.u32 $0x5, v2  }
0xb8: {  	v3 =	vmul.f32 v1, v3;
	_ =	sdelay $0x1  }
0xb9: {  	[tilespmem:v5+s18+$0x0] =	vst.idx.msk $0xffff, v3  }
0xba: {  	[tilespmem:v5+s19+$0x0] =	vst.idx.msk $0xffff, v1  }
0xbb: {  	v3 =	vld.idx.msk [tilespmem:v4+s18+$0x0], $0xffff;
	_ =	sdelay $0x4  }
0xbc: {  	v5 =	vor.u32 $0x6, v2  }
0xbd: {  	v3 =	vmul.f32 v1, v3;
	_ =	sdelay $0x1  }
0xbe: {  	[tilespmem:v4+s18+$0x0] =	vst.idx.msk $0xffff, v3  }
0xbf: {  	[tilespmem:v4+s19+$0x0] =	vst.idx.msk $0xffff, v1  }
0xc0: {  	v3 =	vld.idx.msk [tilespmem:v5+s18+$0x0], $0xffff;
	_ =	sdelay $0x4  }
0xc1: {  	v4 =	vor.u32 $0x7, v2  }
0xc2: {  	v3 =	vmul.f32 v3, v1;
	_ =	sdelay $0x1  }
0xc3: {  	[tilespmem:v5+s18+$0x0] =	vst.idx.msk $0xffff, v3  }
0xc4: {  	[tilespmem:v5+s19+$0x0] =	vst.idx.msk $0xffff, v1  }
0xc5: {  	v3 =	vld.idx.msk [tilespmem:v4+s18+$0x0], $0xffff;
	_ =	sdelay $0x4  }
0xc6: {  	v5 =	vor.u32 $0x8, v2  }
0xc7: {  	v3 =	vmul.f32 v3, v1;
	_ =	sdelay $0x1  }
0xc8: {  	[tilespmem:v4+s18+$0x0] =	vst.idx.msk $0xffff, v3  }
0xc9: {  	[tilespmem:v4+s19+$0x0] =	vst.idx.msk $0xffff, v1  }
0xca: {  	v3 =	vld.idx.msk [tilespmem:v5+s18+$0x0], $0xffff;
	_ =	sdelay $0x4  }
0xcb: {  	v4 =	vor.u32 $0x9, v2  }
0xcc: {  	v3 =	vmul.f32 v3, v1;
	_ =	sdelay $0x1  }
0xcd: {  	[tilespmem:v5+s18+$0x0] =	vst.idx.msk $0xffff, v3  }
0xce: {  	[tilespmem:v5+s19+$0x0] =	vst.idx.msk $0xffff, v1  }
0xcf: {  	v3 =	vld.idx.msk [tilespmem:v4+s18+$0x0], $0xffff;
	_ =	sdelay $0x4  }
0xd0: {  	v5 =	vor.u32 $0xA, v2  }
0xd1: {  	v3 =	vmul.f32 v3, v1;
	_ =	sdelay $0x1  }
0xd2: {  	[tilespmem:v4+s18+$0x0] =	vst.idx.msk $0xffff, v3  }
0xd3: {  	[tilespmem:v4+s19+$0x0] =	vst.idx.msk $0xffff, v1  }
0xd4: {  	v3 =	vld.idx.msk [tilespmem:v5+s18+$0x0], $0xffff;
	_ =	sdelay $0x4  }
0xd5: {  	v4 =	vor.u32 $0xB, v2  }
0xd6: {  	v3 =	vmul.f32 v3, v1;
	_ =	sdelay $0x1  }
0xd7: {  	[tilespmem:v5+s18+$0x0] =	vst.idx.msk $0xffff, v3  }
0xd8: {  	[tilespmem:v5+s19+$0x0] =	vst.idx.msk $0xffff, v1  }
0xd9: {  	v3 =	vld.idx.msk [tilespmem:v4+s18+$0x0], $0xffff;
	_ =	sdelay $0x4  }
0xda: {  	v5 =	vor.u32 $0xC, v2  }
0xdb: {  	v3 =	vmul.f32 v3, v1;
	_ =	sdelay $0x1  }
0xdc: {  	[tilespmem:v4+s18+$0x0] =	vst.idx.msk $0xffff, v3  }
0xdd: {  	[tilespmem:v4+s19+$0x0] =	vst.idx.msk $0xffff, v1  }
0xde: {  	v3 =	vld.idx.msk [tilespmem:v5+s18+$0x0], $0xffff;
	_ =	sdelay $0x4  }
0xdf: {  	v4 =	vor.u32 $0xD, v2  }
0xe0: {  	v3 =	vmul.f32 v3, v1;
	_ =	sdelay $0x1  }
0xe1: {  	[tilespmem:v5+s18+$0x0] =	vst.idx.msk $0xffff, v3  }
0xe2: {  	[tilespmem:v5+s19+$0x0] =	vst.idx.msk $0xffff, v1  }
0xe3: {  	v3 =	vld.idx.msk [tilespmem:v4+s18+$0x0], $0xffff;
	_ =	sdelay $0x4  }
0xe4: {  	v5 =	vor.u32 $0xE, v2  }
0xe5: {  	v3 =	vmul.f32 v3, v1;
	_ =	sdelay $0x1  }
0xe6: {  	[tilespmem:v4+s18+$0x0] =	vst.idx.msk $0xffff, v3  }
0xe7: {  	[tilespmem:v4+s19+$0x0] =	vst.idx.msk $0xffff, v1  }
0xe8: {  	v3 =	vld.idx.msk [tilespmem:v5+s18+$0x0], $0xffff;
	_ =	sdelay $0x4  }
0xe9: {  	v2 =	vor.u32 $0xF, v2  }
0xea: {  	v3 =	vmul.f32 v3, v1;
	_ =	sdelay $0x1  }
0xeb: {  	[tilespmem:v5+s18+$0x0] =	vst.idx.msk $0xffff, v3  }
0xec: {  	[tilespmem:v5+s19+$0x0] =	vst.idx.msk $0xffff, v1  }
0xed: {  	v3 =	vld.idx.msk [tilespmem:v2+s18+$0x0], $0xffff;
	_ =	sdelay $0x3  }
.Ltmp0:
0xee: {  	(pc) =	sbr.rel @p3 .LBB2_2-.Ltmp0, $3  }
0xef: {  	_ = 	snop  }
0xf0: {  	v3 =	vmul.f32 v3, v1;
	_ =	sdelay $0x1  }
0xf1: {  	[tilespmem:v2+s18+$0x0] =	vst.idx.msk $0xffff, v3  }
0xf2: {  	_ =	sdelay $0x3  }
0xf3: {  	[tilespmem:v2+s19+$0x0] =	vst.idx.msk $0xffff, v1  }
0xf4: {  	[spmem:s10] =	stream.linear.scatter [tilespmem:s18], [sflag:$0x5], $0x2800, $0x38;
	[tilespmem:$0x11500] =	vst v63  }
0xf5: {  	_ =	swait.ge [sflag:s15], $0x2800  }
0xf6: {  	[sflag:s15] =	ssyncset.done $0x0  }
0xf7: {  	s4 =	simm.s32 @!p2 $0x7000;
	[sflag:s15] =	ssyncadd.s32 $0xFFFFD800  }
0xf8: {  	[spmem:s11] =	stream.linear.scatter @!p2 [tilespmem:s4], [sflag:$0x5], $0x2800, $0x38;
	[tilespmem:$0x11500] =	vst v63  }
0xf9: {  	s4 =	simm.s32 @!p2 $0x5  }
0xfa: {  	_ =	swait.ge @!p2 [sflag:s4], $0x2800  }
0xfb: {  	[sflag:s4] =	ssyncset.done @!p2 $0x0  }
0xfc: {  	s16 =	simm.s32 @!p2 $0x0;
	s23 =	simm.s32 @!p2 $0x9800;
	[sflag:s4] =	ssyncadd.s32 @!p2 $0xFFFFD800  }
0xfd: {  	[hbm4b:s12+s16] =	stream.linear.scatter @!p2 [tilespmem:s23], [sflag:$0x5], $0x2800, $0x38;
	[tilespmem:$0x11500] =	vst v63  }
0xfe: {  	_ =	swait.ge @!p2 [sflag:s4], $0x2800  }
0xff: {  	[sflag:s4] =	ssyncset.done @!p2 $0x0  }
0x100: {  	[sflag:s4] =	ssyncadd.s32 @!p2 $0xFFFFD800  }
0x101: {  	s25 =	simm.s32 $0x0;
	[bflag:$0x0] =	sbarrier.arrive $0xFFFF  }
0x102: {  	[tilespmem:s21], [sflag:$0x1] =	stream.indirect.gather [spmem:s2], $0x10, s25, s20, $0xb8;
	[tilespmem:$0x11500] =	vst v63  }
0x103: {  	_ = 	snop  }
0x104: {  	[tilespmem:s22], [sflag:$0x2] =	stream.indirect.gather [spmem:s2], $0x10, s20, s20, $0xb8;
	[tilespmem:$0x11500] =	vst v63  }
0x105: {  	s16 =	simm.s32 $0x100  }
0x106: {  	[tilespmem:s24], [sflag:$0x3] =	stream.indirect.gather [spmem:s2], $0x10, s16, s20, $0xb8;
	[tilespmem:$0x11500] =	vst v63  }
0x107: {  	s23 =	simm.s32 $0x180  }
0x108: {  	[tilespmem:s26], [sflag:$0x4] =	stream.indirect.gather [spmem:s2], $0x10, s23, s20, $0xb8;
	[tilespmem:$0x11500] =	vst v63  }
0x109: {  	_ =	swait.ge [sflag:s28], $0x800  }
0x10a: {  	[sflag:s28] =	ssyncset.done $0x0  }
0x10b: {  	s25 =	simm.s32 $0x2800;
	[sflag:s28] =	ssyncadd.s32 $0xFFFFF800  }
0x10c: {  	[spmem:s1] =	stream.indirect.scatter.add.f32 [tilespmem:s21], [sflag:$0x5], $0x10, s25, s20, $0xb8;
	[tilespmem:$0x11500] =	vst v63  }
0x10d: {  	_ =	swait.ge [sflag:s15], $0x800  }
0x10e: {  	[sflag:s15] =	ssyncset.done $0x0  }
0x10f: {  	s16 =	simm.s32 $0x200;
	[sflag:s15] =	ssyncadd.s32 $0xFFFFF800  }
0x110: {  	[tilespmem:s21], [sflag:$0x1] =	stream.indirect.gather [spmem:s2], $0x10, s16, s20, $0xb8;
	[tilespmem:$0x11500] =	vst v63  }
0x111: {  	_ =	swait.ge [sflag:s29], $0x800  }
0x112: {  	[sflag:s29] =	ssyncset.done $0x0  }
0x113: {  	s23 =	simm.s32 $0x2880;
	[sflag:s29] =	ssyncadd.s32 $0xFFFFF800  }
0x114: {  	[spmem:s1] =	stream.indirect.scatter.add.f32 [tilespmem:s22], [sflag:$0x5], $0x10, s23, s20, $0xb8;
	[tilespmem:$0x11500] =	vst v63  }
0x115: {  	_ =	swait.ge [sflag:s15], $0x800  }
0x116: {  	[sflag:s15] =	ssyncset.done $0x0  }
0x117: {  	s25 =	simm.s32 $0x280;
	[sflag:s15] =	ssyncadd.s32 $0xFFFFF800  }
0x118: {  	[tilespmem:s22], [sflag:$0x2] =	stream.indirect.gather [spmem:s2], $0x10, s25, s20, $0xb8;
	[tilespmem:$0x11500] =	vst v63  }
0x119: {  	_ =	swait.ge [sflag:s30], $0x800  }
0x11a: {  	[sflag:s30] =	ssyncset.done $0x0  }
0x11b: {  	s16 =	simm.s32 $0x2900;
	[sflag:s30] =	ssyncadd.s32 $0xFFFFF800  }
0x11c: {  	[spmem:s1] =	stream.indirect.scatter.add.f32 [tilespmem:s24], [sflag:$0x5], $0x10, s16, s20, $0xb8;
	[tilespmem:$0x11500] =	vst v63  }
0x11d: {  	_ =	swait.ge [sflag:s15], $0x800  }
0x11e: {  	[sflag:s15] =	ssyncset.done $0x0  }
0x11f: {  	s23 =	simm.s32 $0x300;
	[sflag:s15] =	ssyncadd.s32 $0xFFFFF800  }
0x120: {  	[tilespmem:s24], [sflag:$0x3] =	stream.indirect.gather [spmem:s2], $0x10, s23, s20, $0xb8;
	[tilespmem:$0x11500] =	vst v63  }
0x121: {  	_ =	swait.ge [sflag:s31], $0x800  }
0x122: {  	[sflag:s31] =	ssyncset.done $0x0  }
0x123: {  	s25 =	simm.s32 $0x2980;
	[sflag:s31] =	ssyncadd.s32 $0xFFFFF800  }
0x124: {  	[spmem:s1] =	stream.indirect.scatter.add.f32 [tilespmem:s26], [sflag:$0x5], $0x10, s25, s20, $0xb8;
	[tilespmem:$0x11500] =	vst v63  }
0x125: {  	_ =	swait.ge [sflag:s15], $0x800  }
0x126: {  	[sflag:s15] =	ssyncset.done $0x0  }
0x127: {  	s16 =	simm.s32 $0x800;
	s23 =	simm.s32 $0x380;
	[sflag:s15] =	ssyncadd.s32 $0xFFFFF800  }
.LBB2_4:
0x128: {  	[tilespmem:s26], [sflag:$0x4] =	stream.indirect.gather [spmem:s2], $0x10, s23, s20, $0xb8;
	[tilespmem:$0x11500] =	vst v63  }
0x129: {  	s4 =	smov.u32 s16  }
0x12a: {  	p3 =	sne.s32 s16, $0x9000;
	s16 =	sadd.s32 $0x800, s16;
	_ =	swait.ge [sflag:s28], $0x800  }
0x12b: {  	s23 =	sshra.s32 s4, $0x2;
	[sflag:s28] =	ssyncset.done $0x0  }
0x12c: {  	s4 =	sadd.s32 $0x2800, s23;
	[sflag:s28] =	ssyncadd.s32 $0xFFFFF800  }
0x12d: {  	[spmem:s1] =	stream.indirect.scatter.add.f32 [tilespmem:s21], [sflag:$0x5], $0x10, s4, s20, $0xb8;
	[tilespmem:$0x11500] =	vst v63  }
0x12e: {  	_ =	swait.ge [sflag:s15], $0x800  }
0x12f: {  	[sflag:s15] =	ssyncset.done $0x0  }
0x130: {  	s4 =	sadd.s32 $0x200, s23;
	[sflag:s15] =	ssyncadd.s32 $0xFFFFF800  }
0x131: {  	[tilespmem:s21], [sflag:$0x1] =	stream.indirect.gather [spmem:s2], $0x10, s4, s20, $0xb8;
	[tilespmem:$0x11500] =	vst v63  }
0x132: {  	_ =	swait.ge [sflag:s29], $0x800  }
0x133: {  	[sflag:s29] =	ssyncset.done $0x0  }
0x134: {  	s4 =	sadd.s32 $0x2880, s23;
	[sflag:s29] =	ssyncadd.s32 $0xFFFFF800  }
0x135: {  	[spmem:s1] =	stream.indirect.scatter.add.f32 [tilespmem:s22], [sflag:$0x5], $0x10, s4, s20, $0xb8;
	[tilespmem:$0x11500] =	vst v63  }
0x136: {  	_ =	swait.ge [sflag:s15], $0x800  }
0x137: {  	[sflag:s15] =	ssyncset.done $0x0  }
0x138: {  	s4 =	sadd.s32 $0x280, s23;
	[sflag:s15] =	ssyncadd.s32 $0xFFFFF800  }
0x139: {  	[tilespmem:s22], [sflag:$0x2] =	stream.indirect.gather [spmem:s2], $0x10, s4, s20, $0xb8;
	[tilespmem:$0x11500] =	vst v63  }
0x13a: {  	_ =	swait.ge [sflag:s30], $0x800  }
0x13b: {  	[sflag:s30] =	ssyncset.done $0x0  }
0x13c: {  	s4 =	sadd.s32 $0x2900, s23;
	[sflag:s30] =	ssyncadd.s32 $0xFFFFF800  }
0x13d: {  	[spmem:s1] =	stream.indirect.scatter.add.f32 [tilespmem:s24], [sflag:$0x5], $0x10, s4, s20, $0xb8;
	[tilespmem:$0x11500] =	vst v63  }
0x13e: {  	_ =	swait.ge [sflag:s15], $0x800  }
0x13f: {  	[sflag:s15] =	ssyncset.done $0x0  }
0x140: {  	s4 =	sadd.s32 $0x300, s23;
	[sflag:s15] =	ssyncadd.s32 $0xFFFFF800  }
0x141: {  	[tilespmem:s24], [sflag:$0x3] =	stream.indirect.gather [spmem:s2], $0x10, s4, s20, $0xb8;
	[tilespmem:$0x11500] =	vst v63  }
0x142: {  	_ =	swait.ge [sflag:s31], $0x800  }
0x143: {  	[sflag:s31] =	ssyncset.done $0x0  }
.Ltmp1:
0x144: {  	s4 =	sadd.s32 $0x2980, s23;
	[sflag:s31] =	ssyncadd.s32 $0xFFFFF800;
	(pc) =	sbr.rel @p3 .LBB2_4-.Ltmp1, $4  }
0x145: {  	[spmem:s1] =	stream.indirect.scatter.add.f32 [tilespmem:s26], [sflag:$0x5], $0x10, s4, s20, $0xb8;
	[tilespmem:$0x11500] =	vst v63  }
0x146: {  	_ =	swait.ge [sflag:s15], $0x800  }
0x147: {  	[sflag:s15] =	ssyncset.done $0x0  }
0x148: {  	s23 =	sadd.s32 $0x380, s23;
	[sflag:s15] =	ssyncadd.s32 $0xFFFFF800  }
0x149: {  	[tilespmem:s26], [sflag:$0x4] =	stream.indirect.gather [spmem:s2], $0x10, s23, s20, $0xb8;
	[tilespmem:$0x11500] =	vst v63  }
0x14a: {  	_ =	swait.ge [sflag:s28], $0x800  }
0x14b: {  	[sflag:s28] =	ssyncset.done $0x0  }
0x14c: {  	s4 =	simm.s32 $0x4E00;
	[sflag:s28] =	ssyncadd.s32 $0xFFFFF800  }
0x14d: {  	[spmem:s1] =	stream.indirect.scatter.add.f32 [tilespmem:s21], [sflag:$0x5], $0x10, s4, s20, $0xb8;
	[tilespmem:$0x11500] =	vst v63  }
0x14e: {  	_ =	swait.ge [sflag:s15], $0x800  }
0x14f: {  	[sflag:s15] =	ssyncset.done $0x0  }
0x150: {  	[sflag:s15] =	ssyncadd.s32 $0xFFFFF800  }
0x151: {  	_ =	swait.ge [sflag:s29], $0x800  }
0x152: {  	[sflag:s29] =	ssyncset.done $0x0  }
0x153: {  	s16 =	simm.s32 $0x4E80;
	[sflag:s29] =	ssyncadd.s32 $0xFFFFF800  }
0x154: {  	[spmem:s1] =	stream.indirect.scatter.add.f32 [tilespmem:s22], [sflag:$0x5], $0x10, s16, s20, $0xb8;
	[tilespmem:$0x11500] =	vst v63  }
0x155: {  	_ =	swait.ge [sflag:s15], $0x800  }
0x156: {  	[sflag:s15] =	ssyncset.done $0x0  }
0x157: {  	[sflag:s15] =	ssyncadd.s32 $0xFFFFF800  }
0x158: {  	_ =	swait.ge [sflag:s30], $0x800  }
0x159: {  	[sflag:s30] =	ssyncset.done $0x0  }
0x15a: {  	s23 =	simm.s32 $0x4F00;
	[sflag:s30] =	ssyncadd.s32 $0xFFFFF800  }
0x15b: {  	[spmem:s1] =	stream.indirect.scatter.add.f32 [tilespmem:s24], [sflag:$0x5], $0x10, s23, s20, $0xb8;
	[tilespmem:$0x11500] =	vst v63  }
0x15c: {  	_ =	swait.ge [sflag:s15], $0x800  }
0x15d: {  	[sflag:s15] =	ssyncset.done $0x0  }
0x15e: {  	[sflag:s15] =	ssyncadd.s32 $0xFFFFF800  }
0x15f: {  	_ =	swait.ge [sflag:s31], $0x800  }
0x160: {  	[sflag:s31] =	ssyncset.done $0x0  }
0x161: {  	s25 =	simm.s32 $0x4F80;
	[sflag:s31] =	ssyncadd.s32 $0xFFFFF800  }
0x162: {  	[spmem:s1] =	stream.indirect.scatter.add.f32 [tilespmem:s26], [sflag:$0x5], $0x10, s25, s20, $0xb8;
	[tilespmem:$0x11500] =	vst v63  }
0x163: {  	_ =	swait.ge [sflag:s15], $0x800  }
0x164: {  	s0 =	sadd.s32 $0x1, s0;
	[sflag:s15] =	ssyncset.done $0x0  }
0x165: {  	p3 =	sne.s32 s0, s14;
	[sflag:s15] =	ssyncadd.s32 $0xFFFFF800  }
0x166: {  	s4 =	sshrl.u32 @!p1 s1, $0x3;
	s16 =	simm.s32 @!p1 $0x1C05;
	[bflag:$0x0] =	sbarrier.arrive $0xFFFF  }
0x167: {  	[hbm:s13], [sflag:s16] =	dma.local @!p1 [spmem:s4], $0x5000  }
.Ltmp2:
0x168: {  	_ = 	snop;
	(pc) =	sbr.rel @p3 .LBB2_1-.Ltmp2, $4  }
0x169: {  	s4 =	simm.s32 @!p1 $0x5  }
0x16a: {  	_ =	swait.ge @!p1 [sflag:s4], $0x5000  }
0x16b: {  	[sflag:s4] =	ssyncset.done @!p1 $0x0  }
0x16c: {  	[sflag:s4] =	ssyncadd.s32 @!p1 $0xFFFFB000  }
0x16d: {  	_ =	sfence.sel $0x180000  }
0x16e: {  	[bflag:$0x0] =	sbarrier.arrive $0xFFFF  }
0x16f: {  	_ =	strace $0x9000004A  }
0x170: {  	[bflag:$0x2] =	sbarrier.arrive $0xFFFF  }
0x171: {  	s0 =	rddreg [dreg:$0x4]  }
0x172: {  	s0 =	sadd.s32 @!p1 $0x100000, s0  }
0x173: {  	[sflag:s0] =	ssyncadd.tile.s32 @!p1 $0x1;
	_ =	shalt  }
.Lfunc_end2:
_tile_overlayer_lowered:
.L_overlay_start_2:
0x174: {  	(tag) =	ssettag $0x2  }
0x175: {  	s0 =	rddreg [dreg:$0x0];
	s2 =	stileid.u32  }
0x176: {  	s1 =	rddreg [dreg:$0x1];
	p0 =	sne.s32 s2, $0x0  }
0x177: {  	s3 =	rddreg [dreg:$0x2];
	[bflag:$0x3] =	sbarrier.arrive $0xFFFF;
	s2 =	simm.s32 @!p0 $0x1C05  }
0x178: {  	[timem:s3], [sflag:s2] =	dma.local @!p0 [hbm:s0], s1  }
0x179: {  	s0 =	simm.s32 @!p0 $0x5  }
0x17a: {  	_ =	swait.ge @!p0 [sflag:s0], s1  }
0x17b: {  	s1 =	ssub.s32 @!p0 $0x0, s1;
	[sflag:s0] =	ssyncset.done @!p0 $0x0  }
0x17c: {  	[sflag:s0] =	ssyncadd.s32 @!p0 s1  }
0x17d: {  	[bflag:$0x3] =	sbarrier.arrive $0xFFFF  }
0x17e: {  	_ =	shalt  }

// kernel: kernel.13.cloned.1.call-start
scs
__scs_entry_jumppad:
0x0: {  	(pc) =	sbr.rel $0x88, $3  }
0x1: {  	(tag) =	ssettag $0x0;
	lr =	simm.s32 $0x1  }
0x2: {  	[smem:$0x3F9B] =	sst lr;
	_ =	strace $0xD0000000  }
0x3: {  	_ = 	snop  }
0x4: {  	_ = 	snop  }
0x5: {  	_ = 	snop  }
0x6: {  	_ = 	snop  }
0x7: {  	_ = 	snop  }
__scs_overlays_trampoline_lowered:
0x8: {  	[smem:$0x3FAA] =	sst s0  }
0x9: {  	[smem:$0x3FAB] =	sst s1  }
0xa: {  	[smem:$0x3FAC] =	sst s2  }
0xb: {  	[smem:$0x3FAD] =	sst s3  }
0xc: {  	[smem:$0x3FAE] =	sst s4  }
0xd: {  	[smem:$0x3FAF] =	sst s5  }
0xe: {  	[smem:$0x3FB0] =	sst s6  }
0xf: {  	[smem:$0x3FB1] =	sst s7  }
0x10: {  	[smem:$0x3FB2] =	sst s8  }
0x11: {  	[smem:$0x3FB3] =	sst s9;
	s0 =	simm.s32 @!p0 $0x0  }
0x12: {  	s1 =	sld [smem:$0x3F99];
	s0 =	simm.s32 @p0 $0x1  }
0x13: {  	[smem:$0x3FB4] =	sst s0;
	s0 =	simm.s32 @!p1 $0x0  }
0x14: {  	s2 =	sld [smem:$0x3F98];
	s0 =	simm.s32 @p1 $0x1  }
0x15: {  	[smem:$0x3FB5] =	sst s0;
	s0 =	simm.s32 @!p2 $0x0  }
0x16: {  	s3 =	sld [smem:$0x3FDB];
	s0 =	simm.s32 @p2 $0x1  }
0x17: {  	s4 =	simm.s32 $0x1BF5;
	[smem:$0x3FB7] =	sst s0  }
0x18: {  	s0 =	sld [smem:$0x3F9A];
	_ =	swait.ge [sflag:s4], $0x0  }
0x19: {  	s7 =	sld [smem:$0x3F9B]  }
0x1a: {  	s8 =	sadd.s32 $0xFFFFE003, lr  }
0x1b: {  	s9 =	sadd.s32 $0xFFFFFEF7, lr;
	s5 =	simm.s32 $0xFFFFFFFF;
	p2 =	slt.u32 s8, $0xFFFFF086  }
0x1c: {  	p1 =	slt.u32 s9, $0xF7A;
	s5 =	simm.s32 @!p2 $0x0  }
0x1d: {  	s5 =	simm.s32 @p1 $0x1;
	p0 =	seq.s32 s7, s2  }
0x1e: {  	s7 =	smul.u32 @!p0 $0xF7A, s2;
	p2 =	seq.s32 @!p0 s5, $0x0  }
0x1f: {  	s9 =	smul.u32 $0xF7A, s1;
	s8 =	simm.s32 @!p0 $0x1BF5;
	p2 =	por !p2, p0  }
0x20: {  	[sflag:s8] =	ssyncset.s32 @!p0 $0xFFFFF086;
	s6 =	sadd.s32 @!p0 s3, s7;
	s7 =	simm.s32 @!p0 $0x108  }
0x21: {  	s3 =	sadd.s32 s3, s9;
	s6 =	sadd.s32 @!p0 $0x88, s6;
	s7 =	simm.s32 @p2 $0x1082  }
0x22: {  	[simem:s7], [sflag:s8] =	dma.local @!p0 [hbm:s6], $0xF7A  }
0x23: {  	s9 =	sor.u32 $0xD0000000, s2;
	s6 =	simm.s32 $0x108;
	_ =	swait.ge @!p0 [sflag:s8], $0x0  }
0x24: {  	s3 =	sadd.s32 $0x88, s3;
	s6 =	simm.s32 @!p1 $0x1082;
	[sflag:s4] =	ssyncset.s32 $0xFFFFF086  }
0x25: {  	[simem:s6], [sflag:s4] =	dma.local [hbm:s3], $0xF7A  }
0x26: {  	[smem:$0x3F9B] =	sst s1;
	(tag) =	ssettag s2;
	_ =	strace s9  }
0x27: {  	s1 =	sld [smem:$0x3FAB]  }
0x28: {  	s2 =	sld [smem:$0x3FAC]  }
0x29: {  	s4 =	sld [smem:$0x3FAE]  }
0x2a: {  	p0 =	seq.s32 s5, $0x0;
	s5 =	sld [smem:$0x3FAF]  }
0x2b: {  	s6 =	sld [smem:$0x3FB0]  }
0x2c: {  	s7 =	sld [smem:$0x3FB1]  }
0x2d: {  	s3 =	simm.s32 $0x108;
	s8 =	sld [smem:$0x3FB2]  }
0x2e: {  	s3 =	simm.s32 @!p0 $0x1082;
	s9 =	sld [smem:$0x3FB3]  }
0x2f: {  	lr =	sadd.s32 s0, s3;
	s0 =	sld [smem:$0x3FAA]  }
0x30: {  	s3 =	sld [smem:$0x3FAD]  }
0x31: {  	[smem:$0x3FB6] =	sst s10  }
0x32: {  	s10 =	sld [smem:$0x3FB4];
	_ =	sdelay $0x3  }
0x33: {  	p0 =	seq.s32 s10, $0x1;
	s10 =	sld [smem:$0x3FB6];
	_ =	sdelay $0x3  }
0x34: {  	[smem:$0x3FB6] =	sst s10  }
0x35: {  	s10 =	sld [smem:$0x3FB5];
	_ =	sdelay $0x3  }
0x36: {  	p1 =	seq.s32 s10, $0x1;
	s10 =	sld [smem:$0x3FB6];
	_ =	sdelay $0x3  }
0x37: {  	[smem:$0x3FB6] =	sst s10  }
0x38: {  	s10 =	sld [smem:$0x3FB7]  }
0x39: {  	_ = 	snop;
	(pc) =	sbr.ind lr, $3  }
0x3a: {  	_ = 	snop  }
0x3b: {  	_ = 	snop  }
0x3c: {  	p2 =	seq.s32 s10, $0x1;
	s10 =	sld [smem:$0x3FB6]  }
0x3d: {  	_ =	shalt  }
0x3e: {  	_ =	shalt  }
0x3f: {  	_ =	shalt  }
0x40: {  	_ =	shalt  }
0x41: {  	_ =	shalt  }
0x42: {  	_ =	shalt  }
0x43: {  	_ =	shalt  }
0x44: {  	_ =	shalt  }
0x45: {  	_ =	shalt  }
0x46: {  	_ =	shalt  }
0x47: {  	_ =	shalt  }
0x48: {  	_ =	shalt  }
0x49: {  	_ =	shalt  }
0x4a: {  	_ =	shalt  }
0x4b: {  	_ =	shalt  }
0x4c: {  	_ =	shalt  }
0x4d: {  	_ =	shalt  }
0x4e: {  	_ =	shalt  }
0x4f: {  	_ =	shalt  }
0x50: {  	_ =	shalt  }
0x51: {  	_ =	shalt  }
0x52: {  	_ =	shalt  }
0x53: {  	_ =	shalt  }
0x54: {  	_ =	shalt  }
0x55: {  	_ =	shalt  }
0x56: {  	_ =	shalt  }
0x57: {  	_ =	shalt  }
0x58: {  	_ =	shalt  }
0x59: {  	_ =	shalt  }
0x5a: {  	_ =	shalt  }
0x5b: {  	_ =	shalt  }
0x5c: {  	_ =	shalt  }
0x5d: {  	_ =	shalt  }
0x5e: {  	_ =	shalt  }
0x5f: {  	_ =	shalt  }
0x60: {  	_ =	shalt  }
0x61: {  	_ =	shalt  }
0x62: {  	_ =	shalt  }
0x63: {  	_ =	shalt  }
0x64: {  	_ =	shalt  }
0x65: {  	_ =	shalt  }
0x66: {  	_ =	shalt  }
0x67: {  	_ =	shalt  }
0x68: {  	_ =	shalt  }
0x69: {  	_ =	shalt  }
0x6a: {  	_ =	shalt  }
0x6b: {  	_ =	shalt  }
0x6c: {  	_ =	shalt  }
0x6d: {  	_ =	shalt  }
0x6e: {  	_ =	shalt  }
0x6f: {  	_ =	shalt  }
0x70: {  	_ =	shalt  }
0x71: {  	_ =	shalt  }
0x72: {  	_ =	shalt  }
0x73: {  	_ =	shalt  }
0x74: {  	_ =	shalt  }
0x75: {  	_ =	shalt  }
0x76: {  	_ =	shalt  }
0x77: {  	_ =	shalt  }
0x78: {  	_ =	shalt  }
0x79: {  	_ =	shalt  }
0x7a: {  	_ =	shalt  }
0x7b: {  	_ =	shalt  }
0x7c: {  	_ =	shalt  }
0x7d: {  	_ =	shalt  }
0x7e: {  	_ =	shalt  }
0x7f: {  	_ =	shalt  }
0x80: {  	_ =	shalt  }
0x81: {  	_ =	shalt  }
0x82: {  	_ =	shalt  }
0x83: {  	_ =	shalt  }
0x84: {  	_ =	shalt  }
0x85: {  	_ =	shalt  }
0x86: {  	_ =	shalt  }
0x87: {  	_ =	shalt  }
.Lfunc_end0:
.L_simem_size_0:
called_computation.2_lowered:
.L_overlay_start_0:
0x88: {  	s2 =	sld [smem:$0x3FD9]  }
0x89: {  	s3 =	sld [smem:$0x3FFE];
	_ =	sdelay $0x1  }
0x8a: {  	s1 =	srdreg.scid  }
0x8b: {  	s0 =	sand.u32 $0x1, s1  }
0x8c: {  	s17 =	sshll.u32 s0, $0xA;
	s2 =	sadd.s32 s3, s2  }
0x8d: {  	s2 =	sadd.s32 s2, s17  }
0x8e: {  	[smem:$0x3FC2] =	sst s2  }
0x8f: {  	_ = 	snop  }
0x90: {  	s2 =	sld [smem:$0x3FC6];
	(tm) =	ssettm $0x1  }
0x91: {  	s18 =	sld [smem:$0x3FFB];
	_ =	sdelay $0x3  }
0x92: {  	_ =	strace s18  }
0x93: {  	s3 =	sld [smem:$0x3FFC];
	_ =	sdelay $0x3  }
0x94: {  	_ =	strace s3  }
0x95: {  	s3 =	sld [smem:$0x3FFD];
	_ =	sdelay $0x3  }
0x96: {  	_ =	strace s3  }
0x97: {  	_ =	strace $0x8FFFFFFF  }
0x98: {  	s19 =	sld [smem:$0x3FDB];
	_ =	sdelay $0x1  }
0x99: {  	s4 =	simm.s32 $_scs_section_size  }
0x9a: {  	s5 =	simm.s32 $_size__tile_overlayer_lowered;
	s6 =	simm.s32 $_tile_overlayer_lowered  }
0x9b: {  	s22 =	simm.s32 $0x1BFF;
	s21 =	sshll.u32 s6, $0x1;
	s3 =	sadd.s32 s4, s19  }
0x9c: {  	s7 =	simm.s32 $0x0;
	s20 =	sshll.u32 s5, $0x1;
	s5 =	sadd.s32 s21, s3  }
0x9d: {  	[timem:s7], [sflag:s22] =	dma.local [hbm:s5], s20  }
0x9e: {  	_ =	swait.ge [sflag:s22], s20  }
0x9f: {  	s4 =	ssub.s32 $0x0, s20;
	[sflag:s22] =	ssyncset.done $0x0  }
0xa0: {  	[sflag:s22] =	ssyncadd.s32 s4;
	_ =	sdelay $0x1  }
0xa1: {  	s23 =	simm.s32 $0x1B8B  }
0xa2: {  	_ =	swait.ge [sflag:s23], $0x1  }
0xa3: {  	[sflag:s23] =	ssyncset.done $0x0  }
0xa4: {  	s25 =	simm.s32 $0x1B8E;
	s24 =	sld [smem:$0x3FFE];
	[sflag:s23] =	ssyncadd.s32 $0xFFFFFFFF  }
0xa5: {  	s26 =	simm.s32 $execute0_lowered;
	[smem:$0x3FD2] =	sst s25  }
0xa6: {  	s5 =	sshll.u32 s26, $0x1;
	_ =	strace $0x8000004C;
	[dreg:$0x1] =	wrdreg $0xFFFFFFFF  }
0xa7: {  	s28 =	simm.s32 $_size_execute0_lowered;
	s3 =	sadd.s32 s3, s5;
	[dreg:$0x0] =	wrdreg $0x0  }
0xa8: {  	s5 =	sshll.u32 s28, $0x1;
	[dreg:$0x2] =	wrdreg s3  }
0xa9: {  	[dreg:$0x3] =	wrdreg s5  }
0xaa: {  	[dreg:$0x4] =	wrdreg $0xC0  }
0xab: {  	_ =	task [dreg:s7], $0x5FFFF  }
0xac: {  	[dreg:$0x1] =	wrdreg $0xFFFFFFFF  }
0xad: {  	[dreg:$0x0] =	wrdreg $0x60  }
0xae: {  	[dreg:$0x2] =	wrdreg s24  }
0xaf: {  	[dreg:$0x3] =	wrdreg s2  }
0xb0: {  	[dreg:$0x4] =	wrdreg $0xE9100  }
0xb1: {  	[dreg:$0x5] =	wrdreg $0x111100  }
0xb2: {  	[dreg:$0x6] =	wrdreg $0x9  }
0xb3: {  	_ =	task.clear_ibuf [dreg:s7], $0x7FFFF;
	_ =	strace $0x9000004C  }
0xb4: {  	s29 =	simm.s32 $0x9;
	_ =	strace $0x8000004E  }
0xb5: {  	_ =	swait.ge [sflag:s29], $0x1  }
0xb6: {  	[sflag:s29] =	ssyncadd.s32 $0xFFFFFFFF  }
0xb7: {  	_ =	strace $0x9000004E  }
0xb8: {  	_ =	sfence  }
0xb9: {  	s30 =	sld [smem:$0x0];
	_ =	sdelay $0x2  }
0xba: {  	s31 =	sshll.u32 s1, $0xD;
	s1 =	sshrl.u32 s1, $0x2  }
0xbb: {  	s3 =	sand.u32 $0x4000, s31;
	s1 =	sadd.s32 s1, s30  }
0xbc: {  	s0 =	sor.u32 s3, s0;
	s1 =	sshll.u32 s1, $0x11  }
0xbd: {  	s0 =	sor.u32 s1, s0  }
0xbe: {  	s0 =	sadd.s32 $0x8F2B, s0  }
0xbf: {  	[sflag:s0] =	ssyncadd.remote.s32 $0x1  }
0xc0: {  	_ =	sfence.sel $0xFFFF  }
0xc1: {  	[dreg:$0x0] =	wrdreg $0xFFFFFFFF;
	(pc) =	sbr.abs _section_cstart, $3  }
0xc2: {  	[dreg:$0x1] =	wrdreg $0xFFFFFFFF  }
0xc3: {  	_ =	task.clear_ibuf [dreg:s7], $0x2FFFF;
	_ =	strace $0x9FFFFFFF  }
0xc4: {  	(tm) =	ssettm $0x7FFFFFFF  }
0xc5: {  	_ =	shalt  }
tec
execute0_lowered:
.L_overlay_start_1:
0x0: {  	(tag) =	ssettag $0x1  }
0x1: {  	s0 =	rddreg [dreg:$0x0]  }
0x2: {  	s2 =	rddreg [dreg:$0x2]  }
0x3: {  	s3 =	rddreg [dreg:$0x3];
	s1 =	stileid.u32  }
0x4: {  	s4 =	srdreg.scid;
	s16 =	simm.s32 $0x5;
	s19 =	simm.s32 $0x7000  }
0x5: {  	s24 =	simm.s32 $0x80;
	s25 =	simm.s32 $0x5000;
	s29 =	simm.s32 $0x6000  }
0x6: {  	s31 =	simm.s32 $0x6800;
	s20 =	simm.s32 $0x4;
	s28 =	simm.s32 $0x4F80  }
0x7: {  	s30 =	simm.s32 $0x0;
	s17 =	sand.u32 $0x1, s4;
	s5 =	sshll.u32 s1, $0x1  }
0x8: {  	s4 =	simm.s32 $0x0;
	s13 =	smul.u32 $0x2800, s1;
	p0 =	seq.s32 s1, $0x0  }
0x9: {  	s5 =	sor.u32 s17, s5;
	[smem:$0x7FF] =	sst s4;
	s7 =	smul.u32 $0x5000, s17  }
0xa: {  	s9 =	ssub.s32 $0x2, s17;
	p1 =	seq.s32 s17, $0x1;
	p2 =	sne.s32 s17, $0x0  }
0xb: {  	s17 =	simm.s32 $0x3;
	s6 =	smul.u32 $0x500, s5;
	_ =	strace $0x8000004D  }
0xc: {  	s26 =	sshrl.u32 s13, $0x3;
	s5 =	sadd.s32 $0x16200, s0;
	s10 =	sshrl.u32 s9, $0x1  }
0xd: {  	p0 =	por !p0, !p1;
	s12 =	sadd.s32 s13, s3;
	s13 =	sadd.s32 s13, s2  }
0xe: {  	v0 =	vimm.s32 $0x0;
	p1 =	sne.s32 s1, $0x0;
	s1 =	simm.s32 $0x2;
	s11 =	sadd.s32 s26, s0  }
0xf: {  	v1 =	vimm.s32 $0x1;
	v2 =	vimm.s32 $0x2;
	v3 =	vimm.s32 $0x3;
	s15 =	ssub.s32 s9, s10;
	p0 =	por !p0, !p0;
	s26 =	simm.s32 $0x5800  }
0x10: {  	v4 =	vimm.s32 $0x4;
	v5 =	vimm.s32 $0x5;
	v6 =	vimm.s32 $0x6;
	s8 =	sadd.s32 s6, s0;
	s6 =	sadd.s32 $0x1B800, s0;
	s0 =	sadd.s32 s7, s0  }
0x11: {  	v7 =	vimm.s32 $0x7;
	v8 =	vimm.s32 $0x8;
	v9 =	vimm.s32 $0x9;
	s9 =	sadd.s32 $0x20800, s11;
	s10 =	sadd.s32 $0x25800, s11;
	s11 =	sadd.s32 $0x2A800, s11  }
0x12: {  	v10 =	vimm.s32 $0xA;
	v11 =	vimm.s32 $0xB;
	v12 =	vimm.s32 $0xC;
	s15 =	smax.u32 s15, $0x1;
	s18 =	sshrl.u32 @p0 s2, $0x3;
	s7 =	sadd.s32 $0x2200, s8  }
0x13: {  	v13 =	vimm.s32 $0xD;
	v14 =	vimm.s32 $0xE;
	v15 =	vimm.s32 $0xF;
	s8 =	sadd.s32 $0xC200, s8;
	s14 =	sadd.s32 $0x2F800, s0;
	s0 =	simm.s32 $0x1  }
.LBB2_1:
0x14: {  	[tilespmem:s4], [sflag:$0x5] =	stream.linear.gather [hbm4b:s7+s4], $0x2800, $0x38;
	[tilespmem:$0x13910] =	vst v63  }
0x15: {  	_ =	swait.ge [sflag:s16], $0x2800  }
0x16: {  	[sflag:s16] =	ssyncset.done $0x0  }
0x17: {  	s21 =	simm.s32 $0x2800;
	[sflag:s16] =	ssyncadd.s32 $0xFFFFD800  }
0x18: {  	[tilespmem:s21], [sflag:$0x5] =	stream.linear.gather [hbm4b:s8+s4], $0x2800, $0x38;
	[tilespmem:$0x13910] =	vst v63  }
0x19: {  	_ =	swait.ge [sflag:s16], $0x2800  }
0x1a: {  	[sflag:s16] =	ssyncset.done $0x0  }
0x1b: {  	s21 =	simm.s32 @p0 $0x1C05;
	[sflag:s16] =	ssyncadd.s32 $0xFFFFD800  }
0x1c: {  	[spmem:s18], [sflag:s21] =	dma.local @p0 [hbm:s6], $0x5000  }
0x1d: {  	s21 =	simm.s32 @p0 $0x5  }
0x1e: {  	_ =	swait.ge @p0 [sflag:s21], $0x5000  }
0x1f: {  	[sflag:s21] =	ssyncset.done @p0 $0x0  }
0x20: {  	[sflag:s21] =	ssyncadd.s32 @p0 $0xFFFFB000  }
0x21: {  	[tilespmem:s19], [sflag:$0x5] =	stream.linear.gather [hbm4b:s9+s4], $0x2800, $0x38;
	[tilespmem:$0x13910] =	vst v63  }
0x22: {  	_ =	swait.ge [sflag:s16], $0x2800  }
0x23: {  	[sflag:s16] =	ssyncset.done $0x0  }
0x24: {  	s22 =	simm.s32 $0x9800;
	[sflag:s16] =	ssyncadd.s32 $0xFFFFD800  }
0x25: {  	[tilespmem:s22], [sflag:$0x5] =	stream.linear.gather [hbm4b:s10+s4], $0x2800, $0x38;
	[tilespmem:$0x13910] =	vst v63  }
0x26: {  	_ =	swait.ge [sflag:s16], $0x2800  }
0x27: {  	[sflag:s16] =	ssyncset.done $0x0  }
0x28: {  	s23 =	simm.s32 $0xC000;
	[sflag:s16] =	ssyncadd.s32 $0xFFFFD800  }
0x29: {  	[tilespmem:s23], [sflag:$0x5] =	stream.linear.gather [hbm4b:s11+s4], $0x2800, $0x38;
	[tilespmem:$0x13910] =	vst v63  }
0x2a: {  	_ =	swait.ge [sflag:s16], $0x2800  }
0x2b: {  	[sflag:s16] =	ssyncset.done $0x0  }
0x2c: {  	s22 =	simm.s32 $0xE800;
	[sflag:s16] =	ssyncadd.s32 $0xFFFFD800  }
0x2d: {  	[tilespmem:s22], [sflag:$0x5] =	stream.linear.gather [hbm4b:s5+s4], $0x100, $0x38;
	[tilespmem:$0x13910] =	vst v63  }
0x2e: {  	_ =	swait.ge [sflag:s16], $0x100  }
0x2f: {  	[sflag:s16] =	ssyncset.done $0x0  }
0x30: {  	[sflag:s16] =	ssyncadd.s32 $0xFFFFFF00  }
0x31: {  	s22 =	simm.s32 $0xE900;
	s23 =	rddreg [dreg:$0x1]  }
0x32: {  	[tilespmem:s22], [sflag:$0x5] =	stream.linear.gather [hbm4b:s23+s4], $0x10, $0x38;
	[tilespmem:$0x13910] =	vst v63  }
0x33: {  	_ =	swait.ge [sflag:s16], $0x10  }
0x34: {  	[sflag:s16] =	ssyncset.done $0x0  }
0x35: {  	s21 =	simm.s32 $0x10;
	[sflag:s16] =	ssyncadd.s32 $0xFFFFFFF0  }
0x36: {  	v16 =	vld [tilespmem:s21+$0x9800]  }
0x37: {  	v18 =	vld [tilespmem:s21+$0x7000];
	_ =	sdelay $0x1  }
0x38: {  	v17 =	vld [tilespmem:s21+$0xC000]  }
0x39: {  	v29 =	vld [tilespmem:$0xE900]  }
0x3a: {  	v19 =	vld [tilespmem:s21+$0x97F0]  }
0x3b: {  	v16 =	vadd.f32 v16, v18;
	v18 =	vld [tilespmem:s21+$0x6FF0];
	_ =	sdelay $0x1  }
0x3c: {  	v20 =	vmul.f32 v16, v17;
	v16 =	vld [tilespmem:s21+$0xBFF0]  }
0x3d: {  	v32 =	vld [tilespmem:$0xE800]  }
0x3e: {  	v31 =	vld [tilespmem:$0xE810];
	v20 =	vadd.f32 v20, v29  }
0x3f: {  	v22 =	vld [tilespmem:$0xE820];
	v18 =	vadd.f32 v19, v18  }
0x40: {  	v33 =	vld [tilespmem:$0xE830];
	v35 =	vmax.f32 v20, $0.0e+00  }
0x41: {  	v27 =	vld [tilespmem:$0xE850];
	v44 =	vperm.xlane v35, v0;
	v20 =	vmul.f32 v18, v16  }
0x42: {  	v26 =	vld [tilespmem:$0xE8F0];
	v21 =	vperm.xlane v35, v15;
	v23 =	vperm.xlane v35, v2  }
0x43: {  	v28 =	vld [tilespmem:$0xE8B0];
	v24 =	vperm.xlane v35, v1;
	v42 =	vperm.xlane v35, v14;
	v20 =	vadd.f32 v20, v29  }
0x44: {  	v30 =	vperm.xlane v35, v12;
	v46 =	vmul.f32 v23, v22;
	v23 =	vld [tilespmem:$0xE8C0]  }
0x45: {  	v25 =	vld [tilespmem:$0xE860];
	v48 =	vperm.xlane v35, v13;
	v41 =	vmul.f32 v24, v31;
	v36 =	vmax.f32 v20, $0.0e+00  }
0x46: {  	v18 =	vld [tilespmem:$0xE8A0];
	v24 =	vperm.xlane v35, v3;
	v38 =	vperm.xlane v36, v3  }
0x47: {  	v34 =	vperm.xlane v35, v10;
	v43 =	vperm.xlane v35, v11;
	v20 =	vld [tilespmem:$0xE8D0]  }
0x48: {  	v19 =	vld [tilespmem:$0xE840];
	v47 =	vmul.f32 v24, v33;
	v39 =	vmul.f32 v38, v33  }
0x49: {  	v38 =	vmul.f32 v43, v28;
	v43 =	vmul.f32 v30, v23;
	v30 =	vld [tilespmem:$0xE8E0]  }
0x4a: {  	v40 =	vmul.f32 v21, v26;
	v21 =	vld [tilespmem:$0xE880];
	v45 =	vperm.xlane v36, v0  }
0x4b: {  	v24 =	vld [tilespmem:$0xE870];
	v37 =	vmul.f32 v34, v18;
	v46 =	vadd.f32 v47, v46;
	v47 =	vmul.f32 v44, v32  }
0x4c: {  	s22 =	simm.s32 $0xC0;
	v34 =	vld [tilespmem:$0xE890];
	v45 =	vmul.f32 v45, v32;
	v44 =	vmul.f32 v48, v20  }
.LBB2_2:
0x4d: {  	p3 =	sne.s32 s22, $0x9FC0;
	v48 =	vperm.xlane v36, v1;
	v49 =	vperm.xlane v35, v8;
	s23 =	smov.u32 s22;
	s22 =	sadd.s32 $0x80, s22  }
0x4e: {  	v50 =	vperm.xlane v35, v5;
	v42 =	vmul.f32 v42, v30;
	v41 =	vadd.f32 v41, v47  }
0x4f: {  	v47 =	vmul.f32 v48, v31;
	v48 =	vperm.xlane v35, v9  }
0x50: {  	v51 =	vperm.xlane v36, v2;
	v49 =	vmul.f32 v49, v21;
	v41 =	vadd.f32 v46, v41  }
0x51: {  	v52 =	vperm.xlane v35, v7;
	v46 =	vperm.xlane v36, v15  }
0x52: {  	v53 =	vperm.xlane v36, v9;
	v54 =	vperm.xlane v36, v13;
	v45 =	vadd.f32 v47, v45  }
0x53: {  	v55 =	vperm.xlane v36, v14;
	v47 =	vperm.xlane v36, v6  }
0x54: {  	v56 =	vperm.xlane v36, v5;
	v48 =	vmul.f32 v48, v34  }
0x55: {  	v57 =	vperm.xlane v36, v12;
	v50 =	vmul.f32 v50, v27;
	v40 =	vadd.f32 v40, v42  }
0x56: {  	v43 =	vadd.f32 v44, v43;
	v42 =	vmul.f32 v56, v27;
	v56 =	vperm.xlane v36, v11  }
0x57: {  	v44 =	vmul.f32 v51, v22;
	v51 =	vperm.xlane v36, v10  }
0x58: {  	v56 =	vmul.f32 v56, v28;
	v40 =	vadd.f32 v40, v43;
	v46 =	vmul.f32 v46, v26  }
0x59: {  	v53 =	vmul.f32 v53, v34;
	v43 =	vperm.xlane v36, v4;
	v39 =	vadd.f32 v39, v44  }
0x5a: {  	v44 =	vmul.f32 v47, v25;
	v47 =	vperm.xlane v35, v4  }
0x5b: {  	v58 =	vperm.xlane v36, v8;
	v37 =	vadd.f32 v38, v37;
	v43 =	vmul.f32 v43, v19  }
0x5c: {  	v38 =	vadd.f32 v39, v45;
	v35 =	vperm.xlane v35, v6;
	v39 =	vmul.f32 v52, v24  }
0x5d: {  	v45 =	vmul.f32 v57, v23;
	v47 =	vmul.f32 v47, v19  }
0x5e: {  	v36 =	vperm.xlane v36, v7;
	v48 =	vadd.f32 v48, v49;
	v35 =	vmul.f32 v35, v25  }
0x5f: {  	v49 =	vmul.f32 v55, v30;
	v42 =	vadd.f32 v42, v43;
	v43 =	vadd.f32 v50, v47  }
0x60: {  	v36 =	vmul.f32 v36, v24;
	v37 =	vadd.f32 v37, v48;
	v47 =	vmul.f32 v54, v20  }
0x61: {  	v48 =	vmul.f32 v51, v18;
	v46 =	vadd.f32 v46, v49;
	v35 =	vadd.f32 v39, v35  }
0x62: {  	v39 =	vmul.f32 v58, v21;
	v37 =	vadd.f32 v40, v37;
	v45 =	vadd.f32 v47, v45  }
0x63: {  	v40 =	vadd.f32 v56, v48;
	v35 =	vadd.f32 v35, v43  }
0x64: {  	v36 =	vadd.f32 v36, v44;
	v39 =	vadd.f32 v53, v39  }
0x65: {  	v43 =	vadd.f32 v46, v45;
	v35 =	vadd.f32 v35, v41  }
0x66: {  	v36 =	vadd.f32 v36, v42;
	v39 =	vadd.f32 v40, v39  }
0x67: {  	v35 =	vadd.f32 v37, v35  }
0x68: {  	v36 =	vadd.f32 v36, v38;
	v37 =	vadd.f32 v43, v39  }
0x69: {  	v17 =	vmul.f32 v35, v17  }
0x6a: {  	s23 =	sshra.s32 s23, $0x2;
	v35 =	vadd.f32 v37, v36  }
0x6b: {  	v36 =	vld [tilespmem:s23+$0x9800];
	[tilespmem:s21+$0x7000] =	vst v17  }
0x6c: {  	v16 =	vmul.f32 v35, v16;
	v37 =	vld [tilespmem:s23+$0x7000]  }
0x6d: {  	v35 =	vld [tilespmem:s23+$0x97F0]  }
0x6e: {  	[tilespmem:s21+$0x6FF0] =	vst v16;
	s21 =	smov.u32 s23  }
0x6f: {  	v17 =	vld [tilespmem:s21+$0xC000]  }
0x70: {  	v16 =	vld [tilespmem:s21+$0xBFF0];
	_ =	sdelay $0x1  }
0x71: {  	v36 =	vadd.f32 v36, v37  }
0x72: {  	v37 =	vld [tilespmem:s21+$0x6FF0]  }
0x73: {  	v36 =	vmul.f32 v36, v17;
	_ =	sdelay $0x1  }
0x74: {  	v36 =	vadd.f32 v36, v29;
	_ =	sdelay $0x1  }
0x75: {  	v37 =	vadd.f32 v35, v37;
	v35 =	vmax.f32 v36, $0.0e+00  }
0x76: {  	v44 =	vperm.xlane v35, v0;
	v38 =	vperm.xlane v35, v15  }
0x77: {  	v36 =	vmul.f32 v37, v16;
	v37 =	vperm.xlane v35, v2  }
0x78: {  	v39 =	vperm.xlane v35, v1;
	v42 =	vperm.xlane v35, v14  }
0x79: {  	v47 =	vperm.xlane v35, v12;
	v36 =	vadd.f32 v36, v29;
	v43 =	vmul.f32 v37, v22  }
0x7a: {  	v48 =	vperm.xlane v35, v13;
	v41 =	vmul.f32 v39, v31  }
0x7b: {  	v39 =	vperm.xlane v35, v10;
	v37 =	vperm.xlane v35, v3;
	v36 =	vmax.f32 v36, $0.0e+00  }
0x7c: {  	v46 =	vperm.xlane v35, v11;
	v45 =	vperm.xlane v36, v3  }
.Ltmp0:
0x7d: {  	v40 =	vmul.f32 v38, v26;
	v49 =	vmul.f32 v37, v33;
	(pc) =	sbr.rel @p3 .LBB2_2-.Ltmp0, $4  }
0x7e: {  	v37 =	vmul.f32 v39, v18;
	v50 =	vperm.xlane v36, v0  }
0x7f: {  	v38 =	vmul.f32 v46, v28;
	v46 =	vadd.f32 v49, v43;
	v39 =	vmul.f32 v45, v33  }
0x80: {  	v43 =	vmul.f32 v47, v23;
	v45 =	vmul.f32 v50, v32  }
0x81: {  	v47 =	vmul.f32 v44, v32;
	v44 =	vmul.f32 v48, v20  }
0x82: {  	v29 =	vperm.xlane v36, v1;
	v32 =	vperm.xlane v35, v8  }
0x83: {  	v33 =	vperm.xlane v35, v5;
	v42 =	vmul.f32 v42, v30  }
0x84: {  	v58 =	vperm.xlane v35, v9;
	v48 =	vperm.xlane v36, v2  }
0x85: {  	v49 =	vperm.xlane v36, v15;
	v50 =	vperm.xlane v35, v7  }
0x86: {  	v51 =	vperm.xlane v36, v9;
	v52 =	vperm.xlane v36, v13  }
0x87: {  	v53 =	vperm.xlane v36, v6;
	v54 =	vperm.xlane v36, v14  }
0x88: {  	v55 =	vperm.xlane v36, v5;
	v59 =	vperm.xlane v36, v11  }
0x89: {  	v60 =	vperm.xlane v36, v12;
	v61 =	vperm.xlane v36, v10  }
0x8a: {  	v62 =	vperm.xlane v36, v4;
	v56 =	vperm.xlane v36, v7  }
0x8b: {  	v29 =	vmul.f32 v29, v31;
	v32 =	vmul.f32 v32, v21  }
0x8c: {  	v31 =	vmul.f32 v58, v34;
	v33 =	vmul.f32 v33, v27  }
0x8d: {  	v27 =	vmul.f32 v55, v27;
	v22 =	vmul.f32 v48, v22  }
0x8e: {  	v28 =	vmul.f32 v59, v28;
	v26 =	vmul.f32 v49, v26  }
0x8f: {  	v37 =	vadd.f32 v38, v37;
	v34 =	vmul.f32 v51, v34;
	v63 =	vmul.f32 v53, v25  }
0x90: {  	v43 =	vadd.f32 v44, v43;
	v48 =	vperm.xlane v35, v4;
	v44 =	vmul.f32 v62, v19  }
0x91: {  	v41 =	vadd.f32 v41, v47;
	v49 =	vperm.xlane v36, v8;
	v51 =	vperm.xlane v35, v6  }
0x92: {  	v40 =	vadd.f32 v40, v42;
	v53 =	vmul.f32 v50, v24;
	v23 =	vmul.f32 v60, v23  }
0x93: {  	v58 =	vmul.f32 v54, v30;
	v59 =	vmul.f32 v56, v24;
	v41 =	vadd.f32 v46, v41  }
0x94: {  	v20 =	vmul.f32 v52, v20;
	v29 =	vadd.f32 v29, v45;
	v40 =	vadd.f32 v40, v43  }
0x95: {  	v18 =	vmul.f32 v61, v18;
	v22 =	vadd.f32 v39, v22;
	v31 =	vadd.f32 v31, v32  }
0x96: {  	v55 =	vmul.f32 v48, v19;
	v27 =	vadd.f32 v27, v44;
	v26 =	vadd.f32 v26, v58  }
0x97: {  	v57 =	vmul.f32 v51, v25;
	v20 =	vadd.f32 v20, v23;
	v18 =	vadd.f32 v28, v18  }
0x98: {  	v61 =	vmul.f32 v49, v21;
	v62 =	vadd.f32 v59, v63;
	v22 =	vadd.f32 v22, v29  }
0x99: {  	v19 =	vadd.f32 v33, v55;
	v25 =	vadd.f32 v53, v57  }
0x9a: {  	v60 =	vadd.f32 v37, v31;
	v21 =	vadd.f32 v34, v61  }
0x9b: {  	v20 =	vadd.f32 v26, v20;
	v19 =	vadd.f32 v25, v19  }
0x9c: {  	v23 =	vadd.f32 v62, v27;
	v18 =	vadd.f32 v18, v21  }
0x9d: {  	v63 =	vadd.f32 v40, v60;
	v19 =	vadd.f32 v19, v41  }
0x9e: {  	v22 =	vadd.f32 v23, v22;
	v18 =	vadd.f32 v20, v18  }
0x9f: {  	v19 =	vadd.f32 v63, v19  }
0xa0: {  	v18 =	vadd.f32 v18, v22  }
0xa1: {  	v17 =	vmul.f32 v19, v17  }
0xa2: {  	v16 =	vmul.f32 v18, v16  }
0xa3: {  	[tilespmem:s21+$0x7000] =	vst v17  }
0xa4: {  	[tilespmem:s21+$0x6FF0] =	vst v16  }
0xa5: {  	[spmem:s12] =	stream.linear.scatter [tilespmem:s19], [sflag:$0x5], $0x2800, $0x38;
	[tilespmem:$0x13910] =	vst v63  }
0xa6: {  	_ =	swait.ge [sflag:s16], $0x2800  }
0xa7: {  	[sflag:s16] =	ssyncset.done $0x0  }
0xa8: {  	s21 =	simm.s32 @!p2 $0x7000;
	[sflag:s16] =	ssyncadd.s32 $0xFFFFD800  }
0xa9: {  	[spmem:s13] =	stream.linear.scatter @!p2 [tilespmem:s21], [sflag:$0x5], $0x2800, $0x38;
	[tilespmem:$0x13910] =	vst v63  }
0xaa: {  	s21 =	simm.s32 @!p2 $0x5  }
0xab: {  	_ =	swait.ge @!p2 [sflag:s21], $0x2800  }
0xac: {  	[sflag:s21] =	ssyncset.done @!p2 $0x0  }
0xad: {  	[sflag:s21] =	ssyncadd.s32 @!p2 $0xFFFFD800  }
0xae: {  	s22 =	simm.s32 $0x0;
	[bflag:$0x0] =	sbarrier.arrive $0xFFFF  }
0xaf: {  	[tilespmem:s25], [sflag:$0x1] =	stream.indirect.gather [spmem:s3], $0x10, s22, s24, $0xb8;
	[tilespmem:$0x13910] =	vst v63  }
0xb0: {  	_ = 	snop  }
0xb1: {  	[tilespmem:s26], [sflag:$0x2] =	stream.indirect.gather [spmem:s3], $0x10, s24, s24, $0xb8;
	[tilespmem:$0x13910] =	vst v63  }
0xb2: {  	s23 =	simm.s32 $0x100  }
0xb3: {  	[tilespmem:s29], [sflag:$0x3] =	stream.indirect.gather [spmem:s3], $0x10, s23, s24, $0xb8;
	[tilespmem:$0x13910] =	vst v63  }
0xb4: {  	s22 =	simm.s32 $0x180  }
0xb5: {  	[tilespmem:s31], [sflag:$0x4] =	stream.indirect.gather [spmem:s3], $0x10, s22, s24, $0xb8;
	[tilespmem:$0x13910] =	vst v63  }
0xb6: {  	_ =	swait.ge [sflag:s0], $0x800  }
0xb7: {  	[sflag:s0] =	ssyncset.done $0x0  }
0xb8: {  	s23 =	simm.s32 $0x2800;
	[sflag:s0] =	ssyncadd.s32 $0xFFFFF800  }
0xb9: {  	[spmem:s2] =	stream.indirect.scatter.add.f32 [tilespmem:s25], [sflag:$0x5], $0x10, s23, s24, $0xb8;
	[tilespmem:$0x13910] =	vst v63  }
0xba: {  	_ =	swait.ge [sflag:s16], $0x800  }
0xbb: {  	[sflag:s16] =	ssyncset.done $0x0  }
0xbc: {  	s22 =	simm.s32 $0x200;
	[sflag:s16] =	ssyncadd.s32 $0xFFFFF800  }
0xbd: {  	[tilespmem:s25], [sflag:$0x1] =	stream.indirect.gather [spmem:s3], $0x10, s22, s24, $0xb8;
	[tilespmem:$0x13910] =	vst v63  }
0xbe: {  	_ =	swait.ge [sflag:s1], $0x800  }
0xbf: {  	[sflag:s1] =	ssyncset.done $0x0  }
0xc0: {  	s23 =	simm.s32 $0x2880;
	[sflag:s1] =	ssyncadd.s32 $0xFFFFF800  }
0xc1: {  	[spmem:s2] =	stream.indirect.scatter.add.f32 [tilespmem:s26], [sflag:$0x5], $0x10, s23, s24, $0xb8;
	[tilespmem:$0x13910] =	vst v63  }
0xc2: {  	_ =	swait.ge [sflag:s16], $0x800  }
0xc3: {  	[sflag:s16] =	ssyncset.done $0x0  }
0xc4: {  	s22 =	simm.s32 $0x280;
	[sflag:s16] =	ssyncadd.s32 $0xFFFFF800  }
0xc5: {  	[tilespmem:s26], [sflag:$0x2] =	stream.indirect.gather [spmem:s3], $0x10, s22, s24, $0xb8;
	[tilespmem:$0x13910] =	vst v63  }
0xc6: {  	_ =	swait.ge [sflag:s17], $0x800  }
0xc7: {  	[sflag:s17] =	ssyncset.done $0x0  }
0xc8: {  	s23 =	simm.s32 $0x2900;
	[sflag:s17] =	ssyncadd.s32 $0xFFFFF800  }
0xc9: {  	[spmem:s2] =	stream.indirect.scatter.add.f32 [tilespmem:s29], [sflag:$0x5], $0x10, s23, s24, $0xb8;
	[tilespmem:$0x13910] =	vst v63  }
0xca: {  	_ =	swait.ge [sflag:s16], $0x800  }
0xcb: {  	[sflag:s16] =	ssyncset.done $0x0  }
0xcc: {  	s22 =	simm.s32 $0x300;
	[sflag:s16] =	ssyncadd.s32 $0xFFFFF800  }
0xcd: {  	[tilespmem:s29], [sflag:$0x3] =	stream.indirect.gather [spmem:s3], $0x10, s22, s24, $0xb8;
	[tilespmem:$0x13910] =	vst v63  }
0xce: {  	_ =	swait.ge [sflag:s20], $0x800  }
0xcf: {  	[sflag:s20] =	ssyncset.done $0x0  }
0xd0: {  	s23 =	simm.s32 $0x2980;
	[sflag:s20] =	ssyncadd.s32 $0xFFFFF800  }
0xd1: {  	[spmem:s2] =	stream.indirect.scatter.add.f32 [tilespmem:s31], [sflag:$0x5], $0x10, s23, s24, $0xb8;
	[tilespmem:$0x13910] =	vst v63  }
0xd2: {  	_ =	swait.ge [sflag:s16], $0x800  }
0xd3: {  	[sflag:s16] =	ssyncset.done $0x0  }
0xd4: {  	s21 =	simm.s32 $0x800;
	s22 =	simm.s32 $0x380;
	[sflag:s16] =	ssyncadd.s32 $0xFFFFF800  }
.LBB2_4:
0xd5: {  	[tilespmem:s31], [sflag:$0x4] =	stream.indirect.gather [spmem:s3], $0x10, s22, s24, $0xb8;
	[tilespmem:$0x13910] =	vst v63  }
0xd6: {  	s22 =	smov.u32 s21  }
0xd7: {  	p3 =	sne.s32 s21, $0x9000;
	s21 =	sadd.s32 $0x800, s21;
	_ =	swait.ge [sflag:s0], $0x800  }
0xd8: {  	s22 =	sshra.s32 s22, $0x2;
	[sflag:s0] =	ssyncset.done $0x0  }
0xd9: {  	s23 =	sadd.s32 $0x2800, s22;
	[sflag:s0] =	ssyncadd.s32 $0xFFFFF800  }
0xda: {  	[spmem:s2] =	stream.indirect.scatter.add.f32 [tilespmem:s25], [sflag:$0x5], $0x10, s23, s24, $0xb8;
	[tilespmem:$0x13910] =	vst v63  }
0xdb: {  	_ =	swait.ge [sflag:s16], $0x800  }
0xdc: {  	[sflag:s16] =	ssyncset.done $0x0  }
0xdd: {  	s23 =	sadd.s32 $0x200, s22;
	[sflag:s16] =	ssyncadd.s32 $0xFFFFF800  }
0xde: {  	[tilespmem:s25], [sflag:$0x1] =	stream.indirect.gather [spmem:s3], $0x10, s23, s24, $0xb8;
	[tilespmem:$0x13910] =	vst v63  }
0xdf: {  	_ =	swait.ge [sflag:s1], $0x800  }
0xe0: {  	[sflag:s1] =	ssyncset.done $0x0  }
0xe1: {  	s23 =	sadd.s32 $0x2880, s22;
	[sflag:s1] =	ssyncadd.s32 $0xFFFFF800  }
0xe2: {  	[spmem:s2] =	stream.indirect.scatter.add.f32 [tilespmem:s26], [sflag:$0x5], $0x10, s23, s24, $0xb8;
	[tilespmem:$0x13910] =	vst v63  }
0xe3: {  	_ =	swait.ge [sflag:s16], $0x800  }
0xe4: {  	[sflag:s16] =	ssyncset.done $0x0  }
0xe5: {  	s23 =	sadd.s32 $0x280, s22;
	[sflag:s16] =	ssyncadd.s32 $0xFFFFF800  }
0xe6: {  	[tilespmem:s26], [sflag:$0x2] =	stream.indirect.gather [spmem:s3], $0x10, s23, s24, $0xb8;
	[tilespmem:$0x13910] =	vst v63  }
0xe7: {  	_ =	swait.ge [sflag:s17], $0x800  }
0xe8: {  	[sflag:s17] =	ssyncset.done $0x0  }
0xe9: {  	s23 =	sadd.s32 $0x2900, s22;
	[sflag:s17] =	ssyncadd.s32 $0xFFFFF800  }
0xea: {  	[spmem:s2] =	stream.indirect.scatter.add.f32 [tilespmem:s29], [sflag:$0x5], $0x10, s23, s24, $0xb8;
	[tilespmem:$0x13910] =	vst v63  }
0xeb: {  	_ =	swait.ge [sflag:s16], $0x800  }
0xec: {  	[sflag:s16] =	ssyncset.done $0x0  }
0xed: {  	s23 =	sadd.s32 $0x300, s22;
	[sflag:s16] =	ssyncadd.s32 $0xFFFFF800  }
0xee: {  	[tilespmem:s29], [sflag:$0x3] =	stream.indirect.gather [spmem:s3], $0x10, s23, s24, $0xb8;
	[tilespmem:$0x13910] =	vst v63  }
0xef: {  	_ =	swait.ge [sflag:s20], $0x800  }
0xf0: {  	[sflag:s20] =	ssyncset.done $0x0  }
.Ltmp1:
0xf1: {  	s23 =	sadd.s32 $0x2980, s22;
	[sflag:s20] =	ssyncadd.s32 $0xFFFFF800;
	(pc) =	sbr.rel @p3 .LBB2_4-.Ltmp1, $4  }
0xf2: {  	[spmem:s2] =	stream.indirect.scatter.add.f32 [tilespmem:s31], [sflag:$0x5], $0x10, s23, s24, $0xb8;
	[tilespmem:$0x13910] =	vst v63  }
0xf3: {  	_ =	swait.ge [sflag:s16], $0x800  }
0xf4: {  	[sflag:s16] =	ssyncset.done $0x0  }
0xf5: {  	s22 =	sadd.s32 $0x380, s22;
	[sflag:s16] =	ssyncadd.s32 $0xFFFFF800  }
0xf6: {  	[tilespmem:s31], [sflag:$0x4] =	stream.indirect.gather [spmem:s3], $0x10, s22, s24, $0xb8;
	[tilespmem:$0x13910] =	vst v63  }
0xf7: {  	_ =	swait.ge [sflag:s0], $0x800  }
0xf8: {  	[sflag:s0] =	ssyncset.done $0x0  }
0xf9: {  	s21 =	simm.s32 $0x4E00;
	[sflag:s0] =	ssyncadd.s32 $0xFFFFF800  }
0xfa: {  	[spmem:s2] =	stream.indirect.scatter.add.f32 [tilespmem:s25], [sflag:$0x5], $0x10, s21, s24, $0xb8;
	[tilespmem:$0x13910] =	vst v63  }
0xfb: {  	_ =	swait.ge [sflag:s16], $0x800  }
0xfc: {  	[sflag:s16] =	ssyncset.done $0x0  }
0xfd: {  	[sflag:s16] =	ssyncadd.s32 $0xFFFFF800  }
0xfe: {  	_ =	swait.ge [sflag:s1], $0x800  }
0xff: {  	[sflag:s1] =	ssyncset.done $0x0  }
0x100: {  	s22 =	simm.s32 $0x4E80;
	[sflag:s1] =	ssyncadd.s32 $0xFFFFF800  }
0x101: {  	[spmem:s2] =	stream.indirect.scatter.add.f32 [tilespmem:s26], [sflag:$0x5], $0x10, s22, s24, $0xb8;
	[tilespmem:$0x13910] =	vst v63  }
0x102: {  	_ =	swait.ge [sflag:s16], $0x800  }
0x103: {  	[sflag:s16] =	ssyncset.done $0x0  }
0x104: {  	[sflag:s16] =	ssyncadd.s32 $0xFFFFF800  }
0x105: {  	_ =	swait.ge [sflag:s17], $0x800  }
0x106: {  	[sflag:s17] =	ssyncset.done $0x0  }
0x107: {  	s23 =	simm.s32 $0x4F00;
	[sflag:s17] =	ssyncadd.s32 $0xFFFFF800  }
0x108: {  	[spmem:s2] =	stream.indirect.scatter.add.f32 [tilespmem:s29], [sflag:$0x5], $0x10, s23, s24, $0xb8;
	[tilespmem:$0x13910] =	vst v63  }
0x109: {  	_ =	swait.ge [sflag:s16], $0x800  }
0x10a: {  	[sflag:s16] =	ssyncset.done $0x0  }
0x10b: {  	[sflag:s16] =	ssyncadd.s32 $0xFFFFF800  }
0x10c: {  	_ =	swait.ge [sflag:s20], $0x800  }
0x10d: {  	[sflag:s20] =	ssyncset.done $0x0  }
0x10e: {  	[sflag:s20] =	ssyncadd.s32 $0xFFFFF800  }
0x10f: {  	[spmem:s2] =	stream.indirect.scatter.add.f32 [tilespmem:s31], [sflag:$0x5], $0x10, s28, s24, $0xb8;
	[tilespmem:$0x13910] =	vst v63  }
0x110: {  	_ =	swait.ge [sflag:s16], $0x800  }
0x111: {  	s30 =	sadd.s32 $0x1, s30;
	[sflag:s16] =	ssyncset.done $0x0  }
0x112: {  	p3 =	sne.s32 s30, s15;
	[sflag:s16] =	ssyncadd.s32 $0xFFFFF800  }
0x113: {  	s21 =	sshrl.u32 @!p1 s2, $0x3;
	s22 =	simm.s32 @!p1 $0x1C05;
	[bflag:$0x0] =	sbarrier.arrive $0xFFFF  }
0x114: {  	[hbm:s14], [sflag:s22] =	dma.local @!p1 [spmem:s21], $0x5000  }
.Ltmp2:
0x115: {  	_ = 	snop;
	(pc) =	sbr.rel @p3 .LBB2_1-.Ltmp2, $4  }
0x116: {  	s21 =	simm.s32 @!p1 $0x5  }
0x117: {  	_ =	swait.ge @!p1 [sflag:s21], $0x5000  }
0x118: {  	[sflag:s21] =	ssyncset.done @!p1 $0x0  }
0x119: {  	[sflag:s21] =	ssyncadd.s32 @!p1 $0xFFFFB000  }
0x11a: {  	_ =	sfence.sel $0x180000  }
0x11b: {  	[bflag:$0x0] =	sbarrier.arrive $0xFFFF  }
0x11c: {  	_ =	strace $0x9000004D  }
0x11d: {  	[bflag:$0x2] =	sbarrier.arrive $0xFFFF  }
0x11e: {  	s0 =	rddreg [dreg:$0x4]  }
0x11f: {  	s0 =	sadd.s32 @!p1 $0x100000, s0  }
0x120: {  	[sflag:s0] =	ssyncadd.tile.s32 @!p1 $0x1;
	_ =	shalt  }
.Lfunc_end2:
_tile_overlayer_lowered:
.L_overlay_start_2:
0x121: {  	(tag) =	ssettag $0x2  }
0x122: {  	s0 =	rddreg [dreg:$0x0];
	s2 =	stileid.u32  }
0x123: {  	s1 =	rddreg [dreg:$0x1];
	p0 =	sne.s32 s2, $0x0  }
0x124: {  	s3 =	rddreg [dreg:$0x2];
	[bflag:$0x3] =	sbarrier.arrive $0xFFFF;
	s2 =	simm.s32 @!p0 $0x1C05  }
0x125: {  	[timem:s3], [sflag:s2] =	dma.local @!p0 [hbm:s0], s1  }
0x126: {  	s0 =	simm.s32 @!p0 $0x5  }
0x127: {  	_ =	swait.ge @!p0 [sflag:s0], s1  }
0x128: {  	s1 =	ssub.s32 @!p0 $0x0, s1;
	[sflag:s0] =	ssyncset.done @!p0 $0x0  }
0x129: {  	[sflag:s0] =	ssyncadd.s32 @!p0 s1  }
0x12a: {  	[bflag:$0x3] =	sbarrier.arrive $0xFFFF  }
0x12b: {  	_ =	shalt  }

// kernel: kernel.16.cloned.1.call-start
scs
__scs_entry_jumppad:
0x0: {  	(pc) =	sbr.rel $0x88, $3  }
0x1: {  	(tag) =	ssettag $0x0;
	lr =	simm.s32 $0x1  }
0x2: {  	[smem:$0x3F9B] =	sst lr;
	_ =	strace $0xD0000000  }
0x3: {  	_ = 	snop  }
0x4: {  	_ = 	snop  }
0x5: {  	_ = 	snop  }
0x6: {  	_ = 	snop  }
0x7: {  	_ = 	snop  }
__scs_overlays_trampoline_lowered:
0x8: {  	[smem:$0x3FAA] =	sst s0  }
0x9: {  	[smem:$0x3FAB] =	sst s1  }
0xa: {  	[smem:$0x3FAC] =	sst s2  }
0xb: {  	[smem:$0x3FAD] =	sst s3  }
0xc: {  	[smem:$0x3FAE] =	sst s4  }
0xd: {  	[smem:$0x3FAF] =	sst s5  }
0xe: {  	[smem:$0x3FB0] =	sst s6  }
0xf: {  	[smem:$0x3FB1] =	sst s7  }
0x10: {  	[smem:$0x3FB2] =	sst s8  }
0x11: {  	[smem:$0x3FB3] =	sst s9;
	s0 =	simm.s32 @!p0 $0x0  }
0x12: {  	s1 =	sld [smem:$0x3F99];
	s0 =	simm.s32 @p0 $0x1  }
0x13: {  	[smem:$0x3FB4] =	sst s0;
	s0 =	simm.s32 @!p1 $0x0  }
0x14: {  	s2 =	sld [smem:$0x3F98];
	s0 =	simm.s32 @p1 $0x1  }
0x15: {  	[smem:$0x3FB5] =	sst s0;
	s0 =	simm.s32 @!p2 $0x0  }
0x16: {  	s3 =	sld [smem:$0x3FDB];
	s0 =	simm.s32 @p2 $0x1  }
0x17: {  	s4 =	simm.s32 $0x1BF5;
	[smem:$0x3FB7] =	sst s0  }
0x18: {  	s0 =	sld [smem:$0x3F9A];
	_ =	swait.ge [sflag:s4], $0x0  }
0x19: {  	s7 =	sld [smem:$0x3F9B]  }
0x1a: {  	s8 =	sadd.s32 $0xFFFFE003, lr  }
0x1b: {  	s9 =	sadd.s32 $0xFFFFFEF7, lr;
	s5 =	simm.s32 $0xFFFFFFFF;
	p2 =	slt.u32 s8, $0xFFFFF086  }
0x1c: {  	p1 =	slt.u32 s9, $0xF7A;
	s5 =	simm.s32 @!p2 $0x0  }
0x1d: {  	s5 =	simm.s32 @p1 $0x1;
	p0 =	seq.s32 s7, s2  }
0x1e: {  	s7 =	smul.u32 @!p0 $0xF7A, s2;
	p2 =	seq.s32 @!p0 s5, $0x0  }
0x1f: {  	s9 =	smul.u32 $0xF7A, s1;
	s8 =	simm.s32 @!p0 $0x1BF5;
	p2 =	por !p2, p0  }
0x20: {  	[sflag:s8] =	ssyncset.s32 @!p0 $0xFFFFF086;
	s6 =	sadd.s32 @!p0 s3, s7;
	s7 =	simm.s32 @!p0 $0x108  }
0x21: {  	s3 =	sadd.s32 s3, s9;
	s6 =	sadd.s32 @!p0 $0x88, s6;
	s7 =	simm.s32 @p2 $0x1082  }
0x22: {  	[simem:s7], [sflag:s8] =	dma.local @!p0 [hbm:s6], $0xF7A  }
0x23: {  	s9 =	sor.u32 $0xD0000000, s2;
	s6 =	simm.s32 $0x108;
	_ =	swait.ge @!p0 [sflag:s8], $0x0  }
0x24: {  	s3 =	sadd.s32 $0x88, s3;
	s6 =	simm.s32 @!p1 $0x1082;
	[sflag:s4] =	ssyncset.s32 $0xFFFFF086  }
0x25: {  	[simem:s6], [sflag:s4] =	dma.local [hbm:s3], $0xF7A  }
0x26: {  	[smem:$0x3F9B] =	sst s1;
	(tag) =	ssettag s2;
	_ =	strace s9  }
0x27: {  	s1 =	sld [smem:$0x3FAB]  }
0x28: {  	s2 =	sld [smem:$0x3FAC]  }
0x29: {  	s4 =	sld [smem:$0x3FAE]  }
0x2a: {  	p0 =	seq.s32 s5, $0x0;
	s5 =	sld [smem:$0x3FAF]  }
0x2b: {  	s6 =	sld [smem:$0x3FB0]  }
0x2c: {  	s7 =	sld [smem:$0x3FB1]  }
0x2d: {  	s3 =	simm.s32 $0x108;
	s8 =	sld [smem:$0x3FB2]  }
0x2e: {  	s3 =	simm.s32 @!p0 $0x1082;
	s9 =	sld [smem:$0x3FB3]  }
0x2f: {  	lr =	sadd.s32 s0, s3;
	s0 =	sld [smem:$0x3FAA]  }
0x30: {  	s3 =	sld [smem:$0x3FAD]  }
0x31: {  	[smem:$0x3FB6] =	sst s10  }
0x32: {  	s10 =	sld [smem:$0x3FB4];
	_ =	sdelay $0x3  }
0x33: {  	p0 =	seq.s32 s10, $0x1;
	s10 =	sld [smem:$0x3FB6];
	_ =	sdelay $0x3  }
0x34: {  	[smem:$0x3FB6] =	sst s10  }
0x35: {  	s10 =	sld [smem:$0x3FB5];
	_ =	sdelay $0x3  }
0x36: {  	p1 =	seq.s32 s10, $0x1;
	s10 =	sld [smem:$0x3FB6];
	_ =	sdelay $0x3  }
0x37: {  	[smem:$0x3FB6] =	sst s10  }
0x38: {  	s10 =	sld [smem:$0x3FB7]  }
0x39: {  	_ = 	snop;
	(pc) =	sbr.ind lr, $3  }
0x3a: {  	_ = 	snop  }
0x3b: {  	_ = 	snop  }
0x3c: {  	p2 =	seq.s32 s10, $0x1;
	s10 =	sld [smem:$0x3FB6]  }
0x3d: {  	_ =	shalt  }
0x3e: {  	_ =	shalt  }
0x3f: {  	_ =	shalt  }
0x40: {  	_ =	shalt  }
0x41: {  	_ =	shalt  }
0x42: {  	_ =	shalt  }
0x43: {  	_ =	shalt  }
0x44: {  	_ =	shalt  }
0x45: {  	_ =	shalt  }
0x46: {  	_ =	shalt  }
0x47: {  	_ =	shalt  }
0x48: {  	_ =	shalt  }
0x49: {  	_ =	shalt  }
0x4a: {  	_ =	shalt  }
0x4b: {  	_ =	shalt  }
0x4c: {  	_ =	shalt  }
0x4d: {  	_ =	shalt  }
0x4e: {  	_ =	shalt  }
0x4f: {  	_ =	shalt  }
0x50: {  	_ =	shalt  }
0x51: {  	_ =	shalt  }
0x52: {  	_ =	shalt  }
0x53: {  	_ =	shalt  }
0x54: {  	_ =	shalt  }
0x55: {  	_ =	shalt  }
0x56: {  	_ =	shalt  }
0x57: {  	_ =	shalt  }
0x58: {  	_ =	shalt  }
0x59: {  	_ =	shalt  }
0x5a: {  	_ =	shalt  }
0x5b: {  	_ =	shalt  }
0x5c: {  	_ =	shalt  }
0x5d: {  	_ =	shalt  }
0x5e: {  	_ =	shalt  }
0x5f: {  	_ =	shalt  }
0x60: {  	_ =	shalt  }
0x61: {  	_ =	shalt  }
0x62: {  	_ =	shalt  }
0x63: {  	_ =	shalt  }
0x64: {  	_ =	shalt  }
0x65: {  	_ =	shalt  }
0x66: {  	_ =	shalt  }
0x67: {  	_ =	shalt  }
0x68: {  	_ =	shalt  }
0x69: {  	_ =	shalt  }
0x6a: {  	_ =	shalt  }
0x6b: {  	_ =	shalt  }
0x6c: {  	_ =	shalt  }
0x6d: {  	_ =	shalt  }
0x6e: {  	_ =	shalt  }
0x6f: {  	_ =	shalt  }
0x70: {  	_ =	shalt  }
0x71: {  	_ =	shalt  }
0x72: {  	_ =	shalt  }
0x73: {  	_ =	shalt  }
0x74: {  	_ =	shalt  }
0x75: {  	_ =	shalt  }
0x76: {  	_ =	shalt  }
0x77: {  	_ =	shalt  }
0x78: {  	_ =	shalt  }
0x79: {  	_ =	shalt  }
0x7a: {  	_ =	shalt  }
0x7b: {  	_ =	shalt  }
0x7c: {  	_ =	shalt  }
0x7d: {  	_ =	shalt  }
0x7e: {  	_ =	shalt  }
0x7f: {  	_ =	shalt  }
0x80: {  	_ =	shalt  }
0x81: {  	_ =	shalt  }
0x82: {  	_ =	shalt  }
0x83: {  	_ =	shalt  }
0x84: {  	_ =	shalt  }
0x85: {  	_ =	shalt  }
0x86: {  	_ =	shalt  }
0x87: {  	_ =	shalt  }
.Lfunc_end0:
.L_simem_size_0:
called_computation.3_lowered:
.L_overlay_start_0:
0x88: {  	s2 =	sld [smem:$0x3FD9]  }
0x89: {  	s3 =	sld [smem:$0x3FFE];
	_ =	sdelay $0x1  }
0x8a: {  	s1 =	srdreg.scid  }
0x8b: {  	s0 =	sand.u32 $0x1, s1  }
0x8c: {  	s17 =	sshll.u32 s0, $0xA;
	s2 =	sadd.s32 s3, s2  }
0x8d: {  	s2 =	sadd.s32 s2, s17  }
0x8e: {  	[smem:$0x3FC2] =	sst s2  }
0x8f: {  	_ = 	snop  }
0x90: {  	s2 =	sld [smem:$0x3FC4]  }
0x91: {  	s18 =	sld [smem:$0x3FD0];
	(tm) =	ssettm $0x1  }
0x92: {  	s4 =	sld [smem:$0x3FFB];
	_ =	sdelay $0x3  }
0x93: {  	_ =	strace s4  }
0x94: {  	s4 =	sld [smem:$0x3FFC];
	_ =	sdelay $0x3  }
0x95: {  	_ =	strace s4  }
0x96: {  	s4 =	sld [smem:$0x3FFD];
	_ =	sdelay $0x3  }
0x97: {  	_ =	strace s4  }
0x98: {  	_ =	strace $0x8FFFFFFF  }
0x99: {  	s19 =	sld [smem:$0x3FDB];
	_ =	sdelay $0x1  }
0x9a: {  	s5 =	simm.s32 $_scs_section_size  }
0x9b: {  	s6 =	simm.s32 $_size__tile_overlayer_lowered;
	s7 =	simm.s32 $_tile_overlayer_lowered  }
0x9c: {  	s22 =	simm.s32 $0x1BFF;
	s21 =	sshll.u32 s7, $0x1;
	s4 =	sadd.s32 s5, s19  }
0x9d: {  	s8 =	simm.s32 $0x0;
	s20 =	sshll.u32 s6, $0x1;
	s6 =	sadd.s32 s21, s4  }
0x9e: {  	[timem:s8], [sflag:s22] =	dma.local [hbm:s6], s20  }
0x9f: {  	_ =	swait.ge [sflag:s22], s20  }
0xa0: {  	s5 =	ssub.s32 $0x0, s20;
	[sflag:s22] =	ssyncset.done $0x0  }
0xa1: {  	[sflag:s22] =	ssyncadd.s32 s5;
	_ =	sdelay $0x1  }
0xa2: {  	s23 =	simm.s32 $0x1B8B  }
0xa3: {  	_ =	swait.ge [sflag:s23], $0x1  }
0xa4: {  	[sflag:s23] =	ssyncset.done $0x0  }
0xa5: {  	s25 =	simm.s32 $0x1B8E;
	s24 =	sld [smem:$0x3FFE];
	[sflag:s23] =	ssyncadd.s32 $0xFFFFFFFF  }
0xa6: {  	s26 =	simm.s32 $execute0_lowered;
	[smem:$0x3FD2] =	sst s25  }
0xa7: {  	s6 =	sshll.u32 s26, $0x1;
	_ =	strace $0x8000004F;
	[dreg:$0x1] =	wrdreg $0xFFFFFFFF  }
0xa8: {  	s28 =	simm.s32 $_size_execute0_lowered;
	s4 =	sadd.s32 s4, s6;
	[dreg:$0x0] =	wrdreg $0x0  }
0xa9: {  	s6 =	sshll.u32 s28, $0x1;
	[dreg:$0x2] =	wrdreg s4  }
0xaa: {  	[dreg:$0x3] =	wrdreg s6  }
0xab: {  	[dreg:$0x4] =	wrdreg $0xC0  }
0xac: {  	_ =	task [dreg:s8], $0x5FFFF  }
0xad: {  	[dreg:$0x1] =	wrdreg $0xFFFFFFFF  }
0xae: {  	[dreg:$0x0] =	wrdreg $0x60  }
0xaf: {  	[dreg:$0x2] =	wrdreg s24  }
0xb0: {  	[dreg:$0x3] =	wrdreg s2  }
0xb1: {  	[dreg:$0x4] =	wrdreg s18  }
0xb2: {  	[dreg:$0x5] =	wrdreg $0x9  }
0xb3: {  	_ =	task.clear_ibuf [dreg:s8], $0x6FFFF;
	_ =	strace $0x9000004F  }
0xb4: {  	s29 =	simm.s32 $0x9;
	_ =	strace $0x80000051  }
0xb5: {  	_ =	swait.ge [sflag:s29], $0x1  }
0xb6: {  	[sflag:s29] =	ssyncadd.s32 $0xFFFFFFFF  }
0xb7: {  	_ =	strace $0x90000051  }
0xb8: {  	_ =	sfence  }
0xb9: {  	s30 =	sld [smem:$0x0];
	_ =	sdelay $0x2  }
0xba: {  	s31 =	sshll.u32 s1, $0xD;
	s1 =	sshrl.u32 s1, $0x2  }
0xbb: {  	s3 =	sand.u32 $0x4000, s31;
	s1 =	sadd.s32 s1, s30  }
0xbc: {  	s0 =	sor.u32 s3, s0;
	s1 =	sshll.u32 s1, $0x11  }
0xbd: {  	s0 =	sor.u32 s1, s0  }
0xbe: {  	s0 =	sadd.s32 $0x8F2B, s0  }
0xbf: {  	[sflag:s0] =	ssyncadd.remote.s32 $0x1  }
0xc0: {  	_ =	sfence.sel $0xFFFF  }
0xc1: {  	[dreg:$0x0] =	wrdreg $0xFFFFFFFF;
	(pc) =	sbr.abs _section_cstart, $3  }
0xc2: {  	[dreg:$0x1] =	wrdreg $0xFFFFFFFF  }
0xc3: {  	_ =	task.clear_ibuf [dreg:s8], $0x2FFFF;
	_ =	strace $0x9FFFFFFF  }
0xc4: {  	(tm) =	ssettm $0x7FFFFFFF  }
0xc5: {  	_ =	shalt  }
tec
execute0_lowered:
.L_overlay_start_1:
0x0: {  	(tag) =	ssettag $0x1  }
0x1: {  	s4 =	rddreg [dreg:$0x0]  }
0x2: {  	s1 =	srdreg.scid;
	s2 =	rddreg [dreg:$0x1]  }
0x3: {  	s0 =	stileid.u32;
	s7 =	rddreg [dreg:$0x2];
	s3 =	simm.s32 $0x0  }
0x4: {  	s11 =	simm.s32 $0x2800;
	s5 =	sand.u32 $0x1, s1;
	s30 =	sshll.u32 s0, $0x1  }
0x5: {  	s12 =	simm.s32 $0x5000;
	s13 =	simm.s32 $0x3C00;
	s14 =	sor.u32 s5, s30  }
0x6: {  	[smem:$0x7FF] =	sst s3;
	s5 =	ssub.s32 $0x2, s5;
	s6 =	smul.u32 $0x1400, s14  }
0x7: {  	s1 =	rddreg [dreg:$0x3];
	_ =	strace $0x80000050;
	s31 =	sshrl.u32 s5, $0x1  }
0x8: {  	p0 =	seq.s32 s14, $0x1F;
	s14 =	simm.s32 $0x0;
	s8 =	sshrl.u32 s6, $0x3  }
0x9: {  	s10 =	ssub.s32 s5, s31;
	s9 =	sadd.s32 s8, s4;
	s7 =	sadd.s32 s7, s8  }
0xa: {  	v0 =	vlaneseq.u32;
	s8 =	smax.u32 s10, $0x1;
	s10 =	simm.s32 $0x1400;
	s4 =	sadd.s32 $0x2F800, s9  }
0xb: {  	v0 =	vmul.u32 $0x10, v0;
	s5 =	sadd.s32 $0x34800, s9;
	s6 =	sadd.s32 $0x2A800, s9;
	s9 =	simm.s32 $0x1  }
.LBB2_1:
0xc: {  	[tilespmem:s3], [sflag:$0x1] =	stream.linear.gather [hbm4b:s4+s3], $0x1400, $0x38;
	[tilespmem:$0x5010] =	vst v63  }
0xd: {  	_ =	swait.ge [sflag:s9], $0x1400  }
0xe: {  	[sflag:s9] =	ssyncset.done $0x0  }
0xf: {  	[sflag:s9] =	ssyncadd.s32 $0xFFFFEC00  }
0x10: {  	[tilespmem:s10], [sflag:$0x1] =	stream.linear.gather [hbm4b:s5+s3], $0x1400, $0x38;
	[tilespmem:$0x5010] =	vst v63  }
0x11: {  	_ =	swait.ge [sflag:s9], $0x1400  }
0x12: {  	[sflag:s9] =	ssyncset.done $0x0  }
0x13: {  	[sflag:s9] =	ssyncadd.s32 $0xFFFFEC00  }
0x14: {  	[tilespmem:s11], [sflag:$0x1] =	stream.linear.gather [hbm4b:s6+s3], $0x1400, $0x38;
	[tilespmem:$0x5010] =	vst v63  }
0x15: {  	_ =	swait.ge [sflag:s9], $0x1400  }
0x16: {  	[sflag:s9] =	ssyncset.done $0x0  }
0x17: {  	[sflag:s9] =	ssyncadd.s32 $0xFFFFEC00  }
0x18: {  	[tilespmem:s12], [sflag:$0x1] =	stream.linear.gather [hbm4b:s2+s3], $0x10, $0x38;
	[tilespmem:$0x5010] =	vst v63  }
0x19: {  	_ =	swait.ge [sflag:s9], $0x10  }
0x1a: {  	[sflag:s9] =	ssyncset.done $0x0  }
0x1b: {  	[sflag:s9] =	ssyncadd.s32 $0xFFFFFFF0  }
0x1c: {  	s15 =	simm.s32 $0x0;
	v1 =	vld [tilespmem:$0x5000]  }
0x1d: {  	s16 =	simm.s32 $0x40;
	v2 =	vld [tilespmem:s15+$0x1400]  }
.LBB2_2:
0x1e: {  	p1 =	sne.s32 s16, $0x4FC0;
	v3 =	vld [tilespmem:s15+$0x0];
	_ =	sdelay $0x1  }
0x1f: {  	v4 =	vld [tilespmem:s15+$0x2800];
	_ =	sdelay $0x2  }
0x20: {  	v2 =	vadd.f32 v2, v3;
	_ =	sdelay $0x1  }
.Ltmp0:
0x21: {  	v2 =	vmul.f32 v2, v4;
	(pc) =	sbr.rel @p1 .LBB2_2-.Ltmp0, $4  }
0x22: {  	_ = 	snop  }
0x23: {  	v3 =	vadd.f32 v2, v1  }
0x24: {  	s17 =	sshra.s32 s16, $0x2  }
0x25: {  	s16 =	sadd.s32 $0x40, s16;
	v2 =	vld [tilespmem:s17+$0x1400];
	[tilespmem:s15+$0x0] =	vst v3;
	s15 =	smov.u32 s17  }
0x26: {  	v3 =	vld [tilespmem:s15+$0x0];
	_ =	sdelay $0x1  }
0x27: {  	v4 =	vld [tilespmem:s15+$0x2800];
	_ =	sdelay $0x1  }
0x28: {  	s16 =	simm.s32 $0x0  }
0x29: {  	v2 =	vadd.f32 v2, v3;
	v3 =	vmov s16  }
0x2a: {  	v3 =	vshll.u32 v3, $0x4  }
0x2b: {  	v2 =	vmul.f32 v2, v4;
	v12 =	vor.u32 v0, v3  }
0x2c: {  	v13 =	vor.u32 $0x1, v12  }
0x2d: {  	v14 =	vor.u32 $0x2, v12;
	v1 =	vadd.f32 v2, v1  }
0x2e: {  	v5 =	vor.u32 $0x3, v12  }
0x2f: {  	v6 =	vor.u32 $0x4, v12;
	[tilespmem:s15+$0x0] =	vst v1  }
0x30: {  	v7 =	vor.u32 $0x5, v12;
	v17 =	vld.idx.msk [tilespmem:v12+s3+$0x0], $0xffff  }
0x31: {  	v8 =	vor.u32 $0x6, v12;
	v18 =	vld.idx.msk [tilespmem:v13+s3+$0x0], $0xffff  }
0x32: {  	v9 =	vor.u32 $0x7, v12;
	v19 =	vld.idx.msk [tilespmem:v14+s3+$0x0], $0xffff  }
0x33: {  	v10 =	vor.u32 $0x8, v12;
	v20 =	vld.idx.msk [tilespmem:v5+s3+$0x0], $0xffff  }
0x34: {  	v11 =	vor.u32 $0x9, v12;
	v21 =	vld.idx.msk [tilespmem:v6+s3+$0x0], $0xffff  }
0x35: {  	v3 =	vor.u32 $0xA, v12;
	v22 =	vld.idx.msk [tilespmem:v7+s3+$0x0], $0xffff  }
0x36: {  	v1 =	vor.u32 $0xB, v12;
	v23 =	vld.idx.msk [tilespmem:v8+s3+$0x0], $0xffff;
	v4 =	vmax.f32 v17, v18  }
0x37: {  	v2 =	vor.u32 $0xC, v12;
	v24 =	vld.idx.msk [tilespmem:v9+s3+$0x0], $0xffff;
	v15 =	vmax.f32 v4, v19  }
0x38: {  	v25 =	vld.idx.msk [tilespmem:v10+s3+$0x0], $0xffff;
	v4 =	vor.u32 $0xD, v12;
	v16 =	vmax.f32 v15, v20  }
0x39: {  	v26 =	vld.idx.msk [tilespmem:v11+s3+$0x0], $0xffff;
	v15 =	vor.u32 $0xE, v12;
	v27 =	vmax.f32 v16, v21  }
0x3a: {  	v28 =	vld.idx.msk [tilespmem:v3+s3+$0x0], $0xffff;
	v16 =	vor.u32 $0xF, v12;
	v27 =	vmax.f32 v27, v22  }
0x3b: {  	v31 =	vld.idx.msk [tilespmem:v1+s3+$0x0], $0xffff;
	v27 =	vmax.f32 v27, v23  }
0x3c: {  	v32 =	vld.idx.msk [tilespmem:v2+s3+$0x0], $0xffff;
	v27 =	vmax.f32 v27, v24  }
0x3d: {  	v30 =	vld.idx.msk [tilespmem:v4+s3+$0x0], $0xffff;
	v27 =	vmax.f32 v27, v25  }
0x3e: {  	v29 =	vld.idx.msk [tilespmem:v15+s3+$0x0], $0xffff;
	v33 =	vmax.f32 v27, v26  }
0x3f: {  	v27 =	vld.idx.msk [tilespmem:v16+s3+$0x0], $0xffff;
	v33 =	vmax.f32 v33, v28  }
0x40: {  	v33 =	vmax.f32 v33, v31  }
0x41: {  	v33 =	vmax.f32 v33, v32  }
0x42: {  	v33 =	vmax.f32 v33, v30  }
0x43: {  	v33 =	vmax.f32 v33, v29  }
0x44: {  	v33 =	vmax.f32 v33, v27  }
0x45: {  	v34 =	vsub.f32 v27, v33  }
0x46: {  	v35 =	vsub.f32 v17, v33  }
0x47: {  	v36 =	vsub.f32 v32, v33;
	v34 =	vmul.f32 $1.442695020e+00, v34  }
0x48: {  	v37 =	vsub.f32 v19, v33;
	v35 =	vmul.f32 $1.442695020e+00, v35  }
0x49: {  	v38 =	vsub.f32 v28, v33;
	v36 =	vmul.f32 $1.442695020e+00, v36;
	(erf) = vpow2.f32 v34  }
0x4a: {  	v50 =	vsub.f32 v31, v33;
	v37 =	vmul.f32 $1.442695020e+00, v37;
	(erf) = vpow2.f32 v35  }
0x4b: {  	v51 =	vsub.f32 v25, v33;
	v38 =	vmul.f32 $1.442695020e+00, v38;
	(erf) = vpow2.f32 v36  }
0x4c: {  	v52 =	vsub.f32 v18, v33;
	v34 =	vmul.f32 $1.442695020e+00, v50;
	(erf) = vpow2.f32 v37  }
0x4d: {  	v53 =	vsub.f32 v21, v33;
	v35 =	vmul.f32 $1.442695020e+00, v51;
	(erf) = vpow2.f32 v38  }
0x4e: {  	v54 =	vsub.f32 v30, v33;
	v36 =	vmul.f32 $1.442695020e+00, v52;
	(erf) = vpow2.f32 v34  }
0x4f: {  	v55 =	vsub.f32 v26, v33;
	v37 =	vmul.f32 $1.442695020e+00, v53;
	(erf) = vpow2.f32 v35  }
0x50: {  	v57 =	vsub.f32 v24, v33;
	v56 =	vmul.f32 $1.442695020e+00, v54;
	(erf) = vpow2.f32 v36  }
0x51: {  	v58 =	vsub.f32 v22, v33;
	v34 =	vmul.f32 $1.442695020e+00, v55;
	(erf) = vpow2.f32 v37  }
0x52: {  	v59 =	vsub.f32 v20, v33;
	v38 =	vmul.f32 $1.442695020e+00, v57;
	v39 =	vpop (erf);
	(erf) = vpow2.f32 v56  }
0x53: {  	v60 =	vsub.f32 v29, v33;
	v36 =	vmul.f32 $1.442695020e+00, v58;
	v40 =	vpop (erf);
	(erf) = vpow2.f32 v34  }
0x54: {  	v62 =	vsub.f32 v23, v33;
	v61 =	vmul.f32 $1.442695020e+00, v59;
	v41 =	vpop (erf);
	(erf) = vpow2.f32 v38  }
0x55: {  	v35 =	vmul.f32 $1.442695020e+00, v60;
	v63 =	vpop (erf);
	(erf) = vpow2.f32 v36  }
0x56: {  	v48 =	vmul.f32 $1.442695020e+00, v62;
	v49 =	vpop (erf);
	(erf) = vpow2.f32 v61  }
0x57: {  	v50 =	vpop (erf);
	(erf) = vpow2.f32 v35  }
0x58: {  	(erf) = vpow2.f32 v48;
	v51 =	vpop (erf)  }
0x59: {  	v52 =	vpop (erf)  }
0x5a: {  	v42 =	vpop (erf)  }
0x5b: {  	v43 =	vpop (erf)  }
0x5c: {  	v44 =	vpop (erf)  }
0x5d: {  	v45 =	vpop (erf)  }
0x5e: {  	v46 =	vpop (erf)  }
0x5f: {  	v34 =	vadd.f32 v50, v49;
	v36 =	vadd.f32 v52, v40;
	v53 =	vpop (erf)  }
0x60: {  	v54 =	vadd.f32 v43, v41;
	v35 =	vadd.f32 v44, v51;
	v55 =	vpop (erf)  }
0x61: {  	v42 =	vadd.f32 v46, v42;
	v37 =	vadd.f32 v53, v63;
	v56 =	vpop (erf)  }
0x62: {  	v39 =	vadd.f32 v39, v55;
	v38 =	vadd.f32 v45, v56  }
0x63: {  	v34 =	vadd.f32 v34, v35;
	v57 =	vadd.f32 v37, v36  }
0x64: {  	v58 =	vadd.f32 v39, v54;
	v59 =	vadd.f32 v38, v42;
	_ =	sdelay $0x1  }
0x65: {  	v34 =	vadd.f32 v58, v34;
	v35 =	vadd.f32 v59, v57;
	_ =	sdelay $0x1  }
0x66: {  	v34 =	vadd.f32 v34, v35;
	_ =	sdelay $0x1  }
0x67: {  	v35 =	vshrl.u32 v34, $0x17  }
0x68: {  	v35 =	vadd.s32 $0xFFFFFF81, v35  }
0x69: {  	v60 =	vand.u32 $0x7FFFFF, v34;
	v35 =	vcvt.s32.f32 v35  }
0x6a: {  	v36 =	vor.u32 $0x3F800000, v60  }
0x6b: {  	v35 =	vadd.f32 v36, v35;
	_ =	sdelay $0x1  }
0x6c: {  	v35 =	vadd.f32 $-1.000000000e+00, v35;
	_ =	sdelay $0x1  }
0x6d: {  	v35 =	vmul.f32 $6.931471820e-01, v35;
	_ =	sdelay $0x1  }
0x6e: {  	v61 =	vsub.f32 $0.0e+00, v35;
	_ =	sdelay $0x1  }
0x6f: {  	v36 =	vmul.f32 $1.442695020e+00, v61;
	_ =	sdelay $0x1  }
0x70: {  	(erf) = vpow2.f32 v36;
	_ =	sdelay $0x8  }
0x71: {  	v36 =	vpop (erf)  }
0x72: {  	v36 =	vmul.f32 v36, v34;
	_ =	sdelay $0x1  }
0x73: {  	v35 =	vadd.f32 v36, v35;
	_ =	sdelay $0x1  }
0x74: {  	v35 =	vadd.f32 $-1.000000000e+00, v35;
	_ =	sdelay $0x1  }
0x75: {  	v62 =	vsub.f32 $0.0e+00, v35;
	_ =	sdelay $0x1  }
0x76: {  	v36 =	vmul.f32 $1.442695020e+00, v62;
	_ =	sdelay $0x1  }
0x77: {  	(erf) = vpow2.f32 v36;
	_ =	sdelay $0x8  }
0x78: {  	v36 =	vpop (erf)  }
0x79: {  	v36 =	vmul.f32 v36, v34;
	_ =	sdelay $0x1  }
0x7a: {  	v35 =	vadd.f32 v36, v35;
	_ =	sdelay $0x1  }
0x7b: {  	v35 =	vadd.f32 $-1.000000000e+00, v35;
	_ =	sdelay $0x1  }
0x7c: {  	v63 =	vsub.f32 $0.0e+00, v35;
	_ =	sdelay $0x1  }
0x7d: {  	v36 =	vmul.f32 $1.442695020e+00, v63;
	_ =	sdelay $0x1  }
0x7e: {  	(erf) = vpow2.f32 v36;
	_ =	sdelay $0x8  }
0x7f: {  	v36 =	vpop (erf)  }
0x80: {  	v34 =	vmul.f32 v36, v34;
	_ =	sdelay $0x1  }
0x81: {  	v34 =	vadd.f32 v34, v35;
	_ =	sdelay $0x1  }
0x82: {  	v34 =	vadd.f32 $-1.000000000e+00, v34;
	_ =	sdelay $0x1  }
0x83: {  	s15 =	simm.s32 $0x10;
	v33 =	vadd.f32 v34, v33  }
.LBB2_4:
0x84: {  	_ = 	snop  }
0x85: {  	p1 =	sne.s32 s15, $0x130;
	s16 =	smov.u32 s15;
	s15 =	sadd.s32 $0x10, s15;
	v17 =	vsub.f32 v17, v33;
	v18 =	vsub.f32 v18, v33  }
0x86: {  	v19 =	vsub.f32 v19, v33  }
0x87: {  	[tilespmem:v12+s13+$0x0] =	vst.idx.msk $0xffff, v17;
	v12 =	vsub.f32 v20, v33  }
0x88: {  	[tilespmem:v13+s13+$0x0] =	vst.idx.msk $0xffff, v18;
	v13 =	vsub.f32 v21, v33  }
0x89: {  	[tilespmem:v14+s13+$0x0] =	vst.idx.msk $0xffff, v19;
	v14 =	vsub.f32 v22, v33  }
0x8a: {  	[tilespmem:v5+s13+$0x0] =	vst.idx.msk $0xffff, v12;
	v5 =	vsub.f32 v23, v33  }
0x8b: {  	[tilespmem:v6+s13+$0x0] =	vst.idx.msk $0xffff, v13;
	v6 =	vsub.f32 v24, v33  }
0x8c: {  	[tilespmem:v7+s13+$0x0] =	vst.idx.msk $0xffff, v14;
	v7 =	vsub.f32 v25, v33  }
0x8d: {  	[tilespmem:v8+s13+$0x0] =	vst.idx.msk $0xffff, v5;
	v5 =	vsub.f32 v26, v33  }
0x8e: {  	[tilespmem:v9+s13+$0x0] =	vst.idx.msk $0xffff, v6;
	v6 =	vsub.f32 v28, v33  }
0x8f: {  	[tilespmem:v10+s13+$0x0] =	vst.idx.msk $0xffff, v7;
	v7 =	vsub.f32 v31, v33  }
0x90: {  	[tilespmem:v11+s13+$0x0] =	vst.idx.msk $0xffff, v5;
	v5 =	vsub.f32 v32, v33  }
0x91: {  	v8 =	vmov s16;
	[tilespmem:v3+s13+$0x0] =	vst.idx.msk $0xffff, v6;
	v3 =	vsub.f32 v30, v33  }
0x92: {  	v6 =	vshll.u32 v8, $0x4;
	[tilespmem:v1+s13+$0x0] =	vst.idx.msk $0xffff, v7;
	v1 =	vsub.f32 v29, v33  }
0x93: {  	v12 =	vor.u32 v0, v6;
	[tilespmem:v2+s13+$0x0] =	vst.idx.msk $0xffff, v5;
	v2 =	vsub.f32 v27, v33  }
0x94: {  	v13 =	vor.u32 $0x1, v12;
	[tilespmem:v4+s13+$0x0] =	vst.idx.msk $0xffff, v3  }
0x95: {  	v14 =	vor.u32 $0x2, v12;
	[tilespmem:v15+s13+$0x0] =	vst.idx.msk $0xffff, v1  }
0x96: {  	v5 =	vor.u32 $0x3, v12;
	[tilespmem:v16+s13+$0x0] =	vst.idx.msk $0xffff, v2  }
0x97: {  	v6 =	vor.u32 $0x4, v12  }
0x98: {  	v7 =	vor.u32 $0x5, v12;
	v17 =	vld.idx.msk [tilespmem:v12+s3+$0x0], $0xffff  }
0x99: {  	v8 =	vor.u32 $0x6, v12;
	v18 =	vld.idx.msk [tilespmem:v13+s3+$0x0], $0xffff  }
0x9a: {  	v9 =	vor.u32 $0x7, v12;
	v19 =	vld.idx.msk [tilespmem:v14+s3+$0x0], $0xffff  }
0x9b: {  	v10 =	vor.u32 $0x8, v12;
	v20 =	vld.idx.msk [tilespmem:v5+s3+$0x0], $0xffff  }
0x9c: {  	v11 =	vor.u32 $0x9, v12;
	v21 =	vld.idx.msk [tilespmem:v6+s3+$0x0], $0xffff  }
0x9d: {  	v3 =	vor.u32 $0xA, v12;
	v22 =	vld.idx.msk [tilespmem:v7+s3+$0x0], $0xffff  }
0x9e: {  	v1 =	vor.u32 $0xB, v12;
	v23 =	vld.idx.msk [tilespmem:v8+s3+$0x0], $0xffff  }
0x9f: {  	v2 =	vor.u32 $0xC, v12;
	v15 =	vmax.f32 v17, v18;
	v24 =	vld.idx.msk [tilespmem:v9+s3+$0x0], $0xffff  }
0xa0: {  	v4 =	vor.u32 $0xD, v12;
	v16 =	vmax.f32 v15, v19;
	v25 =	vld.idx.msk [tilespmem:v10+s3+$0x0], $0xffff  }
0xa1: {  	v15 =	vor.u32 $0xE, v12;
	v27 =	vmax.f32 v16, v20;
	v26 =	vld.idx.msk [tilespmem:v11+s3+$0x0], $0xffff  }
0xa2: {  	v16 =	vor.u32 $0xF, v12;
	v27 =	vmax.f32 v27, v21;
	v28 =	vld.idx.msk [tilespmem:v3+s3+$0x0], $0xffff  }
0xa3: {  	v27 =	vmax.f32 v27, v22;
	v31 =	vld.idx.msk [tilespmem:v1+s3+$0x0], $0xffff  }
0xa4: {  	v27 =	vmax.f32 v27, v23;
	v32 =	vld.idx.msk [tilespmem:v2+s3+$0x0], $0xffff  }
0xa5: {  	v27 =	vmax.f32 v27, v24;
	v30 =	vld.idx.msk [tilespmem:v4+s3+$0x0], $0xffff  }
0xa6: {  	v33 =	vmax.f32 v27, v25;
	v29 =	vld.idx.msk [tilespmem:v15+s3+$0x0], $0xffff  }
0xa7: {  	v33 =	vmax.f32 v33, v26;
	v27 =	vld.idx.msk [tilespmem:v16+s3+$0x0], $0xffff  }
0xa8: {  	v33 =	vmax.f32 v33, v28  }
0xa9: {  	v33 =	vmax.f32 v33, v31  }
0xaa: {  	v33 =	vmax.f32 v33, v32  }
0xab: {  	v33 =	vmax.f32 v33, v30  }
0xac: {  	v33 =	vmax.f32 v33, v29  }
0xad: {  	v33 =	vmax.f32 v33, v27  }
0xae: {  	v34 =	vsub.f32 v17, v33;
	v35 =	vsub.f32 v27, v33  }
0xaf: {  	v36 =	vsub.f32 v19, v33;
	v37 =	vsub.f32 v32, v33  }
0xb0: {  	v38 =	vsub.f32 v31, v33;
	v34 =	vmul.f32 $1.442695020e+00, v34;
	v35 =	vmul.f32 $1.442695020e+00, v35  }
0xb1: {  	v39 =	vsub.f32 v28, v33;
	v36 =	vmul.f32 $1.442695020e+00, v36;
	v37 =	vmul.f32 $1.442695020e+00, v37  }
0xb2: {  	v40 =	vsub.f32 v25, v33;
	v38 =	vmul.f32 $1.442695020e+00, v38;
	(erf) = vpow2.f32 v35  }
0xb3: {  	v39 =	vmul.f32 $1.442695020e+00, v39;
	v35 =	vsub.f32 v18, v33;
	(erf) = vpow2.f32 v34  }
0xb4: {  	v34 =	vmul.f32 $1.442695020e+00, v40;
	v40 =	vsub.f32 v26, v33;
	(erf) = vpow2.f32 v37  }
0xb5: {  	v41 =	vsub.f32 v30, v33;
	v35 =	vmul.f32 $1.442695020e+00, v35;
	v37 =	vsub.f32 v20, v33  }
0xb6: {  	v42 =	vsub.f32 v29, v33;
	v40 =	vmul.f32 $1.442695020e+00, v40;
	(erf) = vpow2.f32 v36  }
0xb7: {  	v36 =	vmul.f32 $1.442695020e+00, v37;
	v37 =	vsub.f32 v21, v33;
	(erf) = vpow2.f32 v39  }
0xb8: {  	v41 =	vmul.f32 $1.442695020e+00, v41;
	v42 =	vmul.f32 $1.442695020e+00, v42;
	v39 =	vsub.f32 v22, v33  }
0xb9: {  	v44 =	vsub.f32 v23, v33;
	v37 =	vmul.f32 $1.442695020e+00, v37;
	(erf) = vpow2.f32 v38  }
0xba: {  	v38 =	vmul.f32 $1.442695020e+00, v39;
	v39 =	vsub.f32 v24, v33;
	(erf) = vpow2.f32 v34  }
0xbb: {  	v34 =	vmul.f32 $1.442695020e+00, v44;
	(erf) = vpow2.f32 v35;
	v35 =	vpop (erf)  }
0xbc: {  	v39 =	vmul.f32 $1.442695020e+00, v39;
	v43 =	vpop (erf);
	(erf) = vpow2.f32 v37  }
0xbd: {  	v37 =	vpop (erf);
	(erf) = vpow2.f32 v41  }
0xbe: {  	(erf) = vpow2.f32 v40  }
0xbf: {  	v40 =	vpop (erf);
	(erf) = vpow2.f32 v39  }
0xc0: {  	(erf) = vpow2.f32 v38;
	v38 =	vpop (erf)  }
0xc1: {  	(erf) = vpow2.f32 v36  }
0xc2: {  	v36 =	vpop (erf);
	(erf) = vpow2.f32 v42  }
0xc3: {  	v36 =	vadd.f32 v36, v38;
	(erf) = vpow2.f32 v34;
	v34 =	vpop (erf)  }
0xc4: {  	v38 =	vpop (erf)  }
0xc5: {  	v38 =	vadd.f32 v38, v43;
	v39 =	vpop (erf)  }
0xc6: {  	v41 =	vpop (erf)  }
0xc7: {  	v37 =	vadd.f32 v41, v37;
	v41 =	vpop (erf)  }
0xc8: {  	v34 =	vadd.f32 v41, v34;
	v41 =	vpop (erf)  }
0xc9: {  	v42 =	vpop (erf)  }
0xca: {  	v39 =	vadd.f32 v42, v39;
	v42 =	vpop (erf)  }
0xcb: {  	v34 =	vadd.f32 v36, v34;
	v40 =	vadd.f32 v42, v40;
	v36 =	vpop (erf)  }
0xcc: {  	v35 =	vadd.f32 v35, v36;
	v36 =	vpop (erf)  }
0xcd: {  	v36 =	vadd.f32 v41, v36;
	v38 =	vadd.f32 v40, v38  }
0xce: {  	v35 =	vadd.f32 v35, v37  }
0xcf: {  	v36 =	vadd.f32 v36, v39  }
0xd0: {  	v34 =	vadd.f32 v35, v34  }
0xd1: {  	v35 =	vadd.f32 v36, v38;
	_ =	sdelay $0x1  }
0xd2: {  	v34 =	vadd.f32 v34, v35;
	_ =	sdelay $0x1  }
0xd3: {  	v35 =	vshrl.u32 v34, $0x17;
	v36 =	vand.u32 $0x7FFFFF, v34  }
0xd4: {  	v35 =	vadd.s32 $0xFFFFFF81, v35  }
0xd5: {  	v36 =	vor.u32 $0x3F800000, v36;
	v35 =	vcvt.s32.f32 v35;
	_ =	sdelay $0x1  }
0xd6: {  	v35 =	vadd.f32 v36, v35;
	_ =	sdelay $0x1  }
0xd7: {  	v35 =	vadd.f32 $-1.000000000e+00, v35;
	_ =	sdelay $0x1  }
0xd8: {  	v35 =	vmul.f32 $6.931471820e-01, v35;
	_ =	sdelay $0x1  }
0xd9: {  	v36 =	vsub.f32 $0.0e+00, v35;
	_ =	sdelay $0x1  }
0xda: {  	v36 =	vmul.f32 $1.442695020e+00, v36;
	_ =	sdelay $0x1  }
0xdb: {  	(erf) = vpow2.f32 v36;
	_ =	sdelay $0x8  }
0xdc: {  	v36 =	vpop (erf)  }
0xdd: {  	v36 =	vmul.f32 v36, v34;
	_ =	sdelay $0x1  }
0xde: {  	v35 =	vadd.f32 v36, v35;
	_ =	sdelay $0x1  }
0xdf: {  	v35 =	vadd.f32 $-1.000000000e+00, v35;
	_ =	sdelay $0x1  }
0xe0: {  	v36 =	vsub.f32 $0.0e+00, v35;
	_ =	sdelay $0x1  }
0xe1: {  	v36 =	vmul.f32 $1.442695020e+00, v36;
	_ =	sdelay $0x1  }
0xe2: {  	(erf) = vpow2.f32 v36;
	_ =	sdelay $0x8  }
0xe3: {  	v36 =	vpop (erf)  }
0xe4: {  	v36 =	vmul.f32 v36, v34;
	_ =	sdelay $0x1  }
0xe5: {  	v35 =	vadd.f32 v36, v35;
	_ =	sdelay $0x1  }
0xe6: {  	v35 =	vadd.f32 $-1.000000000e+00, v35;
	_ =	sdelay $0x1  }
0xe7: {  	v36 =	vsub.f32 $0.0e+00, v35;
	_ =	sdelay $0x1  }
0xe8: {  	v36 =	vmul.f32 $1.442695020e+00, v36;
	_ =	sdelay $0x1  }
0xe9: {  	(erf) = vpow2.f32 v36;
	_ =	sdelay $0x8  }
0xea: {  	v36 =	vpop (erf)  }
0xeb: {  	v34 =	vmul.f32 v36, v34;
	_ =	sdelay $0x1  }
.Ltmp1:
0xec: {  	v34 =	vadd.f32 v34, v35;
	(pc) =	sbr.rel @p1 .LBB2_4-.Ltmp1, $3  }
0xed: {  	_ = 	snop  }
0xee: {  	v34 =	vadd.f32 $-1.000000000e+00, v34;
	_ =	sdelay $0x1  }
0xef: {  	v33 =	vadd.f32 v34, v33  }
0xf0: {  	_ =	sdelay $0x1  }
0xf1: {  	v17 =	vsub.f32 v17, v33  }
0xf2: {  	v18 =	vsub.f32 v18, v33  }
0xf3: {  	v19 =	vsub.f32 v19, v33;
	[tilespmem:v12+s13+$0x0] =	vst.idx.msk $0xffff, v17  }
0xf4: {  	v54 =	vsub.f32 v20, v33;
	[tilespmem:v13+s13+$0x0] =	vst.idx.msk $0xffff, v18  }
0xf5: {  	v55 =	vsub.f32 v21, v33;
	[tilespmem:v14+s13+$0x0] =	vst.idx.msk $0xffff, v19  }
0xf6: {  	v56 =	vsub.f32 v22, v33;
	[tilespmem:v5+s13+$0x0] =	vst.idx.msk $0xffff, v54  }
0xf7: {  	v57 =	vsub.f32 v23, v33;
	[tilespmem:v6+s13+$0x0] =	vst.idx.msk $0xffff, v55  }
0xf8: {  	v58 =	vsub.f32 v24, v33;
	[tilespmem:v7+s13+$0x0] =	vst.idx.msk $0xffff, v56  }
0xf9: {  	v59 =	vsub.f32 v25, v33;
	[tilespmem:v8+s13+$0x0] =	vst.idx.msk $0xffff, v57  }
0xfa: {  	v60 =	vsub.f32 v26, v33;
	[tilespmem:v9+s13+$0x0] =	vst.idx.msk $0xffff, v58  }
0xfb: {  	v61 =	vsub.f32 v28, v33;
	[tilespmem:v10+s13+$0x0] =	vst.idx.msk $0xffff, v59  }
0xfc: {  	v62 =	vsub.f32 v31, v33;
	[tilespmem:v11+s13+$0x0] =	vst.idx.msk $0xffff, v60  }
0xfd: {  	v63 =	vsub.f32 v32, v33;
	[tilespmem:v3+s13+$0x0] =	vst.idx.msk $0xffff, v61  }
0xfe: {  	v3 =	vsub.f32 v30, v33;
	[tilespmem:v1+s13+$0x0] =	vst.idx.msk $0xffff, v62  }
0xff: {  	v1 =	vsub.f32 v29, v33;
	[tilespmem:v2+s13+$0x0] =	vst.idx.msk $0xffff, v63  }
0x100: {  	v2 =	vsub.f32 v27, v33;
	[tilespmem:v4+s13+$0x0] =	vst.idx.msk $0xffff, v3  }
0x101: {  	[tilespmem:v15+s13+$0x0] =	vst.idx.msk $0xffff, v1  }
0x102: {  	s15 =	simm.s32 @p0 $0x0;
	s16 =	simm.s32 @p0 $0x3C00;
	[tilespmem:v16+s13+$0x0] =	vst.idx.msk $0xffff, v2  }
0x103: {  	[hbm4b:s7+s15] =	stream.linear.scatter @p0 [tilespmem:s16], [sflag:$0x1], $0x500, $0x38;
	[tilespmem:$0x5010] =	vst v63  }
0x104: {  	s15 =	simm.s32 @p0 $0x1  }
0x105: {  	s14 =	sadd.s32 $0x1, s14;
	_ =	swait.ge @p0 [sflag:s15], $0x500  }
0x106: {  	p1 =	sne.s32 s14, s8;
	[sflag:s15] =	ssyncset.done @p0 $0x0  }
0x107: {  	s16 =	simm.s32 @!p0 $0x3C00;
	[sflag:s15] =	ssyncadd.s32 @p0 $0xFFFFFB00;
	s15 =	simm.s32 @!p0 $0x0  }
0x108: {  	[hbm4b:s7+s15] =	stream.linear.scatter @!p0 [tilespmem:s16], [sflag:$0x1], $0x1400, $0x38;
	[tilespmem:$0x5010] =	vst v63  }
.Ltmp2:
0x109: {  	_ = 	snop;
	(pc) =	sbr.rel @p1 .LBB2_1-.Ltmp2, $4  }
0x10a: {  	s15 =	simm.s32 @!p0 $0x1  }
0x10b: {  	_ =	swait.ge @!p0 [sflag:s15], $0x1400  }
0x10c: {  	[sflag:s15] =	ssyncset.done @!p0 $0x0  }
0x10d: {  	[sflag:s15] =	ssyncadd.s32 @!p0 $0xFFFFEC00  }
0x10e: {  	_ =	sfence.sel $0x180000  }
0x10f: {  	[bflag:$0x0] =	sbarrier.arrive $0xFFFF  }
0x110: {  	p0 =	sne.s32 s0, $0x0;
	_ =	strace $0x90000050  }
0x111: {  	s0 =	sadd.s32 @!p0 $0x100000, s1;
	[bflag:$0x2] =	sbarrier.arrive $0xFFFF  }
0x112: {  	[sflag:s0] =	ssyncadd.tile.s32 @!p0 $0x1;
	_ =	shalt  }
.Lfunc_end2:
_tile_overlayer_lowered:
.L_overlay_start_2:
0x113: {  	(tag) =	ssettag $0x2  }
0x114: {  	s0 =	rddreg [dreg:$0x0];
	s2 =	stileid.u32  }
0x115: {  	s1 =	rddreg [dreg:$0x1];
	p0 =	sne.s32 s2, $0x0  }
0x116: {  	s3 =	rddreg [dreg:$0x2];
	[bflag:$0x3] =	sbarrier.arrive $0xFFFF;
	s2 =	simm.s32 @!p0 $0x1C01  }
0x117: {  	[timem:s3], [sflag:s2] =	dma.local @!p0 [hbm:s0], s1  }
0x118: {  	s0 =	simm.s32 @!p0 $0x1  }
0x119: {  	_ =	swait.ge @!p0 [sflag:s0], s1  }
0x11a: {  	s1 =	ssub.s32 @!p0 $0x0, s1;
	[sflag:s0] =	ssyncset.done @!p0 $0x0  }
0x11b: {  	[sflag:s0] =	ssyncadd.s32 @!p0 s1  }
0x11c: {  	[bflag:$0x3] =	sbarrier.arrive $0xFFFF  }
0x11d: {  	_ =	shalt  }

// kernel: kernel.7.cloned.1.call-start
scs
__scs_entry_jumppad:
0x0: {  	(pc) =	sbr.rel $0x88, $3  }
0x1: {  	(tag) =	ssettag $0x0;
	lr =	simm.s32 $0x1  }
0x2: {  	[smem:$0x3F9B] =	sst lr;
	_ =	strace $0xD0000000  }
0x3: {  	_ = 	snop  }
0x4: {  	_ = 	snop  }
0x5: {  	_ = 	snop  }
0x6: {  	_ = 	snop  }
0x7: {  	_ = 	snop  }
__scs_overlays_trampoline_lowered:
0x8: {  	[smem:$0x3FAA] =	sst s0  }
0x9: {  	[smem:$0x3FAB] =	sst s1  }
0xa: {  	[smem:$0x3FAC] =	sst s2  }
0xb: {  	[smem:$0x3FAD] =	sst s3  }
0xc: {  	[smem:$0x3FAE] =	sst s4  }
0xd: {  	[smem:$0x3FAF] =	sst s5  }
0xe: {  	[smem:$0x3FB0] =	sst s6  }
0xf: {  	[smem:$0x3FB1] =	sst s7  }
0x10: {  	[smem:$0x3FB2] =	sst s8  }
0x11: {  	[smem:$0x3FB3] =	sst s9;
	s0 =	simm.s32 @!p0 $0x0  }
0x12: {  	s1 =	sld [smem:$0x3F99];
	s0 =	simm.s32 @p0 $0x1  }
0x13: {  	[smem:$0x3FB4] =	sst s0;
	s0 =	simm.s32 @!p1 $0x0  }
0x14: {  	s2 =	sld [smem:$0x3F98];
	s0 =	simm.s32 @p1 $0x1  }
0x15: {  	[smem:$0x3FB5] =	sst s0;
	s0 =	simm.s32 @!p2 $0x0  }
0x16: {  	s3 =	sld [smem:$0x3FDB];
	s0 =	simm.s32 @p2 $0x1  }
0x17: {  	s4 =	simm.s32 $0x1BF5;
	[smem:$0x3FB7] =	sst s0  }
0x18: {  	s0 =	sld [smem:$0x3F9A];
	_ =	swait.ge [sflag:s4], $0x0  }
0x19: {  	s7 =	sld [smem:$0x3F9B]  }
0x1a: {  	s8 =	sadd.s32 $0xFFFFE003, lr  }
0x1b: {  	s9 =	sadd.s32 $0xFFFFFEF7, lr;
	s5 =	simm.s32 $0xFFFFFFFF;
	p2 =	slt.u32 s8, $0xFFFFF086  }
0x1c: {  	p1 =	slt.u32 s9, $0xF7A;
	s5 =	simm.s32 @!p2 $0x0  }
0x1d: {  	s5 =	simm.s32 @p1 $0x1;
	p0 =	seq.s32 s7, s2  }
0x1e: {  	s7 =	smul.u32 @!p0 $0xF7A, s2;
	p2 =	seq.s32 @!p0 s5, $0x0  }
0x1f: {  	s9 =	smul.u32 $0xF7A, s1;
	s8 =	simm.s32 @!p0 $0x1BF5;
	p2 =	por !p2, p0  }
0x20: {  	[sflag:s8] =	ssyncset.s32 @!p0 $0xFFFFF086;
	s6 =	sadd.s32 @!p0 s3, s7;
	s7 =	simm.s32 @!p0 $0x108  }
0x21: {  	s3 =	sadd.s32 s3, s9;
	s6 =	sadd.s32 @!p0 $0x88, s6;
	s7 =	simm.s32 @p2 $0x1082  }
0x22: {  	[simem:s7], [sflag:s8] =	dma.local @!p0 [hbm:s6], $0xF7A  }
0x23: {  	s9 =	sor.u32 $0xD0000000, s2;
	s6 =	simm.s32 $0x108;
	_ =	swait.ge @!p0 [sflag:s8], $0x0  }
0x24: {  	s3 =	sadd.s32 $0x88, s3;
	s6 =	simm.s32 @!p1 $0x1082;
	[sflag:s4] =	ssyncset.s32 $0xFFFFF086  }
0x25: {  	[simem:s6], [sflag:s4] =	dma.local [hbm:s3], $0xF7A  }
0x26: {  	[smem:$0x3F9B] =	sst s1;
	(tag) =	ssettag s2;
	_ =	strace s9  }
0x27: {  	s1 =	sld [smem:$0x3FAB]  }
0x28: {  	s2 =	sld [smem:$0x3FAC]  }
0x29: {  	s4 =	sld [smem:$0x3FAE]  }
0x2a: {  	p0 =	seq.s32 s5, $0x0;
	s5 =	sld [smem:$0x3FAF]  }
0x2b: {  	s6 =	sld [smem:$0x3FB0]  }
0x2c: {  	s7 =	sld [smem:$0x3FB1]  }
0x2d: {  	s3 =	simm.s32 $0x108;
	s8 =	sld [smem:$0x3FB2]  }
0x2e: {  	s3 =	simm.s32 @!p0 $0x1082;
	s9 =	sld [smem:$0x3FB3]  }
0x2f: {  	lr =	sadd.s32 s0, s3;
	s0 =	sld [smem:$0x3FAA]  }
0x30: {  	s3 =	sld [smem:$0x3FAD]  }
0x31: {  	[smem:$0x3FB6] =	sst s10  }
0x32: {  	s10 =	sld [smem:$0x3FB4];
	_ =	sdelay $0x3  }
0x33: {  	p0 =	seq.s32 s10, $0x1;
	s10 =	sld [smem:$0x3FB6];
	_ =	sdelay $0x3  }
0x34: {  	[smem:$0x3FB6] =	sst s10  }
0x35: {  	s10 =	sld [smem:$0x3FB5];
	_ =	sdelay $0x3  }
0x36: {  	p1 =	seq.s32 s10, $0x1;
	s10 =	sld [smem:$0x3FB6];
	_ =	sdelay $0x3  }
0x37: {  	[smem:$0x3FB6] =	sst s10  }
0x38: {  	s10 =	sld [smem:$0x3FB7]  }
0x39: {  	_ = 	snop;
	(pc) =	sbr.ind lr, $3  }
0x3a: {  	_ = 	snop  }
0x3b: {  	_ = 	snop  }
0x3c: {  	p2 =	seq.s32 s10, $0x1;
	s10 =	sld [smem:$0x3FB6]  }
0x3d: {  	_ =	shalt  }
0x3e: {  	_ =	shalt  }
0x3f: {  	_ =	shalt  }
0x40: {  	_ =	shalt  }
0x41: {  	_ =	shalt  }
0x42: {  	_ =	shalt  }
0x43: {  	_ =	shalt  }
0x44: {  	_ =	shalt  }
0x45: {  	_ =	shalt  }
0x46: {  	_ =	shalt  }
0x47: {  	_ =	shalt  }
0x48: {  	_ =	shalt  }
0x49: {  	_ =	shalt  }
0x4a: {  	_ =	shalt  }
0x4b: {  	_ =	shalt  }
0x4c: {  	_ =	shalt  }
0x4d: {  	_ =	shalt  }
0x4e: {  	_ =	shalt  }
0x4f: {  	_ =	shalt  }
0x50: {  	_ =	shalt  }
0x51: {  	_ =	shalt  }
0x52: {  	_ =	shalt  }
0x53: {  	_ =	shalt  }
0x54: {  	_ =	shalt  }
0x55: {  	_ =	shalt  }
0x56: {  	_ =	shalt  }
0x57: {  	_ =	shalt  }
0x58: {  	_ =	shalt  }
0x59: {  	_ =	shalt  }
0x5a: {  	_ =	shalt  }
0x5b: {  	_ =	shalt  }
0x5c: {  	_ =	shalt  }
0x5d: {  	_ =	shalt  }
0x5e: {  	_ =	shalt  }
0x5f: {  	_ =	shalt  }
0x60: {  	_ =	shalt  }
0x61: {  	_ =	shalt  }
0x62: {  	_ =	shalt  }
0x63: {  	_ =	shalt  }
0x64: {  	_ =	shalt  }
0x65: {  	_ =	shalt  }
0x66: {  	_ =	shalt  }
0x67: {  	_ =	shalt  }
0x68: {  	_ =	shalt  }
0x69: {  	_ =	shalt  }
0x6a: {  	_ =	shalt  }
0x6b: {  	_ =	shalt  }
0x6c: {  	_ =	shalt  }
0x6d: {  	_ =	shalt  }
0x6e: {  	_ =	shalt  }
0x6f: {  	_ =	shalt  }
0x70: {  	_ =	shalt  }
0x71: {  	_ =	shalt  }
0x72: {  	_ =	shalt  }
0x73: {  	_ =	shalt  }
0x74: {  	_ =	shalt  }
0x75: {  	_ =	shalt  }
0x76: {  	_ =	shalt  }
0x77: {  	_ =	shalt  }
0x78: {  	_ =	shalt  }
0x79: {  	_ =	shalt  }
0x7a: {  	_ =	shalt  }
0x7b: {  	_ =	shalt  }
0x7c: {  	_ =	shalt  }
0x7d: {  	_ =	shalt  }
0x7e: {  	_ =	shalt  }
0x7f: {  	_ =	shalt  }
0x80: {  	_ =	shalt  }
0x81: {  	_ =	shalt  }
0x82: {  	_ =	shalt  }
0x83: {  	_ =	shalt  }
0x84: {  	_ =	shalt  }
0x85: {  	_ =	shalt  }
0x86: {  	_ =	shalt  }
0x87: {  	_ =	shalt  }
.Lfunc_end0:
.L_simem_size_0:
called_computation_lowered:
.L_overlay_start_0:
0x88: {  	s2 =	sld [smem:$0x3FD9]  }
0x89: {  	s3 =	sld [smem:$0x3FFE];
	_ =	sdelay $0x1  }
0x8a: {  	s1 =	srdreg.scid  }
0x8b: {  	s0 =	sand.u32 $0x1, s1  }
0x8c: {  	s17 =	sshll.u32 s0, $0xA;
	s2 =	sadd.s32 s3, s2  }
0x8d: {  	s2 =	sadd.s32 s2, s17  }
0x8e: {  	[smem:$0x3FC2] =	sst s2  }
0x8f: {  	_ = 	snop  }
0x90: {  	s2 =	sld [smem:$0x3FD0];
	(tm) =	ssettm $0x1  }
0x91: {  	s18 =	sld [smem:$0x3FFB];
	_ =	sdelay $0x3  }
0x92: {  	_ =	strace s18  }
0x93: {  	s3 =	sld [smem:$0x3FFC];
	_ =	sdelay $0x3  }
0x94: {  	_ =	strace s3  }
0x95: {  	s3 =	sld [smem:$0x3FFD];
	_ =	sdelay $0x3  }
0x96: {  	_ =	strace s3  }
0x97: {  	_ =	strace $0x8FFFFFFF  }
0x98: {  	s19 =	sld [smem:$0x3FDB];
	_ =	sdelay $0x1  }
0x99: {  	s4 =	simm.s32 $_scs_section_size  }
0x9a: {  	s5 =	simm.s32 $_size__tile_overlayer_lowered;
	s6 =	simm.s32 $_tile_overlayer_lowered  }
0x9b: {  	s22 =	simm.s32 $0x1BFF;
	s21 =	sshll.u32 s6, $0x1;
	s3 =	sadd.s32 s4, s19  }
0x9c: {  	s7 =	simm.s32 $0x0;
	s20 =	sshll.u32 s5, $0x1;
	s5 =	sadd.s32 s21, s3  }
0x9d: {  	[timem:s7], [sflag:s22] =	dma.local [hbm:s5], s20  }
0x9e: {  	_ =	swait.ge [sflag:s22], s20  }
0x9f: {  	s4 =	ssub.s32 $0x0, s20;
	[sflag:s22] =	ssyncset.done $0x0  }
0xa0: {  	[sflag:s22] =	ssyncadd.s32 s4;
	_ =	sdelay $0x1  }
0xa1: {  	s23 =	simm.s32 $0x1B8B  }
0xa2: {  	_ =	swait.ge [sflag:s23], $0x1  }
0xa3: {  	[sflag:s23] =	ssyncset.done $0x0  }
0xa4: {  	s25 =	simm.s32 $0x1B8E;
	s24 =	sld [smem:$0x3FFE];
	[sflag:s23] =	ssyncadd.s32 $0xFFFFFFFF  }
0xa5: {  	s26 =	simm.s32 $execute0_lowered;
	[smem:$0x3FD2] =	sst s25  }
0xa6: {  	s5 =	sshll.u32 s26, $0x1;
	_ =	strace $0x80000046;
	[dreg:$0x1] =	wrdreg $0xFFFFFFFF  }
0xa7: {  	s28 =	simm.s32 $_size_execute0_lowered;
	s3 =	sadd.s32 s3, s5;
	[dreg:$0x0] =	wrdreg $0x0  }
0xa8: {  	s5 =	sshll.u32 s28, $0x1;
	[dreg:$0x2] =	wrdreg s3  }
0xa9: {  	[dreg:$0x3] =	wrdreg s5  }
0xaa: {  	[dreg:$0x4] =	wrdreg $0xC0  }
0xab: {  	_ =	task [dreg:s7], $0x5FFFF  }
0xac: {  	[dreg:$0x1] =	wrdreg $0xFFFFFFFF  }
0xad: {  	[dreg:$0x0] =	wrdreg $0x60  }
0xae: {  	[dreg:$0x2] =	wrdreg s24  }
0xaf: {  	[dreg:$0x3] =	wrdreg s2  }
0xb0: {  	[dreg:$0x4] =	wrdreg $0x28800  }
0xb1: {  	[dreg:$0x5] =	wrdreg $0x9  }
0xb2: {  	_ =	task.clear_ibuf [dreg:s7], $0x6FFFF;
	_ =	strace $0x90000046  }
0xb3: {  	s29 =	simm.s32 $0x9;
	_ =	strace $0x80000048  }
0xb4: {  	_ =	swait.ge [sflag:s29], $0x1  }
0xb5: {  	[sflag:s29] =	ssyncadd.s32 $0xFFFFFFFF  }
0xb6: {  	_ =	strace $0x90000048  }
0xb7: {  	_ =	sfence  }
0xb8: {  	s30 =	sld [smem:$0x0];
	_ =	sdelay $0x2  }
0xb9: {  	s31 =	sshll.u32 s1, $0xD;
	s1 =	sshrl.u32 s1, $0x2  }
0xba: {  	s3 =	sand.u32 $0x4000, s31;
	s1 =	sadd.s32 s1, s30  }
0xbb: {  	s0 =	sor.u32 s3, s0;
	s1 =	sshll.u32 s1, $0x11  }
0xbc: {  	s0 =	sor.u32 s1, s0  }
0xbd: {  	s0 =	sadd.s32 $0x8F2B, s0  }
0xbe: {  	[sflag:s0] =	ssyncadd.remote.s32 $0x1  }
0xbf: {  	_ =	sfence.sel $0xFFFF  }
0xc0: {  	[dreg:$0x0] =	wrdreg $0xFFFFFFFF;
	(pc) =	sbr.abs _section_cstart, $3  }
0xc1: {  	[dreg:$0x1] =	wrdreg $0xFFFFFFFF  }
0xc2: {  	_ =	task.clear_ibuf [dreg:s7], $0x2FFFF;
	_ =	strace $0x9FFFFFFF  }
0xc3: {  	(tm) =	ssettm $0x7FFFFFFF  }
tec
execute0_lowered:
.L_overlay_start_1:
0x0: {  	(tag) =	ssettag $0x1  }
0x1: {  	s3 =	rddreg [dreg:$0x0]  }
0x2: {  	s5 =	rddreg [dreg:$0x1]  }
0x3: {  	s0 =	srdreg.scid;
	s6 =	stileid.u32  }
0x4: {  	s1 =	rddreg [dreg:$0x2];
	s2 =	simm.s32 $0x0;
	s11 =	simm.s32 $0x0  }
0x5: {  	s4 =	sand.u32 $0x1, s0;
	s7 =	sshll.u32 s6, $0x1;
	s0 =	rddreg [dreg:$0x3]  }
0x6: {  	[smem:$0x7FF] =	sst s2;
	p0 =	sne.s32 s6, $0x0;
	s8 =	ssub.s32 $0x2, s4  }
0x7: {  	s7 =	sor.u32 s4, s7;
	s10 =	smul.u32 $0x500, s4;
	s9 =	sshrl.u32 s8, $0x1  }
0x8: {  	_ =	strace $0x80000047;
	s7 =	smul.u32 $0x500, s7;
	s31 =	ssub.s32 s8, s9  }
0x9: {  	s5 =	sadd.s32 s5, s10;
	s8 =	simm.s32 $0x1;
	s9 =	simm.s32 $0x80  }
0xa: {  	s10 =	simm.s32 $0x2800;
	s30 =	sadd.s32 s7, s3;
	s3 =	sadd.s32 $0x16200, s3  }
0xb: {  	v0 =	vimm.f32 $1.000000000e+00;
	s6 =	smax.u32 s31, $0x1;
	s7 =	sshrl.u32 @!p0 s1, $0x3;
	s4 =	sadd.s32 $0xC200, s30  }
.LBB2_1:
0xc: {  	s12 =	simm.s32 @!p0 $0x1C01  }
0xd: {  	[spmem:s7], [sflag:s12] =	dma.local @!p0 [hbm:s3], $0x500  }
0xe: {  	s12 =	simm.s32 @!p0 $0x1  }
0xf: {  	_ =	swait.ge @!p0 [sflag:s12], $0x500  }
0x10: {  	[sflag:s12] =	ssyncset.done @!p0 $0x0  }
0x11: {  	[sflag:s12] =	ssyncadd.s32 @!p0 $0xFFFFFB00  }
0x12: {  	[tilespmem:$0x2800] =	vst v0  }
0x13: {  	[tilespmem:$0x2810] =	vst v0  }
0x14: {  	[tilespmem:$0x2820] =	vst v0  }
0x15: {  	[tilespmem:$0x2830] =	vst v0  }
0x16: {  	[tilespmem:$0x2840] =	vst v0  }
0x17: {  	[tilespmem:$0x2850] =	vst v0  }
0x18: {  	[tilespmem:$0x2860] =	vst v0  }
0x19: {  	[tilespmem:$0x2870] =	vst v0  }
0x1a: {  	[tilespmem:s2], [sflag:$0x1] =	stream.linear.gather [hbm4b:s4+s2], $0x2800, $0x38;
	[tilespmem:$0x2B00] =	vst v63  }
0x1b: {  	_ =	swait.ge [sflag:s8], $0x2800  }
0x1c: {  	[sflag:s8] =	ssyncset.done $0x0  }
0x1d: {  	[sflag:s8] =	ssyncadd.s32 $0xFFFFD800  }
0x1e: {  	s31 =	simm.s32 $0x0;
	[bflag:$0x0] =	sbarrier.arrive $0xFFFF  }
0x1f: {  	[spmem:s1] =	stream.indirect.scatter.add.f32 [tilespmem:s10], [sflag:$0x1], $0x1, s31, s9, $0xb8;
	[tilespmem:$0x2B00] =	vst v63  }
0x20: {  	_ =	swait.ge [sflag:s8], $0x80  }
0x21: {  	s12 =	simm.s32 $0x200;
	[sflag:s8] =	ssyncset.done $0x0  }
.LBB2_2:
0x22: {  	s13 =	sshra.s32 s12, $0x2;
	[sflag:s8] =	ssyncadd.s32 $0xFFFFFF80;
	p1 =	sne.s32 s12, $0x9E00  }
0x23: {  	[spmem:s1] =	stream.indirect.scatter.add.f32 [tilespmem:s10], [sflag:$0x1], $0x1, s13, s9, $0xb8;
	[tilespmem:$0x2B00] =	vst v63  }
.Ltmp0:
0x24: {  	_ = 	snop;
	(pc) =	sbr.rel @p1 .LBB2_2-.Ltmp0, $4  }
0x25: {  	_ = 	snop  }
0x26: {  	s12 =	sadd.s32 $0x200, s12  }
0x27: {  	_ =	swait.ge [sflag:s8], $0x80  }
0x28: {  	[sflag:s8] =	ssyncset.done $0x0  }
0x29: {  	[sflag:s8] =	ssyncadd.s32 $0xFFFFFF80;
	s11 =	sadd.s32 $0x1, s11  }
0x2a: {  	s12 =	simm.s32 @!p0 $0x1C01;
	[bflag:$0x0] =	sbarrier.arrive $0xFFFF;
	p1 =	sne.s32 s11, s6  }
0x2b: {  	[hbm:s5], [sflag:s12] =	dma.local @!p0 [spmem:s7], $0x500  }
.Ltmp1:
0x2c: {  	_ = 	snop;
	(pc) =	sbr.rel @p1 .LBB2_1-.Ltmp1, $4  }
0x2d: {  	s12 =	simm.s32 @!p0 $0x1  }
0x2e: {  	_ =	swait.ge @!p0 [sflag:s12], $0x500  }
0x2f: {  	[sflag:s12] =	ssyncset.done @!p0 $0x0  }
0x30: {  	[sflag:s12] =	ssyncadd.s32 @!p0 $0xFFFFFB00  }
0x31: {  	_ =	sfence.sel $0x180000  }
0x32: {  	[bflag:$0x0] =	sbarrier.arrive $0xFFFF  }
0x33: {  	_ =	strace $0x90000047  }
0x34: {  	s0 =	sadd.s32 @!p0 $0x100000, s0;
	[bflag:$0x2] =	sbarrier.arrive $0xFFFF  }
0x35: {  	[sflag:s0] =	ssyncadd.tile.s32 @!p0 $0x1;
	_ =	shalt  }
.Lfunc_end2:
_tile_overlayer_lowered:
.L_overlay_start_2:
0x36: {  	(tag) =	ssettag $0x2  }
0x37: {  	s0 =	rddreg [dreg:$0x0];
	s2 =	stileid.u32  }
0x38: {  	s1 =	rddreg [dreg:$0x1];
	p0 =	sne.s32 s2, $0x0  }
0x39: {  	s3 =	rddreg [dreg:$0x2];
	[bflag:$0x3] =	sbarrier.arrive $0xFFFF;
	s2 =	simm.s32 @!p0 $0x1C01  }
0x3a: {  	[timem:s3], [sflag:s2] =	dma.local @!p0 [hbm:s0], s1  }
0x3b: {  	s0 =	simm.s32 @!p0 $0x1  }
0x3c: {  	_ =	swait.ge @!p0 [sflag:s0], s1  }
0x3d: {  	s1 =	ssub.s32 @!p0 $0x0, s1;
	[sflag:s0] =	ssyncset.done @!p0 $0x0  }
0x3e: {  	[sflag:s0] =	ssyncadd.s32 @!p0 s1  }
0x3f: {  	[bflag:$0x3] =	sbarrier.arrive $0xFFFF  }
0x40: {  	_ =	shalt  }

</sc_bundles>
